<compile_context>
chip_gen: v7x
topology: tpu7x:2x2x1
jax: 0.10.2.dev20260603
libtpu: 0.0.44.dev20260713+nightly
codegen_flags: <defaults>
</compile_context>

<pallas_src>
import functools

import jax
import jax.numpy as jnp
from jax import lax
from jax.experimental import pallas as pl
from jax.experimental.pallas import tpu as pltpu
from jax.experimental.pallas import tpu_sc as plsc

_N = 10000
_E = 320000
_D = 128
_G = 64
_C = 32

_NP = 10240
_K = 80
_NW = 32
_EPW = _E // _NW
_CH = _EPW // _K
_RPS = _NP // 16

_R = 2000
_GRID = _N // _R

_HIGH = lax.Precision.HIGHEST


def _dot(a, b):
    return lax.dot_general(a, b, (((1,), (0,)), ((), ())), precision=_HIGH)


def _dot_t(a, b):
    return lax.dot_general(a, b, (((0,), (0,)), ((), ())), precision=_HIGH)



def _sc_mesh():
    return plsc.VectorSubcoreMesh(core_axis_name="c", subcore_axis_name="s")


def _deg_body(dst_hbm, zeros_hbm, ones_hbm, out_hbm, idx_d, ones_v, acc):
    c = lax.axis_index("c")
    s = lax.axis_index("s")
    w = c * 16 + s
    r0 = s * _RPS
    pltpu.sync_copy(ones_hbm, ones_v)
    pltpu.sync_copy(zeros_hbm.at[pl.ds(r0, _RPS)], acc.at[pl.ds(r0, _RPS)])
    pltpu.sync_copy(dst_hbm.at[w], idx_d)
    plsc.subcore_barrier()

    def chunk(j, carry):
        pltpu.sync_copy(ones_v, acc.at[idx_d.at[j]], add=True)
        return carry

    lax.fori_loop(0, _CH, chunk, 0)
    plsc.subcore_barrier()
    pltpu.sync_copy(acc.at[pl.ds(r0, _RPS)], out_hbm.at[c, pl.ds(r0, _RPS)])


def _deg_call(dst2d, zeros128, ones128):
    kern = pl.kernel(
        _deg_body,
        out_type=jax.ShapeDtypeStruct((2, _NP, _D), jnp.float32),
        mesh=_sc_mesh(),
        scratch_types=[
            pltpu.VMEM((_CH, _K), jnp.int32),
            pltpu.VMEM((_K, _D), jnp.float32),
            pltpu.VMEM_SHARED((_NP, _D), jnp.float32),
        ],
    )
    return kern(dst2d, zeros128, ones128)


def _scatter_body(h_hbm, src_hbm, dst_hbm, zeros_hbm, out_hbm,
                  idx_s, idx_d, rows0, rows1, acc, sem0, sem1):
    c = lax.axis_index("c")
    s = lax.axis_index("s")
    w = c * 16 + s
    r0 = s * _RPS
    pltpu.sync_copy(zeros_hbm.at[pl.ds(r0, _RPS)], acc.at[pl.ds(r0, _RPS)])
    pltpu.sync_copy(src_hbm.at[pl.ds(w * _EPW, _EPW)], idx_s)
    pltpu.sync_copy(dst_hbm.at[w], idx_d)
    plsc.subcore_barrier()

    def gat(j, buf, sem):
        pltpu.async_copy(h_hbm.at[idx_s.at[pl.ds(j * _K, _K)]], buf, sem)

    def gat_wait(j, buf, sem):
        pltpu.make_async_copy(h_hbm.at[idx_s.at[pl.ds(j * _K, _K)]], buf,
                              sem).wait()

    gat(0, rows0, sem0)

    def body(jj, carry):
        j = jj * 2
        gat(j + 1, rows1, sem1)
        gat_wait(j, rows0, sem0)
        pltpu.sync_copy(rows0, acc.at[idx_d.at[j]], add=True)
        gat(j + 2, rows0, sem0)
        gat_wait(j + 1, rows1, sem1)
        pltpu.sync_copy(rows1, acc.at[idx_d.at[j + 1]], add=True)
        return carry

    lax.fori_loop(0, (_CH - 1) // 2, body, 0)
    gat_wait(_CH - 1, rows0, sem0)
    pltpu.sync_copy(rows0, acc.at[idx_d.at[_CH - 1]], add=True)
    plsc.subcore_barrier()
    pltpu.sync_copy(acc.at[pl.ds(r0, _RPS)], out_hbm.at[c, pl.ds(r0, _RPS)])


def _scatter_call(h, src2d, dst2d, zeros128):
    kern = pl.kernel(
        _scatter_body,
        out_type=jax.ShapeDtypeStruct((2, _NP, _D), jnp.float32),
        mesh=_sc_mesh(),
        scratch_types=[
            pltpu.VMEM((_EPW,), jnp.int32),
            pltpu.VMEM((_CH, _K), jnp.int32),
            pltpu.VMEM((_K, _D), jnp.float32),
            pltpu.VMEM((_K, _D), jnp.float32),
            pltpu.VMEM_SHARED((_NP, _D), jnp.float32),
            pltpu.SemaphoreType.DMA,
            pltpu.SemaphoreType.DMA,
        ],
    )
    return kern(h, src2d, dst2d, zeros128)



def _prep_kernel(degp_ref, x_ref, w_ref, dinv_ref, ht_ref):
    deg = degp_ref[0, :, 0:1] + degp_ref[1, :, 0:1] + 1.0
    dinv = lax.rsqrt(deg)
    dinv_ref[...] = dinv
    ht_ref[...] = _dot(x_ref[...], w_ref[...]) * dinv


def _prep_call(x, W0, degp):
    return pl.pallas_call(
        _prep_kernel,
        grid=(_GRID,),
        in_specs=[
            pl.BlockSpec((2, _R, _D), lambda i: (0, i, 0)),
            pl.BlockSpec((_R, _D), lambda i: (i, 0)),
            pl.BlockSpec((_D, _D), lambda i: (0, 0)),
        ],
        out_specs=[
            pl.BlockSpec((_R, 1), lambda i: (i, 0)),
            pl.BlockSpec((_R, _D), lambda i: (i, 0)),
        ],
        out_shape=[
            jax.ShapeDtypeStruct((_N, 1), jnp.float32),
            jax.ShapeDtypeStruct((_N, _D), jnp.float32),
        ],
    )(degp, x, W0)


def _stats_kernel(parts_ref, ht_ref, dinv_ref, batch_ref, b_ref,
                  t_ref, s_ref, s_acc):
    i = pl.program_id(0)
    t = dinv_ref[...] * (parts_ref[0] + parts_ref[1] + ht_ref[...]) + b_ref[...]
    t_ref[...] = t
    onehot = (batch_ref[...] ==
              lax.broadcasted_iota(jnp.int32, (_R, _G), 1)).astype(jnp.float32)
    s0 = _dot_t(onehot, jnp.ones_like(t))
    s1 = _dot_t(onehot, t)
    s2 = _dot_t(onehot, t * t)
    blk = jnp.stack([s0, s1, s2])

    @pl.when(i == 0)
    def _():
        s_acc[...] = blk

    @pl.when(i > 0)
    def _():
        s_acc[...] += blk

    @pl.when(i == _GRID - 1)
    def _():
        s_ref[...] = s_acc[...]


def _stats_call(parts, ht, dinv, batch2d, b):
    return pl.pallas_call(
        _stats_kernel,
        grid=(_GRID,),
        in_specs=[
            pl.BlockSpec((2, _R, _D), lambda i: (0, i, 0)),
            pl.BlockSpec((_R, _D), lambda i: (i, 0)),
            pl.BlockSpec((_R, 1), lambda i: (i, 0)),
            pl.BlockSpec((_R, 1), lambda i: (i, 0)),
            pl.BlockSpec((1, _D), lambda i: (0, 0)),
        ],
        out_specs=[
            pl.BlockSpec((_R, _D), lambda i: (i, 0)),
            pl.BlockSpec((3, _G, _D), lambda i: (0, 0, 0)),
        ],
        out_shape=[
            jax.ShapeDtypeStruct((_N, _D), jnp.float32),
            jax.ShapeDtypeStruct((3, _G, _D), jnp.float32),
        ],
        scratch_shapes=[pltpu.VMEM((3, _G, _D), jnp.float32)],
    )(parts, ht, dinv, batch2d, b.reshape(1, _D))


def _norm_body(i, t_ref, s_ref, batch_ref, gw_ref, gb_ref, gm_ref,
               emb_ref, pool_ref, pool_acc):
    cnt = jnp.maximum(s_ref[0], 1.0)
    mean = s_ref[1] / cnt
    ms = gm_ref[...]
    var = s_ref[2] / cnt - (2.0 * ms - ms * ms) * mean * mean
    inv_std = lax.rsqrt(var + 1e-5)
    onehot = (batch_ref[...] ==
              lax.broadcasted_iota(jnp.int32, (_R, _G), 1)).astype(jnp.float32)
    mean_b = _dot(onehot, mean * ms)
    istd_b = _dot(onehot, inv_std)
    t = t_ref[...]
    h = jnp.maximum((t - mean_b) * istd_b * gw_ref[...] + gb_ref[...], 0.0)
    emb_ref[...] = h
    blk = _dot_t(onehot, h)

    @pl.when(i == 0)
    def _():
        pool_acc[...] = blk

    @pl.when(i > 0)
    def _():
        pool_acc[...] += blk

    if pool_ref is not None:
        @pl.when(i == _GRID - 1)
        def _():
            pool_ref[...] = pool_acc[...]

    return h


def _norm_kernel(t_ref, s_ref, batch_ref, dinv_ref, gw_ref, gb_ref, gm_ref,
                 wn_ref, emb_ref, htn_ref, pool_ref, pool_acc):
    i = pl.program_id(0)
    h = _norm_body(i, t_ref, s_ref, batch_ref, gw_ref, gb_ref, gm_ref,
                   emb_ref, pool_ref, pool_acc)
    htn_ref[...] = _dot(h, wn_ref[...]) * dinv_ref[...]


def _norm_last_kernel(t_ref, s_ref, batch_ref, gw_ref, gb_ref, gm_ref,
                      p0_ref, p1_ref, wd1_ref, bd1_ref, wd2_ref, bd2_ref,
                      emb_ref, z_ref, pool_acc):
    i = pl.program_id(0)
    _norm_body(i, t_ref, s_ref, batch_ref, gw_ref, gb_ref, gm_ref,
               emb_ref, None, pool_acc)

    @pl.when(i == _GRID - 1)
    def _():
        cnt = jnp.maximum(s_ref[0][:, 0:1], 1.0)
        pm = jnp.concatenate(
            [p0_ref[...] / cnt, p1_ref[...] / cnt, pool_acc[...] / cnt],
            axis=1)
        z1 = jnp.maximum(_dot(pm, wd1_ref[...]) + bd1_ref[...], 0.0)
        z2 = _dot(z1, wd2_ref[...]) + bd2_ref[...]
        m = jnp.max(z2, axis=1, keepdims=True)
        e = z2 - m
        z_ref[...] = e - jnp.log(jnp.sum(jnp.exp(e), axis=1, keepdims=True))


_VEC_SPEC = pl.BlockSpec((1, _D), lambda i: (0, 0))


def _norm_call(t, S, batch2d, dinv, gw, gb, gm, Wn):
    return pl.pallas_call(
        _norm_kernel,
        grid=(_GRID,),
        in_specs=[
            pl.BlockSpec((_R, _D), lambda i: (i, 0)),
            pl.BlockSpec((3, _G, _D), lambda i: (0, 0, 0)),
            pl.BlockSpec((_R, 1), lambda i: (i, 0)),
            pl.BlockSpec((_R, 1), lambda i: (i, 0)),
            _VEC_SPEC, _VEC_SPEC, _VEC_SPEC,
            pl.BlockSpec((_D, _D), lambda i: (0, 0)),
        ],
        out_specs=[
            pl.BlockSpec((_R, _D), lambda i: (i, 0)),
            pl.BlockSpec((_R, _D), lambda i: (i, 0)),
            pl.BlockSpec((_G, _D), lambda i: (0, 0)),
        ],
        out_shape=[
            jax.ShapeDtypeStruct((_N, _D), jnp.float32),
            jax.ShapeDtypeStruct((_N, _D), jnp.float32),
            jax.ShapeDtypeStruct((_G, _D), jnp.float32),
        ],
        scratch_shapes=[pltpu.VMEM((_G, _D), jnp.float32)],
    )(t, S, batch2d, dinv, gw.reshape(1, _D), gb.reshape(1, _D),
      gm.reshape(1, _D), Wn)


def _norm_last_call(t, S, batch2d, gw, gb, gm, p0, p1, Wd1, bd1, Wd2, bd2):
    hd = _D * 3
    return pl.pallas_call(
        _norm_last_kernel,
        grid=(_GRID,),
        in_specs=[
            pl.BlockSpec((_R, _D), lambda i: (i, 0)),
            pl.BlockSpec((3, _G, _D), lambda i: (0, 0, 0)),
            pl.BlockSpec((_R, 1), lambda i: (i, 0)),
            _VEC_SPEC, _VEC_SPEC, _VEC_SPEC,
            pl.BlockSpec((_G, _D), lambda i: (0, 0)),
            pl.BlockSpec((_G, _D), lambda i: (0, 0)),
            pl.BlockSpec((hd, hd), lambda i: (0, 0)),
            pl.BlockSpec((1, hd), lambda i: (0, 0)),
            pl.BlockSpec((hd, _C), lambda i: (0, 0)),
            pl.BlockSpec((1, _C), lambda i: (0, 0)),
        ],
        out_specs=[
            pl.BlockSpec((_R, _D), lambda i: (i, 0)),
            pl.BlockSpec((_G, _C), lambda i: (0, 0)),
        ],
        out_shape=[
            jax.ShapeDtypeStruct((_N, _D), jnp.float32),
            jax.ShapeDtypeStruct((_G, _C), jnp.float32),
        ],
        scratch_shapes=[pltpu.VMEM((_G, _D), jnp.float32)],
    )(t, S, batch2d, gw.reshape(1, _D), gb.reshape(1, _D), gm.reshape(1, _D),
      p0, p1, Wd1, bd1.reshape(1, hd), Wd2, bd2.reshape(1, _C))



@jax.jit
def kernel(x, edge_index, batch, W0, b0, gnw0, gnb0, gnm0, W1, b1, gnw1, gnb1,
           gnm1, W2, b2, gnw2, gnb2, gnm2, Wd1, bd1, Wd2, bd2):
    src1d = edge_index[0].astype(jnp.int32)
    dst2d = edge_index[1].astype(jnp.int32).reshape(_NW, _CH, _K)
    batch2d = batch.astype(jnp.int32).reshape(_N, 1)
    zeros128 = jnp.zeros((_NP, _D), jnp.float32)
    ones128 = jnp.ones((_K, _D), jnp.float32)

    degp = _deg_call(dst2d, zeros128, ones128)
    dinv, ht = _prep_call(x, W0, degp)

    pools = []
    for (b, gw, gb, gm, Wn) in [(b0, gnw0, gnb0, gnm0, W1),
                                (b1, gnw1, gnb1, gnm1, W2)]:
        parts = _scatter_call(ht, src1d, dst2d, zeros128)
        t, S = _stats_call(parts, ht, dinv, batch2d, b)
        emb, ht, pool = _norm_call(t, S, batch2d, dinv, gw, gb, gm, Wn)
        pools.append(pool)

    parts = _scatter_call(ht, src1d, dst2d, zeros128)
    t, S = _stats_call(parts, ht, dinv, batch2d, b2)
    emb, z = _norm_last_call(t, S, batch2d, gnw2, gnb2, gnm2,
                             pools[0], pools[1], Wd1, bd1, Wd2, bd2)
    return (emb, z)

# --- scband reference (transcript-rebuilt; emitter-appended) ---
"""Pipeline reference for scband-gcn-24000277250640 (READ-ONLY COPY).

The authoritative reference and input builder live on the scoring server;
editing this copy changes nothing except your own understanding.
"""

import jax, jax.numpy as jnp
import numpy as np

N = 10000
E = 320000
D = 128
H = 128
L = 3
G = 64
C = 32

def _segment_mean(data, seg, num):
    s = jax.ops.segment_sum(data, seg, num_segments=num)
    c = jax.ops.segment_sum(jnp.ones((data.shape[0],), dtype=data.dtype), seg, num_segments=num)
    c = jnp.clip(c, 1.0, None)
    return s / c[:, None]

def _gcn_conv(x, src, dst, W, b):
    n = x.shape[0]
    h = x @ W
    loop = jnp.arange(n)
    s = jnp.concatenate([src, loop])
    d = jnp.concatenate([dst, loop])
    deg = jax.ops.segment_sum(jnp.ones_like(d, dtype=h.dtype), d, num_segments=n)
    dinv = jnp.where(deg > 0, jax.lax.rsqrt(jnp.maximum(deg, 1e-12)), 0.0)
    norm = dinv[s] * dinv[d]
    msg = h[s] * norm[:, None]
    out = jax.ops.segment_sum(msg, d, num_segments=n)
    return out + b

def _graph_norm(x, batch, w, bias, ms, num_graphs, eps=1e-5):
    mean = _segment_mean(x, batch, num_graphs)
    out = x - mean[batch] * ms
    var = _segment_mean(out * out, batch, num_graphs)
    std = jnp.sqrt(var[batch] + eps)
    return out / std * w + bias

def setup_inputs(seed: int = 0):
    key = jax.random.key(seed)
    ks = jax.random.split(key, 24)
    inp = {}
    inp["x"] = jax.random.normal(ks[0], (N, D), dtype=jnp.float32)
    inp["edge_index"] = jax.random.randint(ks[1], (2, E), 0, N)
    inp["batch"] = jnp.sort(jax.random.randint(ks[2], (N,), 0, G))
    dims = [(D, H), (H, H), (H, H)]
    for i, (din, dout) in enumerate(dims):
        inp["W%d" % i] = jax.random.normal(ks[3 + i], (din, dout), dtype=jnp.float32) * (1.0 / np.sqrt(din))
        inp["b%d" % i] = jnp.zeros((dout,), dtype=jnp.float32)
        inp["gnw%d" % i] = jnp.ones((dout,), dtype=jnp.float32)
        inp["gnb%d" % i] = jnp.zeros((dout,), dtype=jnp.float32)
        inp["gnm%d" % i] = jnp.ones((dout,), dtype=jnp.float32)
    hd = H * L
    inp["Wd1"] = jax.random.normal(ks[10], (hd, hd), dtype=jnp.float32) * (1.0 / np.sqrt(hd))
    inp["bd1"] = jnp.zeros((hd,), dtype=jnp.float32)
    inp["Wd2"] = jax.random.normal(ks[11], (hd, C), dtype=jnp.float32) * (1.0 / np.sqrt(hd))
    inp["bd2"] = jnp.zeros((C,), dtype=jnp.float32)
    return inp

def reference(x, edge_index, batch, W0, b0, gnw0, gnb0, gnm0, W1, b1, gnw1, gnb1, gnm1, W2, b2, gnw2, gnb2, gnm2, Wd1, bd1, Wd2, bd2):
    src, dst = edge_index[0], edge_index[1]
    layers = [(W0, b0, gnw0, gnb0, gnm0), (W1, b1, gnw1, gnb1, gnm1), (W2, b2, gnw2, gnb2, gnm2)]
    h = x
    embs = []
    for (W, b, gw, gb, gm) in layers:
        h = _gcn_conv(h, src, dst, W, b)
        h = _graph_norm(h, batch, gw, gb, gm, G)
        h = jax.nn.relu(h)
        embs.append(h)
    cat = jnp.concatenate(embs, axis=1)
    pooled = _segment_mean(cat, batch, G)
    z = jax.nn.relu(pooled @ Wd1 + bd1)
    z = z @ Wd2 + bd2
    z = jax.nn.log_softmax(z, axis=1)
    return (embs[-1], z)

if __name__ == "__main__":
    import jax
    _d = setup_inputs()
    print(jax.jit(kernel)(*tuple(_d.values())))

</pallas_src>

<mosaic_0001>
#map = affine_map<(d0, d1) -> (0, 0)>
#map1 = affine_map<(d0, d1) -> (0)>
#map2 = affine_map<(d0, d1) -> (0, 0, 0)>
module attributes {stable_mosaic.version = 14 : i64} {
  func.func @_scatter_body(%arg0: i32, %arg1: i32, %arg2: memref<10000x128xf32, #tpu.memory_space<hbm>>, %arg3: memref<320000xi32, #tpu.memory_space<hbm>>, %arg4: memref<32x125x80xi32, #tpu.memory_space<hbm>>, %arg5: memref<10240x128xf32, #tpu.memory_space<hbm>>, %arg6: memref<2x10240x128xf32, #tpu.memory_space<hbm>>, %arg7: memref<10000xi32, #tpu.memory_space<vmem>>, %arg8: memref<125x80xi32, #tpu.memory_space<vmem>>, %arg9: memref<80x128xf32, #tpu.memory_space<vmem>>, %arg10: memref<80x128xf32, #tpu.memory_space<vmem>>, %arg11: memref<10240x128xf32, #tpu.memory_space<vmem_shared>>, %arg12: memref<!tpu.dma_semaphore, #tpu.memory_space<semaphore_mem>>, %arg13: memref<!tpu.dma_semaphore, #tpu.memory_space<semaphore_mem>>) attributes {dimension_semantics = [#tpu.dimension_semantics<core_parallel>, #tpu.dimension_semantics<subcore_parallel>], iteration_bounds = array<i64: 2, 16>, scalar_prefetch = 0 : i64, scratch_operands = 7 : i64, tpu.core_type = #tpu.core_type<sc_vector_subcore>, window_params = [{transform_indices = #map}, {transform_indices = #map1}, {transform_indices = #map2}, {transform_indices = #map}, {transform_indices = #map2}]} {
    %mul3A = arith.constant 16 : i32
    %mul3A_0 = arith.muli %arg0, %mul3A : i32
    %add3A = arith.addi %mul3A_0, %arg1 : i32
    %mul3A_1 = arith.constant 640 : i32
    %mul3A_2 = arith.muli %arg1, %mul3A_1 : i32
    "tpu.region"() ({
      %run_scoped3A_19 = tpu.sem_alloc : memref<!tpu.dma_semaphore, #tpu.memory_space<semaphore_mem>>
      %dma_start3A_20 = arith.constant 0 : i32
      %dma_start3A_21 = tpu.memref_slice %arg11[%mul3A_2, %dma_start3A_20] : memref<10240x128xf32, #tpu.memory_space<vmem_shared>> -> memref<640x128xf32, #tpu.memory_space<vmem_shared>>
      %dma_start3A_22 = arith.constant 0 : i32
      %dma_start3A_23 = tpu.memref_slice %arg5[%mul3A_2, %dma_start3A_22] : memref<10240x128xf32, #tpu.memory_space<hbm>> -> memref<640x128xf32, #tpu.memory_space<hbm>>
      tpu.enqueue_dma source(%dma_start3A_23 : memref<640x128xf32, #tpu.memory_space<hbm>>) target(%dma_start3A_21 : memref<640x128xf32, #tpu.memory_space<vmem_shared>>) target_semaphore(%run_scoped3A_19 : memref<!tpu.dma_semaphore, #tpu.memory_space<semaphore_mem>>)
      %dma_wait3A_24 = arith.constant 0 : i32
      %dma_wait3A_25 = tpu.memref_slice %arg11[%mul3A_2, %dma_wait3A_24] : memref<10240x128xf32, #tpu.memory_space<vmem_shared>> -> memref<640x128xf32, #tpu.memory_space<vmem_shared>>
      %dma_wait3A_26 = arith.constant 0 : i32
      %dma_wait3A_27 = tpu.memref_slice %arg5[%mul3A_2, %dma_wait3A_26] : memref<10240x128xf32, #tpu.memory_space<hbm>> -> memref<640x128xf32, #tpu.memory_space<hbm>>
      tpu.wait_dma2 semaphore(%run_scoped3A_19 : memref<!tpu.dma_semaphore, #tpu.memory_space<semaphore_mem>>) src(%dma_wait3A_27 : memref<640x128xf32, #tpu.memory_space<hbm>>) dst(%dma_wait3A_25 : memref<640x128xf32, #tpu.memory_space<vmem_shared>>)
      tpu.yield
    }) : () -> ()
    %mul3A_3 = arith.constant 10000 : i32
    %mul3A_4 = arith.muli %add3A, %mul3A_3 : i32
    "tpu.region"() ({
      %run_scoped3A_19 = tpu.sem_alloc : memref<!tpu.dma_semaphore, #tpu.memory_space<semaphore_mem>>
      %dma_start3A_20 = tpu.memref_slice %arg3[%mul3A_4] : memref<320000xi32, #tpu.memory_space<hbm>> -> memref<10000xi32, #tpu.memory_space<hbm>>
      %dma_start3A_21 = tpu.memref_slice %arg3[%mul3A_4] : memref<320000xi32, #tpu.memory_space<hbm>> -> memref<10000xi32, #tpu.memory_space<hbm>>
      tpu.enqueue_dma source(%dma_start3A_21 : memref<10000xi32, #tpu.memory_space<hbm>>) target(%arg7 : memref<10000xi32, #tpu.memory_space<vmem>>) target_semaphore(%run_scoped3A_19 : memref<!tpu.dma_semaphore, #tpu.memory_space<semaphore_mem>>)
      %dma_wait3A_22 = tpu.memref_slice %arg3[%mul3A_4] : memref<320000xi32, #tpu.memory_space<hbm>> -> memref<10000xi32, #tpu.memory_space<hbm>>
      %dma_wait3A_23 = tpu.memref_slice %arg3[%mul3A_4] : memref<320000xi32, #tpu.memory_space<hbm>> -> memref<10000xi32, #tpu.memory_space<hbm>>
      tpu.wait_dma2 semaphore(%run_scoped3A_19 : memref<!tpu.dma_semaphore, #tpu.memory_space<semaphore_mem>>) src(%dma_wait3A_23 : memref<10000xi32, #tpu.memory_space<hbm>>) dst(%arg7 : memref<10000xi32, #tpu.memory_space<vmem>>)
      tpu.yield
    }) : () -> ()
    "tpu.region"() ({
      %run_scoped3A_19 = tpu.sem_alloc : memref<!tpu.dma_semaphore, #tpu.memory_space<semaphore_mem>>
      %dma_start3A_20 = arith.constant 0 : i32
      %dma_start3A_21 = arith.constant 0 : i32
      %dma_start3A_22 = tpu.memref_slice %arg4[%add3A, %dma_start3A_20, %dma_start3A_21] : memref<32x125x80xi32, #tpu.memory_space<hbm>> -> memref<1x125x80xi32, #tpu.memory_space<hbm>>
      %dma_start3A_23 = tpu.memref_squeeze %dma_start3A_22 : memref<1x125x80xi32, #tpu.memory_space<hbm>> -> memref<125x80xi32, #tpu.memory_space<hbm>>
      %dma_start3A_24 = arith.constant 0 : i32
      %dma_start3A_25 = arith.constant 0 : i32
      %dma_start3A_26 = tpu.memref_slice %arg4[%add3A, %dma_start3A_24, %dma_start3A_25] : memref<32x125x80xi32, #tpu.memory_space<hbm>> -> memref<1x125x80xi32, #tpu.memory_space<hbm>>
      %dma_start3A_27 = tpu.memref_squeeze %dma_start3A_26 : memref<1x125x80xi32, #tpu.memory_space<hbm>> -> memref<125x80xi32, #tpu.memory_space<hbm>>
      tpu.enqueue_dma source(%dma_start3A_27 : memref<125x80xi32, #tpu.memory_space<hbm>>) target(%arg8 : memref<125x80xi32, #tpu.memory_space<vmem>>) target_semaphore(%run_scoped3A_19 : memref<!tpu.dma_semaphore, #tpu.memory_space<semaphore_mem>>)
      %dma_wait3A_28 = arith.constant 0 : i32
      %dma_wait3A_29 = arith.constant 0 : i32
      %dma_wait3A_30 = tpu.memref_slice %arg4[%add3A, %dma_wait3A_28, %dma_wait3A_29] : memref<32x125x80xi32, #tpu.memory_space<hbm>> -> memref<1x125x80xi32, #tpu.memory_space<hbm>>
      %dma_wait3A_31 = tpu.memref_squeeze %dma_wait3A_30 : memref<1x125x80xi32, #tpu.memory_space<hbm>> -> memref<125x80xi32, #tpu.memory_space<hbm>>
      %dma_wait3A_32 = arith.constant 0 : i32
      %dma_wait3A_33 = arith.constant 0 : i32
      %dma_wait3A_34 = tpu.memref_slice %arg4[%add3A, %dma_wait3A_32, %dma_wait3A_33] : memref<32x125x80xi32, #tpu.memory_space<hbm>> -> memref<1x125x80xi32, #tpu.memory_space<hbm>>
      %dma_wait3A_35 = tpu.memref_squeeze %dma_wait3A_34 : memref<1x125x80xi32, #tpu.memory_space<hbm>> -> memref<125x80xi32, #tpu.memory_space<hbm>>
      tpu.wait_dma2 semaphore(%run_scoped3A_19 : memref<!tpu.dma_semaphore, #tpu.memory_space<semaphore_mem>>) src(%dma_wait3A_35 : memref<125x80xi32, #tpu.memory_space<hbm>>) dst(%arg8 : memref<125x80xi32, #tpu.memory_space<vmem>>)
      tpu.yield
    }) : () -> ()
    %barrier3A = arith.constant 0 : index
    tpu.barrier barrier_id(%barrier3A)
    %dma_start3A = arith.constant 0 : i32
    %dma_start3A_5 = tpu.memref_slice %arg7[%dma_start3A] : memref<10000xi32, #tpu.memory_space<vmem>> -> memref<80xi32, #tpu.memory_space<vmem>>
    %dma_start3A_6 = arith.constant 0 : i32
    %dma_start3A_7 = arith.constant 0 : i32
    %dma_start3A_8 = tpu.memref_slice %arg2[%dma_start3A_6, %dma_start3A_7] : memref<10000x128xf32, #tpu.memory_space<hbm>> -> memref<10000x128xf32, #tpu.memory_space<hbm>>
    tpu.enqueue_indirect_dma source(%dma_start3A_8 : memref<10000x128xf32, #tpu.memory_space<hbm>>) target(%arg9 : memref<80x128xf32, #tpu.memory_space<vmem>>) offsets(%dma_start3A_5 : memref<80xi32, #tpu.memory_space<vmem>>) semaphore(%arg12 : memref<!tpu.dma_semaphore, #tpu.memory_space<semaphore_mem>>)
    %scan3A = arith.constant 0 : i32
    %scan3A_9 = arith.constant 0 : i32
    %scan3A_10 = arith.constant 62 : i32
    %scan3A_11 = arith.addi %scan3A_9, %scan3A_10 : i32
    %scan3A_12 = arith.constant 1 : i32
    scf.for %scan3A_19 = %scan3A_9 to %scan3A_11 step %scan3A_12  : i32 {
      %mul3A_20 = arith.constant 2 : i32
      %mul3A_21 = arith.muli %scan3A_19, %mul3A_20 : i32
      %add3A_22 = arith.constant 1 : i32
      %add3A_23 = arith.addi %mul3A_21, %add3A_22 : i32
      %mul3A_24 = arith.constant 80 : i32
      %mul3A_25 = arith.muli %add3A_23, %mul3A_24 : i32
      %dma_start3A_26 = tpu.memref_slice %arg7[%mul3A_25] : memref<10000xi32, #tpu.memory_space<vmem>> -> memref<80xi32, #tpu.memory_space<vmem>>
      %dma_start3A_27 = arith.constant 0 : i32
      %dma_start3A_28 = arith.constant 0 : i32
      %dma_start3A_29 = tpu.memref_slice %arg2[%dma_start3A_27, %dma_start3A_28] : memref<10000x128xf32, #tpu.memory_space<hbm>> -> memref<10000x128xf32, #tpu.memory_space<hbm>>
      tpu.enqueue_indirect_dma source(%dma_start3A_29 : memref<10000x128xf32, #tpu.memory_space<hbm>>) target(%arg10 : memref<80x128xf32, #tpu.memory_space<vmem>>) offsets(%dma_start3A_26 : memref<80xi32, #tpu.memory_space<vmem>>) semaphore(%arg13 : memref<!tpu.dma_semaphore, #tpu.memory_space<semaphore_mem>>)
      %mul3A_30 = arith.constant 80 : i32
      %mul3A_31 = arith.muli %mul3A_21, %mul3A_30 : i32
      %dma_wait3A_32 = tpu.memref_slice %arg7[%mul3A_31] : memref<10000xi32, #tpu.memory_space<vmem>> -> memref<80xi32, #tpu.memory_space<vmem>>
      %dma_wait3A_33 = arith.constant 0 : i32
      %dma_wait3A_34 = arith.constant 0 : i32
      %dma_wait3A_35 = tpu.memref_slice %arg2[%dma_wait3A_33, %dma_wait3A_34] : memref<10000x128xf32, #tpu.memory_space<hbm>> -> memref<10000x128xf32, #tpu.memory_space<hbm>>
      tpu.wait_indirect_dma semaphore(%arg12 : memref<!tpu.dma_semaphore, #tpu.memory_space<semaphore_mem>>) src(%dma_wait3A_35 : memref<10000x128xf32, #tpu.memory_space<hbm>>) dst(%arg9 : memref<80x128xf32, #tpu.memory_space<vmem>>)
      "tpu.region"() ({
        %run_scoped3A_54 = tpu.sem_alloc : memref<!tpu.dma_semaphore, #tpu.memory_space<semaphore_mem>>
        %dma_start3A_55 = arith.constant 0 : i32
        %dma_start3A_56 = tpu.memref_slice %arg8[%mul3A_21, %dma_start3A_55] : memref<125x80xi32, #tpu.memory_space<vmem>> -> memref<1x80xi32, #tpu.memory_space<vmem>>
        %dma_start3A_57 = tpu.memref_squeeze %dma_start3A_56 : memref<1x80xi32, #tpu.memory_space<vmem>> -> memref<80xi32, #tpu.memory_space<vmem>>
        %dma_start3A_58 = arith.constant 0 : i32
        %dma_start3A_59 = arith.constant 0 : i32
        %dma_start3A_60 = tpu.memref_slice %arg11[%dma_start3A_58, %dma_start3A_59] : memref<10240x128xf32, #tpu.memory_space<vmem_shared>> -> memref<10240x128xf32, #tpu.memory_space<vmem_shared>>
        tpu.enqueue_indirect_dma source(%arg9 : memref<80x128xf32, #tpu.memory_space<vmem>>) target(%dma_start3A_60 : memref<10240x128xf32, #tpu.memory_space<vmem_shared>>) offsets(%dma_start3A_57 : memref<80xi32, #tpu.memory_space<vmem>>) semaphore(%run_scoped3A_54 : memref<!tpu.dma_semaphore, #tpu.memory_space<semaphore_mem>>) {add = true}
        %dma_wait3A_61 = arith.constant 0 : i32
        %dma_wait3A_62 = tpu.memref_slice %arg8[%mul3A_21, %dma_wait3A_61] : memref<125x80xi32, #tpu.memory_space<vmem>> -> memref<1x80xi32, #tpu.memory_space<vmem>>
        %dma_wait3A_63 = tpu.memref_squeeze %dma_wait3A_62 : memref<1x80xi32, #tpu.memory_space<vmem>> -> memref<80xi32, #tpu.memory_space<vmem>>
        %dma_wait3A_64 = arith.constant 0 : i32
        %dma_wait3A_65 = arith.constant 0 : i32
        %dma_wait3A_66 = tpu.memref_slice %arg11[%dma_wait3A_64, %dma_wait3A_65] : memref<10240x128xf32, #tpu.memory_space<vmem_shared>> -> memref<10240x128xf32, #tpu.memory_space<vmem_shared>>
        tpu.wait_indirect_dma semaphore(%run_scoped3A_54 : memref<!tpu.dma_semaphore, #tpu.memory_space<semaphore_mem>>) src(%arg9 : memref<80x128xf32, #tpu.memory_space<vmem>>) dst(%dma_wait3A_66 : memref<10240x128xf32, #tpu.memory_space<vmem_shared>>)
        tpu.yield
      }) : () -> ()
      %add3A_36 = arith.constant 2 : i32
      %add3A_37 = arith.addi %mul3A_21, %add3A_36 : i32
      %mul3A_38 = arith.constant 80 : i32
      %mul3A_39 = arith.muli %add3A_37, %mul3A_38 : i32
      %dma_start3A_40 = tpu.memref_slice %arg7[%mul3A_39] : memref<10000xi32, #tpu.memory_space<vmem>> -> memref<80xi32, #tpu.memory_space<vmem>>
      %dma_start3A_41 = arith.constant 0 : i32
      %dma_start3A_42 = arith.constant 0 : i32
      %dma_start3A_43 = tpu.memref_slice %arg2[%dma_start3A_41, %dma_start3A_42] : memref<10000x128xf32, #tpu.memory_space<hbm>> -> memref<10000x128xf32, #tpu.memory_space<hbm>>
      tpu.enqueue_indirect_dma source(%dma_start3A_43 : memref<10000x128xf32, #tpu.memory_space<hbm>>) target(%arg9 : memref<80x128xf32, #tpu.memory_space<vmem>>) offsets(%dma_start3A_40 : memref<80xi32, #tpu.memory_space<vmem>>) semaphore(%arg12 : memref<!tpu.dma_semaphore, #tpu.memory_space<semaphore_mem>>)
      %add3A_44 = arith.constant 1 : i32
      %add3A_45 = arith.addi %mul3A_21, %add3A_44 : i32
      %mul3A_46 = arith.constant 80 : i32
      %mul3A_47 = arith.muli %add3A_45, %mul3A_46 : i32
      %dma_wait3A_48 = tpu.memref_slice %arg7[%mul3A_47] : memref<10000xi32, #tpu.memory_space<vmem>> -> memref<80xi32, #tpu.memory_space<vmem>>
      %dma_wait3A_49 = arith.constant 0 : i32
      %dma_wait3A_50 = arith.constant 0 : i32
      %dma_wait3A_51 = tpu.memref_slice %arg2[%dma_wait3A_49, %dma_wait3A_50] : memref<10000x128xf32, #tpu.memory_space<hbm>> -> memref<10000x128xf32, #tpu.memory_space<hbm>>
      tpu.wait_indirect_dma semaphore(%arg13 : memref<!tpu.dma_semaphore, #tpu.memory_space<semaphore_mem>>) src(%dma_wait3A_51 : memref<10000x128xf32, #tpu.memory_space<hbm>>) dst(%arg10 : memref<80x128xf32, #tpu.memory_space<vmem>>)
      %add3A_52 = arith.constant 1 : i32
      %add3A_53 = arith.addi %mul3A_21, %add3A_52 : i32
      "tpu.region"() ({
        %run_scoped3A_54 = tpu.sem_alloc : memref<!tpu.dma_semaphore, #tpu.memory_space<semaphore_mem>>
        %dma_start3A_55 = arith.constant 0 : i32
        %dma_start3A_56 = tpu.memref_slice %arg8[%add3A_53, %dma_start3A_55] : memref<125x80xi32, #tpu.memory_space<vmem>> -> memref<1x80xi32, #tpu.memory_space<vmem>>
        %dma_start3A_57 = tpu.memref_squeeze %dma_start3A_56 : memref<1x80xi32, #tpu.memory_space<vmem>> -> memref<80xi32, #tpu.memory_space<vmem>>
        %dma_start3A_58 = arith.constant 0 : i32
        %dma_start3A_59 = arith.constant 0 : i32
        %dma_start3A_60 = tpu.memref_slice %arg11[%dma_start3A_58, %dma_start3A_59] : memref<10240x128xf32, #tpu.memory_space<vmem_shared>> -> memref<10240x128xf32, #tpu.memory_space<vmem_shared>>
        tpu.enqueue_indirect_dma source(%arg10 : memref<80x128xf32, #tpu.memory_space<vmem>>) target(%dma_start3A_60 : memref<10240x128xf32, #tpu.memory_space<vmem_shared>>) offsets(%dma_start3A_57 : memref<80xi32, #tpu.memory_space<vmem>>) semaphore(%run_scoped3A_54 : memref<!tpu.dma_semaphore, #tpu.memory_space<semaphore_mem>>) {add = true}
        %dma_wait3A_61 = arith.constant 0 : i32
        %dma_wait3A_62 = tpu.memref_slice %arg8[%add3A_53, %dma_wait3A_61] : memref<125x80xi32, #tpu.memory_space<vmem>> -> memref<1x80xi32, #tpu.memory_space<vmem>>
        %dma_wait3A_63 = tpu.memref_squeeze %dma_wait3A_62 : memref<1x80xi32, #tpu.memory_space<vmem>> -> memref<80xi32, #tpu.memory_space<vmem>>
        %dma_wait3A_64 = arith.constant 0 : i32
        %dma_wait3A_65 = arith.constant 0 : i32
        %dma_wait3A_66 = tpu.memref_slice %arg11[%dma_wait3A_64, %dma_wait3A_65] : memref<10240x128xf32, #tpu.memory_space<vmem_shared>> -> memref<10240x128xf32, #tpu.memory_space<vmem_shared>>
        tpu.wait_indirect_dma semaphore(%run_scoped3A_54 : memref<!tpu.dma_semaphore, #tpu.memory_space<semaphore_mem>>) src(%arg10 : memref<80x128xf32, #tpu.memory_space<vmem>>) dst(%dma_wait3A_66 : memref<10240x128xf32, #tpu.memory_space<vmem_shared>>)
        tpu.yield
      }) : () -> ()
    }
    %scan3A_13 = arith.constant 62 : i32
    %dma_wait3A = arith.constant 9920 : i32
    %dma_wait3A_14 = tpu.memref_slice %arg7[%dma_wait3A] : memref<10000xi32, #tpu.memory_space<vmem>> -> memref<80xi32, #tpu.memory_space<vmem>>
    %dma_wait3A_15 = arith.constant 0 : i32
    %dma_wait3A_16 = arith.constant 0 : i32
    %dma_wait3A_17 = tpu.memref_slice %arg2[%dma_wait3A_15, %dma_wait3A_16] : memref<10000x128xf32, #tpu.memory_space<hbm>> -> memref<10000x128xf32, #tpu.memory_space<hbm>>
    tpu.wait_indirect_dma semaphore(%arg12 : memref<!tpu.dma_semaphore, #tpu.memory_space<semaphore_mem>>) src(%dma_wait3A_17 : memref<10000x128xf32, #tpu.memory_space<hbm>>) dst(%arg9 : memref<80x128xf32, #tpu.memory_space<vmem>>)
    %run_scoped3A = arith.constant 124 : i32
    "tpu.region"() ({
      %run_scoped3A_19 = tpu.sem_alloc : memref<!tpu.dma_semaphore, #tpu.memory_space<semaphore_mem>>
      %dma_start3A_20 = arith.constant 0 : i32
      %dma_start3A_21 = tpu.memref_slice %arg8[%run_scoped3A, %dma_start3A_20] : memref<125x80xi32, #tpu.memory_space<vmem>> -> memref<1x80xi32, #tpu.memory_space<vmem>>
      %dma_start3A_22 = tpu.memref_squeeze %dma_start3A_21 : memref<1x80xi32, #tpu.memory_space<vmem>> -> memref<80xi32, #tpu.memory_space<vmem>>
      %dma_start3A_23 = arith.constant 0 : i32
      %dma_start3A_24 = arith.constant 0 : i32
      %dma_start3A_25 = tpu.memref_slice %arg11[%dma_start3A_23, %dma_start3A_24] : memref<10240x128xf32, #tpu.memory_space<vmem_shared>> -> memref<10240x128xf32, #tpu.memory_space<vmem_shared>>
      tpu.enqueue_indirect_dma source(%arg9 : memref<80x128xf32, #tpu.memory_space<vmem>>) target(%dma_start3A_25 : memref<10240x128xf32, #tpu.memory_space<vmem_shared>>) offsets(%dma_start3A_22 : memref<80xi32, #tpu.memory_space<vmem>>) semaphore(%run_scoped3A_19 : memref<!tpu.dma_semaphore, #tpu.memory_space<semaphore_mem>>) {add = true}
      %dma_wait3A_26 = arith.constant 0 : i32
      %dma_wait3A_27 = tpu.memref_slice %arg8[%run_scoped3A, %dma_wait3A_26] : memref<125x80xi32, #tpu.memory_space<vmem>> -> memref<1x80xi32, #tpu.memory_space<vmem>>
      %dma_wait3A_28 = tpu.memref_squeeze %dma_wait3A_27 : memref<1x80xi32, #tpu.memory_space<vmem>> -> memref<80xi32, #tpu.memory_space<vmem>>
      %dma_wait3A_29 = arith.constant 0 : i32
      %dma_wait3A_30 = arith.constant 0 : i32
      %dma_wait3A_31 = tpu.memref_slice %arg11[%dma_wait3A_29, %dma_wait3A_30] : memref<10240x128xf32, #tpu.memory_space<vmem_shared>> -> memref<10240x128xf32, #tpu.memory_space<vmem_shared>>
      tpu.wait_indirect_dma semaphore(%run_scoped3A_19 : memref<!tpu.dma_semaphore, #tpu.memory_space<semaphore_mem>>) src(%arg9 : memref<80x128xf32, #tpu.memory_space<vmem>>) dst(%dma_wait3A_31 : memref<10240x128xf32, #tpu.memory_space<vmem_shared>>)
      tpu.yield
    }) : () -> ()
    %barrier3A_18 = arith.constant 0 : index
    tpu.barrier barrier_id(%barrier3A_18)
    "tpu.region"() ({
      %run_scoped3A_19 = tpu.sem_alloc : memref<!tpu.dma_semaphore, #tpu.memory_space<semaphore_mem>>
      %dma_start3A_20 = arith.constant 0 : i32
      %dma_start3A_21 = tpu.memref_slice %arg6[%arg0, %mul3A_2, %dma_start3A_20] : memref<2x10240x128xf32, #tpu.memory_space<hbm>> -> memref<1x640x128xf32, #tpu.memory_space<hbm>>
      %dma_start3A_22 = tpu.memref_squeeze %dma_start3A_21 : memref<1x640x128xf32, #tpu.memory_space<hbm>> -> memref<640x128xf32, #tpu.memory_space<hbm>>
      %dma_start3A_23 = arith.constant 0 : i32
      %dma_start3A_24 = tpu.memref_slice %arg11[%mul3A_2, %dma_start3A_23] : memref<10240x128xf32, #tpu.memory_space<vmem_shared>> -> memref<640x128xf32, #tpu.memory_space<vmem_shared>>
      tpu.enqueue_dma source(%dma_start3A_24 : memref<640x128xf32, #tpu.memory_space<vmem_shared>>) target(%dma_start3A_22 : memref<640x128xf32, #tpu.memory_space<hbm>>) target_semaphore(%run_scoped3A_19 : memref<!tpu.dma_semaphore, #tpu.memory_space<semaphore_mem>>)
      %dma_wait3A_25 = arith.constant 0 : i32
      %dma_wait3A_26 = tpu.memref_slice %arg6[%arg0, %mul3A_2, %dma_wait3A_25] : memref<2x10240x128xf32, #tpu.memory_space<hbm>> -> memref<1x640x128xf32, #tpu.memory_space<hbm>>
      %dma_wait3A_27 = tpu.memref_squeeze %dma_wait3A_26 : memref<1x640x128xf32, #tpu.memory_space<hbm>> -> memref<640x128xf32, #tpu.memory_space<hbm>>
      %dma_wait3A_28 = arith.constant 0 : i32
      %dma_wait3A_29 = tpu.memref_slice %arg11[%mul3A_2, %dma_wait3A_28] : memref<10240x128xf32, #tpu.memory_space<vmem_shared>> -> memref<640x128xf32, #tpu.memory_space<vmem_shared>>
      tpu.wait_dma2 semaphore(%run_scoped3A_19 : memref<!tpu.dma_semaphore, #tpu.memory_space<semaphore_mem>>) src(%dma_wait3A_29 : memref<640x128xf32, #tpu.memory_space<vmem_shared>>) dst(%dma_wait3A_27 : memref<640x128xf32, #tpu.memory_space<hbm>>)
      tpu.yield
    }) : () -> ()
    return
  }
}

#map = affine_map<(d0, d1) -> (0, 0, 0)>
#map1 = affine_map<(d0, d1) -> (0, 0)>
module attributes {stable_mosaic.version = 14 : i64} {
  func.func @_deg_body(%arg0: i32, %arg1: i32, %arg2: memref<32x125x80xi32, #tpu.memory_space<hbm>>, %arg3: memref<10240x128xf32, #tpu.memory_space<hbm>>, %arg4: memref<80x128xf32, #tpu.memory_space<hbm>>, %arg5: memref<2x10240x128xf32, #tpu.memory_space<hbm>>, %arg6: memref<125x80xi32, #tpu.memory_space<vmem>>, %arg7: memref<80x128xf32, #tpu.memory_space<vmem>>, %arg8: memref<10240x128xf32, #tpu.memory_space<vmem_shared>>) attributes {dimension_semantics = [#tpu.dimension_semantics<core_parallel>, #tpu.dimension_semantics<subcore_parallel>], iteration_bounds = array<i64: 2, 16>, scalar_prefetch = 0 : i64, scratch_operands = 3 : i64, tpu.core_type = #tpu.core_type<sc_vector_subcore>, window_params = [{transform_indices = #map}, {transform_indices = #map1}, {transform_indices = #map1}, {transform_indices = #map}]} {
    %mul3A = arith.constant 16 : i32
    %mul3A_0 = arith.muli %arg0, %mul3A : i32
    %add3A = arith.addi %mul3A_0, %arg1 : i32
    %mul3A_1 = arith.constant 640 : i32
    %mul3A_2 = arith.muli %arg1, %mul3A_1 : i32
    "tpu.region"() ({
      %run_scoped3A = tpu.sem_alloc : memref<!tpu.dma_semaphore, #tpu.memory_space<semaphore_mem>>
      tpu.enqueue_dma source(%arg4 : memref<80x128xf32, #tpu.memory_space<hbm>>) target(%arg7 : memref<80x128xf32, #tpu.memory_space<vmem>>) target_semaphore(%run_scoped3A : memref<!tpu.dma_semaphore, #tpu.memory_space<semaphore_mem>>)
      tpu.wait_dma2 semaphore(%run_scoped3A : memref<!tpu.dma_semaphore, #tpu.memory_space<semaphore_mem>>) src(%arg4 : memref<80x128xf32, #tpu.memory_space<hbm>>) dst(%arg7 : memref<80x128xf32, #tpu.memory_space<vmem>>)
      tpu.yield
    }) : () -> ()
    "tpu.region"() ({
      %run_scoped3A = tpu.sem_alloc : memref<!tpu.dma_semaphore, #tpu.memory_space<semaphore_mem>>
      %dma_start3A = arith.constant 0 : i32
      %dma_start3A_9 = tpu.memref_slice %arg8[%mul3A_2, %dma_start3A] : memref<10240x128xf32, #tpu.memory_space<vmem_shared>> -> memref<640x128xf32, #tpu.memory_space<vmem_shared>>
      %dma_start3A_10 = arith.constant 0 : i32
      %dma_start3A_11 = tpu.memref_slice %arg3[%mul3A_2, %dma_start3A_10] : memref<10240x128xf32, #tpu.memory_space<hbm>> -> memref<640x128xf32, #tpu.memory_space<hbm>>
      tpu.enqueue_dma source(%dma_start3A_11 : memref<640x128xf32, #tpu.memory_space<hbm>>) target(%dma_start3A_9 : memref<640x128xf32, #tpu.memory_space<vmem_shared>>) target_semaphore(%run_scoped3A : memref<!tpu.dma_semaphore, #tpu.memory_space<semaphore_mem>>)
      %dma_wait3A = arith.constant 0 : i32
      %dma_wait3A_12 = tpu.memref_slice %arg8[%mul3A_2, %dma_wait3A] : memref<10240x128xf32, #tpu.memory_space<vmem_shared>> -> memref<640x128xf32, #tpu.memory_space<vmem_shared>>
      %dma_wait3A_13 = arith.constant 0 : i32
      %dma_wait3A_14 = tpu.memref_slice %arg3[%mul3A_2, %dma_wait3A_13] : memref<10240x128xf32, #tpu.memory_space<hbm>> -> memref<640x128xf32, #tpu.memory_space<hbm>>
      tpu.wait_dma2 semaphore(%run_scoped3A : memref<!tpu.dma_semaphore, #tpu.memory_space<semaphore_mem>>) src(%dma_wait3A_14 : memref<640x128xf32, #tpu.memory_space<hbm>>) dst(%dma_wait3A_12 : memref<640x128xf32, #tpu.memory_space<vmem_shared>>)
      tpu.yield
    }) : () -> ()
    "tpu.region"() ({
      %run_scoped3A = tpu.sem_alloc : memref<!tpu.dma_semaphore, #tpu.memory_space<semaphore_mem>>
      %dma_start3A = arith.constant 0 : i32
      %dma_start3A_9 = arith.constant 0 : i32
      %dma_start3A_10 = tpu.memref_slice %arg2[%add3A, %dma_start3A, %dma_start3A_9] : memref<32x125x80xi32, #tpu.memory_space<hbm>> -> memref<1x125x80xi32, #tpu.memory_space<hbm>>
      %dma_start3A_11 = tpu.memref_squeeze %dma_start3A_10 : memref<1x125x80xi32, #tpu.memory_space<hbm>> -> memref<125x80xi32, #tpu.memory_space<hbm>>
      %dma_start3A_12 = arith.constant 0 : i32
      %dma_start3A_13 = arith.constant 0 : i32
      %dma_start3A_14 = tpu.memref_slice %arg2[%add3A, %dma_start3A_12, %dma_start3A_13] : memref<32x125x80xi32, #tpu.memory_space<hbm>> -> memref<1x125x80xi32, #tpu.memory_space<hbm>>
      %dma_start3A_15 = tpu.memref_squeeze %dma_start3A_14 : memref<1x125x80xi32, #tpu.memory_space<hbm>> -> memref<125x80xi32, #tpu.memory_space<hbm>>
      tpu.enqueue_dma source(%dma_start3A_15 : memref<125x80xi32, #tpu.memory_space<hbm>>) target(%arg6 : memref<125x80xi32, #tpu.memory_space<vmem>>) target_semaphore(%run_scoped3A : memref<!tpu.dma_semaphore, #tpu.memory_space<semaphore_mem>>)
      %dma_wait3A = arith.constant 0 : i32
      %dma_wait3A_16 = arith.constant 0 : i32
      %dma_wait3A_17 = tpu.memref_slice %arg2[%add3A, %dma_wait3A, %dma_wait3A_16] : memref<32x125x80xi32, #tpu.memory_space<hbm>> -> memref<1x125x80xi32, #tpu.memory_space<hbm>>
      %dma_wait3A_18 = tpu.memref_squeeze %dma_wait3A_17 : memref<1x125x80xi32, #tpu.memory_space<hbm>> -> memref<125x80xi32, #tpu.memory_space<hbm>>
      %dma_wait3A_19 = arith.constant 0 : i32
      %dma_wait3A_20 = arith.constant 0 : i32
      %dma_wait3A_21 = tpu.memref_slice %arg2[%add3A, %dma_wait3A_19, %dma_wait3A_20] : memref<32x125x80xi32, #tpu.memory_space<hbm>> -> memref<1x125x80xi32, #tpu.memory_space<hbm>>
      %dma_wait3A_22 = tpu.memref_squeeze %dma_wait3A_21 : memref<1x125x80xi32, #tpu.memory_space<hbm>> -> memref<125x80xi32, #tpu.memory_space<hbm>>
      tpu.wait_dma2 semaphore(%run_scoped3A : memref<!tpu.dma_semaphore, #tpu.memory_space<semaphore_mem>>) src(%dma_wait3A_22 : memref<125x80xi32, #tpu.memory_space<hbm>>) dst(%arg6 : memref<125x80xi32, #tpu.memory_space<vmem>>)
      tpu.yield
    }) : () -> ()
    %barrier3A = arith.constant 0 : index
    tpu.barrier barrier_id(%barrier3A)
    %scan3A = arith.constant 0 : i32
    %scan3A_3 = arith.constant 0 : i32
    %scan3A_4 = arith.constant 125 : i32
    %scan3A_5 = arith.addi %scan3A_3, %scan3A_4 : i32
    %scan3A_6 = arith.constant 1 : i32
    scf.for %scan3A_9 = %scan3A_3 to %scan3A_5 step %scan3A_6  : i32 {
      "tpu.region"() ({
        %run_scoped3A = tpu.sem_alloc : memref<!tpu.dma_semaphore, #tpu.memory_space<semaphore_mem>>
        %dma_start3A = arith.constant 0 : i32
        %dma_start3A_10 = tpu.memref_slice %arg6[%scan3A_9, %dma_start3A] : memref<125x80xi32, #tpu.memory_space<vmem>> -> memref<1x80xi32, #tpu.memory_space<vmem>>
        %dma_start3A_11 = tpu.memref_squeeze %dma_start3A_10 : memref<1x80xi32, #tpu.memory_space<vmem>> -> memref<80xi32, #tpu.memory_space<vmem>>
        %dma_start3A_12 = arith.constant 0 : i32
        %dma_start3A_13 = arith.constant 0 : i32
        %dma_start3A_14 = tpu.memref_slice %arg8[%dma_start3A_12, %dma_start3A_13] : memref<10240x128xf32, #tpu.memory_space<vmem_shared>> -> memref<10240x128xf32, #tpu.memory_space<vmem_shared>>
        tpu.enqueue_indirect_dma source(%arg7 : memref<80x128xf32, #tpu.memory_space<vmem>>) target(%dma_start3A_14 : memref<10240x128xf32, #tpu.memory_space<vmem_shared>>) offsets(%dma_start3A_11 : memref<80xi32, #tpu.memory_space<vmem>>) semaphore(%run_scoped3A : memref<!tpu.dma_semaphore, #tpu.memory_space<semaphore_mem>>) {add = true}
        %dma_wait3A = arith.constant 0 : i32
        %dma_wait3A_15 = tpu.memref_slice %arg6[%scan3A_9, %dma_wait3A] : memref<125x80xi32, #tpu.memory_space<vmem>> -> memref<1x80xi32, #tpu.memory_space<vmem>>
        %dma_wait3A_16 = tpu.memref_squeeze %dma_wait3A_15 : memref<1x80xi32, #tpu.memory_space<vmem>> -> memref<80xi32, #tpu.memory_space<vmem>>
        %dma_wait3A_17 = arith.constant 0 : i32
        %dma_wait3A_18 = arith.constant 0 : i32
        %dma_wait3A_19 = tpu.memref_slice %arg8[%dma_wait3A_17, %dma_wait3A_18] : memref<10240x128xf32, #tpu.memory_space<vmem_shared>> -> memref<10240x128xf32, #tpu.memory_space<vmem_shared>>
        tpu.wait_indirect_dma semaphore(%run_scoped3A : memref<!tpu.dma_semaphore, #tpu.memory_space<semaphore_mem>>) src(%arg7 : memref<80x128xf32, #tpu.memory_space<vmem>>) dst(%dma_wait3A_19 : memref<10240x128xf32, #tpu.memory_space<vmem_shared>>)
        tpu.yield
      }) : () -> ()
    }
    %scan3A_7 = arith.constant 125 : i32
    %barrier3A_8 = arith.constant 0 : index
    tpu.barrier barrier_id(%barrier3A_8)
    "tpu.region"() ({
      %run_scoped3A = tpu.sem_alloc : memref<!tpu.dma_semaphore, #tpu.memory_space<semaphore_mem>>
      %dma_start3A = arith.constant 0 : i32
      %dma_start3A_9 = tpu.memref_slice %arg5[%arg0, %mul3A_2, %dma_start3A] : memref<2x10240x128xf32, #tpu.memory_space<hbm>> -> memref<1x640x128xf32, #tpu.memory_space<hbm>>
      %dma_start3A_10 = tpu.memref_squeeze %dma_start3A_9 : memref<1x640x128xf32, #tpu.memory_space<hbm>> -> memref<640x128xf32, #tpu.memory_space<hbm>>
      %dma_start3A_11 = arith.constant 0 : i32
      %dma_start3A_12 = tpu.memref_slice %arg8[%mul3A_2, %dma_start3A_11] : memref<10240x128xf32, #tpu.memory_space<vmem_shared>> -> memref<640x128xf32, #tpu.memory_space<vmem_shared>>
      tpu.enqueue_dma source(%dma_start3A_12 : memref<640x128xf32, #tpu.memory_space<vmem_shared>>) target(%dma_start3A_10 : memref<640x128xf32, #tpu.memory_space<hbm>>) target_semaphore(%run_scoped3A : memref<!tpu.dma_semaphore, #tpu.memory_space<semaphore_mem>>)
      %dma_wait3A = arith.constant 0 : i32
      %dma_wait3A_13 = tpu.memref_slice %arg5[%arg0, %mul3A_2, %dma_wait3A] : memref<2x10240x128xf32, #tpu.memory_space<hbm>> -> memref<1x640x128xf32, #tpu.memory_space<hbm>>
      %dma_wait3A_14 = tpu.memref_squeeze %dma_wait3A_13 : memref<1x640x128xf32, #tpu.memory_space<hbm>> -> memref<640x128xf32, #tpu.memory_space<hbm>>
      %dma_wait3A_15 = arith.constant 0 : i32
      %dma_wait3A_16 = tpu.memref_slice %arg8[%mul3A_2, %dma_wait3A_15] : memref<10240x128xf32, #tpu.memory_space<vmem_shared>> -> memref<640x128xf32, #tpu.memory_space<vmem_shared>>
      tpu.wait_dma2 semaphore(%run_scoped3A : memref<!tpu.dma_semaphore, #tpu.memory_space<semaphore_mem>>) src(%dma_wait3A_16 : memref<640x128xf32, #tpu.memory_space<vmem_shared>>) dst(%dma_wait3A_14 : memref<640x128xf32, #tpu.memory_space<hbm>>)
      tpu.yield
    }) : () -> ()
    return
  }
}

#map = affine_map<(d0, d1) -> (0, 0)>
#map1 = affine_map<(d0, d1) -> (0)>
#map2 = affine_map<(d0, d1) -> (0, 0, 0)>
module attributes {stable_mosaic.version = 14 : i64} {
  func.func @_scatter_body(%arg0: i32, %arg1: i32, %arg2: memref<10000x128xf32, #tpu.memory_space<hbm>>, %arg3: memref<320000xi32, #tpu.memory_space<hbm>>, %arg4: memref<32x125x80xi32, #tpu.memory_space<hbm>>, %arg5: memref<10240x128xf32, #tpu.memory_space<hbm>>, %arg6: memref<2x10240x128xf32, #tpu.memory_space<hbm>>, %arg7: memref<10000xi32, #tpu.memory_space<vmem>>, %arg8: memref<125x80xi32, #tpu.memory_space<vmem>>, %arg9: memref<80x128xf32, #tpu.memory_space<vmem>>, %arg10: memref<80x128xf32, #tpu.memory_space<vmem>>, %arg11: memref<10240x128xf32, #tpu.memory_space<vmem_shared>>, %arg12: memref<!tpu.dma_semaphore, #tpu.memory_space<semaphore_mem>>, %arg13: memref<!tpu.dma_semaphore, #tpu.memory_space<semaphore_mem>>) attributes {dimension_semantics = [#tpu.dimension_semantics<core_parallel>, #tpu.dimension_semantics<subcore_parallel>], iteration_bounds = array<i64: 2, 16>, scalar_prefetch = 0 : i64, scratch_operands = 7 : i64, tpu.core_type = #tpu.core_type<sc_vector_subcore>, window_params = [{transform_indices = #map}, {transform_indices = #map1}, {transform_indices = #map2}, {transform_indices = #map}, {transform_indices = #map2}]} {
    %mul3A = arith.constant 16 : i32
    %mul3A_0 = arith.muli %arg0, %mul3A : i32
    %add3A = arith.addi %mul3A_0, %arg1 : i32
    %mul3A_1 = arith.constant 640 : i32
    %mul3A_2 = arith.muli %arg1, %mul3A_1 : i32
    "tpu.region"() ({
      %run_scoped3A_19 = tpu.sem_alloc : memref<!tpu.dma_semaphore, #tpu.memory_space<semaphore_mem>>
      %dma_start3A_20 = arith.constant 0 : i32
      %dma_start3A_21 = tpu.memref_slice %arg11[%mul3A_2, %dma_start3A_20] : memref<10240x128xf32, #tpu.memory_space<vmem_shared>> -> memref<640x128xf32, #tpu.memory_space<vmem_shared>>
      %dma_start3A_22 = arith.constant 0 : i32
      %dma_start3A_23 = tpu.memref_slice %arg5[%mul3A_2, %dma_start3A_22] : memref<10240x128xf32, #tpu.memory_space<hbm>> -> memref<640x128xf32, #tpu.memory_space<hbm>>
      tpu.enqueue_dma source(%dma_start3A_23 : memref<640x128xf32, #tpu.memory_space<hbm>>) target(%dma_start3A_21 : memref<640x128xf32, #tpu.memory_space<vmem_shared>>) target_semaphore(%run_scoped3A_19 : memref<!tpu.dma_semaphore, #tpu.memory_space<semaphore_mem>>)
      %dma_wait3A_24 = arith.constant 0 : i32
      %dma_wait3A_25 = tpu.memref_slice %arg11[%mul3A_2, %dma_wait3A_24] : memref<10240x128xf32, #tpu.memory_space<vmem_shared>> -> memref<640x128xf32, #tpu.memory_space<vmem_shared>>
      %dma_wait3A_26 = arith.constant 0 : i32
      %dma_wait3A_27 = tpu.memref_slice %arg5[%mul3A_2, %dma_wait3A_26] : memref<10240x128xf32, #tpu.memory_space<hbm>> -> memref<640x128xf32, #tpu.memory_space<hbm>>
      tpu.wait_dma2 semaphore(%run_scoped3A_19 : memref<!tpu.dma_semaphore, #tpu.memory_space<semaphore_mem>>) src(%dma_wait3A_27 : memref<640x128xf32, #tpu.memory_space<hbm>>) dst(%dma_wait3A_25 : memref<640x128xf32, #tpu.memory_space<vmem_shared>>)
      tpu.yield
    }) : () -> ()
    %mul3A_3 = arith.constant 10000 : i32
    %mul3A_4 = arith.muli %add3A, %mul3A_3 : i32
    "tpu.region"() ({
      %run_scoped3A_19 = tpu.sem_alloc : memref<!tpu.dma_semaphore, #tpu.memory_space<semaphore_mem>>
      %dma_start3A_20 = tpu.memref_slice %arg3[%mul3A_4] : memref<320000xi32, #tpu.memory_space<hbm>> -> memref<10000xi32, #tpu.memory_space<hbm>>
      %dma_start3A_21 = tpu.memref_slice %arg3[%mul3A_4] : memref<320000xi32, #tpu.memory_space<hbm>> -> memref<10000xi32, #tpu.memory_space<hbm>>
      tpu.enqueue_dma source(%dma_start3A_21 : memref<10000xi32, #tpu.memory_space<hbm>>) target(%arg7 : memref<10000xi32, #tpu.memory_space<vmem>>) target_semaphore(%run_scoped3A_19 : memref<!tpu.dma_semaphore, #tpu.memory_space<semaphore_mem>>)
      %dma_wait3A_22 = tpu.memref_slice %arg3[%mul3A_4] : memref<320000xi32, #tpu.memory_space<hbm>> -> memref<10000xi32, #tpu.memory_space<hbm>>
      %dma_wait3A_23 = tpu.memref_slice %arg3[%mul3A_4] : memref<320000xi32, #tpu.memory_space<hbm>> -> memref<10000xi32, #tpu.memory_space<hbm>>
      tpu.wait_dma2 semaphore(%run_scoped3A_19 : memref<!tpu.dma_semaphore, #tpu.memory_space<semaphore_mem>>) src(%dma_wait3A_23 : memref<10000xi32, #tpu.memory_space<hbm>>) dst(%arg7 : memref<10000xi32, #tpu.memory_space<vmem>>)
      tpu.yield
    }) : () -> ()
    "tpu.region"() ({
      %run_scoped3A_19 = tpu.sem_alloc : memref<!tpu.dma_semaphore, #tpu.memory_space<semaphore_mem>>
      %dma_start3A_20 = arith.constant 0 : i32
      %dma_start3A_21 = arith.constant 0 : i32
      %dma_start3A_22 = tpu.memref_slice %arg4[%add3A, %dma_start3A_20, %dma_start3A_21] : memref<32x125x80xi32, #tpu.memory_space<hbm>> -> memref<1x125x80xi32, #tpu.memory_space<hbm>>
      %dma_start3A_23 = tpu.memref_squeeze %dma_start3A_22 : memref<1x125x80xi32, #tpu.memory_space<hbm>> -> memref<125x80xi32, #tpu.memory_space<hbm>>
      %dma_start3A_24 = arith.constant 0 : i32
      %dma_start3A_25 = arith.constant 0 : i32
      %dma_start3A_26 = tpu.memref_slice %arg4[%add3A, %dma_start3A_24, %dma_start3A_25] : memref<32x125x80xi32, #tpu.memory_space<hbm>> -> memref<1x125x80xi32, #tpu.memory_space<hbm>>
      %dma_start3A_27 = tpu.memref_squeeze %dma_start3A_26 : memref<1x125x80xi32, #tpu.memory_space<hbm>> -> memref<125x80xi32, #tpu.memory_space<hbm>>
      tpu.enqueue_dma source(%dma_start3A_27 : memref<125x80xi32, #tpu.memory_space<hbm>>) target(%arg8 : memref<125x80xi32, #tpu.memory_space<vmem>>) target_semaphore(%run_scoped3A_19 : memref<!tpu.dma_semaphore, #tpu.memory_space<semaphore_mem>>)
      %dma_wait3A_28 = arith.constant 0 : i32
      %dma_wait3A_29 = arith.constant 0 : i32
      %dma_wait3A_30 = tpu.memref_slice %arg4[%add3A, %dma_wait3A_28, %dma_wait3A_29] : memref<32x125x80xi32, #tpu.memory_space<hbm>> -> memref<1x125x80xi32, #tpu.memory_space<hbm>>
      %dma_wait3A_31 = tpu.memref_squeeze %dma_wait3A_30 : memref<1x125x80xi32, #tpu.memory_space<hbm>> -> memref<125x80xi32, #tpu.memory_space<hbm>>
      %dma_wait3A_32 = arith.constant 0 : i32
      %dma_wait3A_33 = arith.constant 0 : i32
      %dma_wait3A_34 = tpu.memref_slice %arg4[%add3A, %dma_wait3A_32, %dma_wait3A_33] : memref<32x125x80xi32, #tpu.memory_space<hbm>> -> memref<1x125x80xi32, #tpu.memory_space<hbm>>
      %dma_wait3A_35 = tpu.memref_squeeze %dma_wait3A_34 : memref<1x125x80xi32, #tpu.memory_space<hbm>> -> memref<125x80xi32, #tpu.memory_space<hbm>>
      tpu.wait_dma2 semaphore(%run_scoped3A_19 : memref<!tpu.dma_semaphore, #tpu.memory_space<semaphore_mem>>) src(%dma_wait3A_35 : memref<125x80xi32, #tpu.memory_space<hbm>>) dst(%arg8 : memref<125x80xi32, #tpu.memory_space<vmem>>)
      tpu.yield
    }) : () -> ()
    %barrier3A = arith.constant 0 : index
    tpu.barrier barrier_id(%barrier3A)
    %dma_start3A = arith.constant 0 : i32
    %dma_start3A_5 = tpu.memref_slice %arg7[%dma_start3A] : memref<10000xi32, #tpu.memory_space<vmem>> -> memref<80xi32, #tpu.memory_space<vmem>>
    %dma_start3A_6 = arith.constant 0 : i32
    %dma_start3A_7 = arith.constant 0 : i32
    %dma_start3A_8 = tpu.memref_slice %arg2[%dma_start3A_6, %dma_start3A_7] : memref<10000x128xf32, #tpu.memory_space<hbm>> -> memref<10000x128xf32, #tpu.memory_space<hbm>>
    tpu.enqueue_indirect_dma source(%dma_start3A_8 : memref<10000x128xf32, #tpu.memory_space<hbm>>) target(%arg9 : memref<80x128xf32, #tpu.memory_space<vmem>>) offsets(%dma_start3A_5 : memref<80xi32, #tpu.memory_space<vmem>>) semaphore(%arg12 : memref<!tpu.dma_semaphore, #tpu.memory_space<semaphore_mem>>)
    %scan3A = arith.constant 0 : i32
    %scan3A_9 = arith.constant 0 : i32
    %scan3A_10 = arith.constant 62 : i32
    %scan3A_11 = arith.addi %scan3A_9, %scan3A_10 : i32
    %scan3A_12 = arith.constant 1 : i32
    scf.for %scan3A_19 = %scan3A_9 to %scan3A_11 step %scan3A_12  : i32 {
      %mul3A_20 = arith.constant 2 : i32
      %mul3A_21 = arith.muli %scan3A_19, %mul3A_20 : i32
      %add3A_22 = arith.constant 1 : i32
      %add3A_23 = arith.addi %mul3A_21, %add3A_22 : i32
      %mul3A_24 = arith.constant 80 : i32
      %mul3A_25 = arith.muli %add3A_23, %mul3A_24 : i32
      %dma_start3A_26 = tpu.memref_slice %arg7[%mul3A_25] : memref<10000xi32, #tpu.memory_space<vmem>> -> memref<80xi32, #tpu.memory_space<vmem>>
      %dma_start3A_27 = arith.constant 0 : i32
      %dma_start3A_28 = arith.constant 0 : i32
      %dma_start3A_29 = tpu.memref_slice %arg2[%dma_start3A_27, %dma_start3A_28] : memref<10000x128xf32, #tpu.memory_space<hbm>> -> memref<10000x128xf32, #tpu.memory_space<hbm>>
      tpu.enqueue_indirect_dma source(%dma_start3A_29 : memref<10000x128xf32, #tpu.memory_space<hbm>>) target(%arg10 : memref<80x128xf32, #tpu.memory_space<vmem>>) offsets(%dma_start3A_26 : memref<80xi32, #tpu.memory_space<vmem>>) semaphore(%arg13 : memref<!tpu.dma_semaphore, #tpu.memory_space<semaphore_mem>>)
      %mul3A_30 = arith.constant 80 : i32
      %mul3A_31 = arith.muli %mul3A_21, %mul3A_30 : i32
      %dma_wait3A_32 = tpu.memref_slice %arg7[%mul3A_31] : memref<10000xi32, #tpu.memory_space<vmem>> -> memref<80xi32, #tpu.memory_space<vmem>>
      %dma_wait3A_33 = arith.constant 0 : i32
      %dma_wait3A_34 = arith.constant 0 : i32
      %dma_wait3A_35 = tpu.memref_slice %arg2[%dma_wait3A_33, %dma_wait3A_34] : memref<10000x128xf32, #tpu.memory_space<hbm>> -> memref<10000x128xf32, #tpu.memory_space<hbm>>
      tpu.wait_indirect_dma semaphore(%arg12 : memref<!tpu.dma_semaphore, #tpu.memory_space<semaphore_mem>>) src(%dma_wait3A_35 : memref<10000x128xf32, #tpu.memory_space<hbm>>) dst(%arg9 : memref<80x128xf32, #tpu.memory_space<vmem>>)
      "tpu.region"() ({
        %run_scoped3A_54 = tpu.sem_alloc : memref<!tpu.dma_semaphore, #tpu.memory_space<semaphore_mem>>
        %dma_start3A_55 = arith.constant 0 : i32
        %dma_start3A_56 = tpu.memref_slice %arg8[%mul3A_21, %dma_start3A_55] : memref<125x80xi32, #tpu.memory_space<vmem>> -> memref<1x80xi32, #tpu.memory_space<vmem>>
        %dma_start3A_57 = tpu.memref_squeeze %dma_start3A_56 : memref<1x80xi32, #tpu.memory_space<vmem>> -> memref<80xi32, #tpu.memory_space<vmem>>
        %dma_start3A_58 = arith.constant 0 : i32
        %dma_start3A_59 = arith.constant 0 : i32
        %dma_start3A_60 = tpu.memref_slice %arg11[%dma_start3A_58, %dma_start3A_59] : memref<10240x128xf32, #tpu.memory_space<vmem_shared>> -> memref<10240x128xf32, #tpu.memory_space<vmem_shared>>
        tpu.enqueue_indirect_dma source(%arg9 : memref<80x128xf32, #tpu.memory_space<vmem>>) target(%dma_start3A_60 : memref<10240x128xf32, #tpu.memory_space<vmem_shared>>) offsets(%dma_start3A_57 : memref<80xi32, #tpu.memory_space<vmem>>) semaphore(%run_scoped3A_54 : memref<!tpu.dma_semaphore, #tpu.memory_space<semaphore_mem>>) {add = true}
        %dma_wait3A_61 = arith.constant 0 : i32
        %dma_wait3A_62 = tpu.memref_slice %arg8[%mul3A_21, %dma_wait3A_61] : memref<125x80xi32, #tpu.memory_space<vmem>> -> memref<1x80xi32, #tpu.memory_space<vmem>>
        %dma_wait3A_63 = tpu.memref_squeeze %dma_wait3A_62 : memref<1x80xi32, #tpu.memory_space<vmem>> -> memref<80xi32, #tpu.memory_space<vmem>>
        %dma_wait3A_64 = arith.constant 0 : i32
        %dma_wait3A_65 = arith.constant 0 : i32
        %dma_wait3A_66 = tpu.memref_slice %arg11[%dma_wait3A_64, %dma_wait3A_65] : memref<10240x128xf32, #tpu.memory_space<vmem_shared>> -> memref<10240x128xf32, #tpu.memory_space<vmem_shared>>
        tpu.wait_indirect_dma semaphore(%run_scoped3A_54 : memref<!tpu.dma_semaphore, #tpu.memory_space<semaphore_mem>>) src(%arg9 : memref<80x128xf32, #tpu.memory_space<vmem>>) dst(%dma_wait3A_66 : memref<10240x128xf32, #tpu.memory_space<vmem_shared>>)
        tpu.yield
      }) : () -> ()
      %add3A_36 = arith.constant 2 : i32
      %add3A_37 = arith.addi %mul3A_21, %add3A_36 : i32
      %mul3A_38 = arith.constant 80 : i32
      %mul3A_39 = arith.muli %add3A_37, %mul3A_38 : i32
      %dma_start3A_40 = tpu.memref_slice %arg7[%mul3A_39] : memref<10000xi32, #tpu.memory_space<vmem>> -> memref<80xi32, #tpu.memory_space<vmem>>
      %dma_start3A_41 = arith.constant 0 : i32
      %dma_start3A_42 = arith.constant 0 : i32
      %dma_start3A_43 = tpu.memref_slice %arg2[%dma_start3A_41, %dma_start3A_42] : memref<10000x128xf32, #tpu.memory_space<hbm>> -> memref<10000x128xf32, #tpu.memory_space<hbm>>
      tpu.enqueue_indirect_dma source(%dma_start3A_43 : memref<10000x128xf32, #tpu.memory_space<hbm>>) target(%arg9 : memref<80x128xf32, #tpu.memory_space<vmem>>) offsets(%dma_start3A_40 : memref<80xi32, #tpu.memory_space<vmem>>) semaphore(%arg12 : memref<!tpu.dma_semaphore, #tpu.memory_space<semaphore_mem>>)
      %add3A_44 = arith.constant 1 : i32
      %add3A_45 = arith.addi %mul3A_21, %add3A_44 : i32
      %mul3A_46 = arith.constant 80 : i32
      %mul3A_47 = arith.muli %add3A_45, %mul3A_46 : i32
      %dma_wait3A_48 = tpu.memref_slice %arg7[%mul3A_47] : memref<10000xi32, #tpu.memory_space<vmem>> -> memref<80xi32, #tpu.memory_space<vmem>>
      %dma_wait3A_49 = arith.constant 0 : i32
      %dma_wait3A_50 = arith.constant 0 : i32
      %dma_wait3A_51 = tpu.memref_slice %arg2[%dma_wait3A_49, %dma_wait3A_50] : memref<10000x128xf32, #tpu.memory_space<hbm>> -> memref<10000x128xf32, #tpu.memory_space<hbm>>
      tpu.wait_indirect_dma semaphore(%arg13 : memref<!tpu.dma_semaphore, #tpu.memory_space<semaphore_mem>>) src(%dma_wait3A_51 : memref<10000x128xf32, #tpu.memory_space<hbm>>) dst(%arg10 : memref<80x128xf32, #tpu.memory_space<vmem>>)
      %add3A_52 = arith.constant 1 : i32
      %add3A_53 = arith.addi %mul3A_21, %add3A_52 : i32
      "tpu.region"() ({
        %run_scoped3A_54 = tpu.sem_alloc : memref<!tpu.dma_semaphore, #tpu.memory_space<semaphore_mem>>
        %dma_start3A_55 = arith.constant 0 : i32
        %dma_start3A_56 = tpu.memref_slice %arg8[%add3A_53, %dma_start3A_55] : memref<125x80xi32, #tpu.memory_space<vmem>> -> memref<1x80xi32, #tpu.memory_space<vmem>>
        %dma_start3A_57 = tpu.memref_squeeze %dma_start3A_56 : memref<1x80xi32, #tpu.memory_space<vmem>> -> memref<80xi32, #tpu.memory_space<vmem>>
        %dma_start3A_58 = arith.constant 0 : i32
        %dma_start3A_59 = arith.constant 0 : i32
        %dma_start3A_60 = tpu.memref_slice %arg11[%dma_start3A_58, %dma_start3A_59] : memref<10240x128xf32, #tpu.memory_space<vmem_shared>> -> memref<10240x128xf32, #tpu.memory_space<vmem_shared>>
        tpu.enqueue_indirect_dma source(%arg10 : memref<80x128xf32, #tpu.memory_space<vmem>>) target(%dma_start3A_60 : memref<10240x128xf32, #tpu.memory_space<vmem_shared>>) offsets(%dma_start3A_57 : memref<80xi32, #tpu.memory_space<vmem>>) semaphore(%run_scoped3A_54 : memref<!tpu.dma_semaphore, #tpu.memory_space<semaphore_mem>>) {add = true}
        %dma_wait3A_61 = arith.constant 0 : i32
        %dma_wait3A_62 = tpu.memref_slice %arg8[%add3A_53, %dma_wait3A_61] : memref<125x80xi32, #tpu.memory_space<vmem>> -> memref<1x80xi32, #tpu.memory_space<vmem>>
        %dma_wait3A_63 = tpu.memref_squeeze %dma_wait3A_62 : memref<1x80xi32, #tpu.memory_space<vmem>> -> memref<80xi32, #tpu.memory_space<vmem>>
        %dma_wait3A_64 = arith.constant 0 : i32
        %dma_wait3A_65 = arith.constant 0 : i32
        %dma_wait3A_66 = tpu.memref_slice %arg11[%dma_wait3A_64, %dma_wait3A_65] : memref<10240x128xf32, #tpu.memory_space<vmem_shared>> -> memref<10240x128xf32, #tpu.memory_space<vmem_shared>>
        tpu.wait_indirect_dma semaphore(%run_scoped3A_54 : memref<!tpu.dma_semaphore, #tpu.memory_space<semaphore_mem>>) src(%arg10 : memref<80x128xf32, #tpu.memory_space<vmem>>) dst(%dma_wait3A_66 : memref<10240x128xf32, #tpu.memory_space<vmem_shared>>)
        tpu.yield
      }) : () -> ()
    }
    %scan3A_13 = arith.constant 62 : i32
    %dma_wait3A = arith.constant 9920 : i32
    %dma_wait3A_14 = tpu.memref_slice %arg7[%dma_wait3A] : memref<10000xi32, #tpu.memory_space<vmem>> -> memref<80xi32, #tpu.memory_space<vmem>>
    %dma_wait3A_15 = arith.constant 0 : i32
    %dma_wait3A_16 = arith.constant 0 : i32
    %dma_wait3A_17 = tpu.memref_slice %arg2[%dma_wait3A_15, %dma_wait3A_16] : memref<10000x128xf32, #tpu.memory_space<hbm>> -> memref<10000x128xf32, #tpu.memory_space<hbm>>
    tpu.wait_indirect_dma semaphore(%arg12 : memref<!tpu.dma_semaphore, #tpu.memory_space<semaphore_mem>>) src(%dma_wait3A_17 : memref<10000x128xf32, #tpu.memory_space<hbm>>) dst(%arg9 : memref<80x128xf32, #tpu.memory_space<vmem>>)
    %run_scoped3A = arith.constant 124 : i32
    "tpu.region"() ({
      %run_scoped3A_19 = tpu.sem_alloc : memref<!tpu.dma_semaphore, #tpu.memory_space<semaphore_mem>>
      %dma_start3A_20 = arith.constant 0 : i32
      %dma_start3A_21 = tpu.memref_slice %arg8[%run_scoped3A, %dma_start3A_20] : memref<125x80xi32, #tpu.memory_space<vmem>> -> memref<1x80xi32, #tpu.memory_space<vmem>>
      %dma_start3A_22 = tpu.memref_squeeze %dma_start3A_21 : memref<1x80xi32, #tpu.memory_space<vmem>> -> memref<80xi32, #tpu.memory_space<vmem>>
      %dma_start3A_23 = arith.constant 0 : i32
      %dma_start3A_24 = arith.constant 0 : i32
      %dma_start3A_25 = tpu.memref_slice %arg11[%dma_start3A_23, %dma_start3A_24] : memref<10240x128xf32, #tpu.memory_space<vmem_shared>> -> memref<10240x128xf32, #tpu.memory_space<vmem_shared>>
      tpu.enqueue_indirect_dma source(%arg9 : memref<80x128xf32, #tpu.memory_space<vmem>>) target(%dma_start3A_25 : memref<10240x128xf32, #tpu.memory_space<vmem_shared>>) offsets(%dma_start3A_22 : memref<80xi32, #tpu.memory_space<vmem>>) semaphore(%run_scoped3A_19 : memref<!tpu.dma_semaphore, #tpu.memory_space<semaphore_mem>>) {add = true}
      %dma_wait3A_26 = arith.constant 0 : i32
      %dma_wait3A_27 = tpu.memref_slice %arg8[%run_scoped3A, %dma_wait3A_26] : memref<125x80xi32, #tpu.memory_space<vmem>> -> memref<1x80xi32, #tpu.memory_space<vmem>>
      %dma_wait3A_28 = tpu.memref_squeeze %dma_wait3A_27 : memref<1x80xi32, #tpu.memory_space<vmem>> -> memref<80xi32, #tpu.memory_space<vmem>>
      %dma_wait3A_29 = arith.constant 0 : i32
      %dma_wait3A_30 = arith.constant 0 : i32
      %dma_wait3A_31 = tpu.memref_slice %arg11[%dma_wait3A_29, %dma_wait3A_30] : memref<10240x128xf32, #tpu.memory_space<vmem_shared>> -> memref<10240x128xf32, #tpu.memory_space<vmem_shared>>
      tpu.wait_indirect_dma semaphore(%run_scoped3A_19 : memref<!tpu.dma_semaphore, #tpu.memory_space<semaphore_mem>>) src(%arg9 : memref<80x128xf32, #tpu.memory_space<vmem>>) dst(%dma_wait3A_31 : memref<10240x128xf32, #tpu.memory_space<vmem_shared>>)
      tpu.yield
    }) : () -> ()
    %barrier3A_18 = arith.constant 0 : index
    tpu.barrier barrier_id(%barrier3A_18)
    "tpu.region"() ({
      %run_scoped3A_19 = tpu.sem_alloc : memref<!tpu.dma_semaphore, #tpu.memory_space<semaphore_mem>>
      %dma_start3A_20 = arith.constant 0 : i32
      %dma_start3A_21 = tpu.memref_slice %arg6[%arg0, %mul3A_2, %dma_start3A_20] : memref<2x10240x128xf32, #tpu.memory_space<hbm>> -> memref<1x640x128xf32, #tpu.memory_space<hbm>>
      %dma_start3A_22 = tpu.memref_squeeze %dma_start3A_21 : memref<1x640x128xf32, #tpu.memory_space<hbm>> -> memref<640x128xf32, #tpu.memory_space<hbm>>
      %dma_start3A_23 = arith.constant 0 : i32
      %dma_start3A_24 = tpu.memref_slice %arg11[%mul3A_2, %dma_start3A_23] : memref<10240x128xf32, #tpu.memory_space<vmem_shared>> -> memref<640x128xf32, #tpu.memory_space<vmem_shared>>
      tpu.enqueue_dma source(%dma_start3A_24 : memref<640x128xf32, #tpu.memory_space<vmem_shared>>) target(%dma_start3A_22 : memref<640x128xf32, #tpu.memory_space<hbm>>) target_semaphore(%run_scoped3A_19 : memref<!tpu.dma_semaphore, #tpu.memory_space<semaphore_mem>>)
      %dma_wait3A_25 = arith.constant 0 : i32
      %dma_wait3A_26 = tpu.memref_slice %arg6[%arg0, %mul3A_2, %dma_wait3A_25] : memref<2x10240x128xf32, #tpu.memory_space<hbm>> -> memref<1x640x128xf32, #tpu.memory_space<hbm>>
      %dma_wait3A_27 = tpu.memref_squeeze %dma_wait3A_26 : memref<1x640x128xf32, #tpu.memory_space<hbm>> -> memref<640x128xf32, #tpu.memory_space<hbm>>
      %dma_wait3A_28 = arith.constant 0 : i32
      %dma_wait3A_29 = tpu.memref_slice %arg11[%mul3A_2, %dma_wait3A_28] : memref<10240x128xf32, #tpu.memory_space<vmem_shared>> -> memref<640x128xf32, #tpu.memory_space<vmem_shared>>
      tpu.wait_dma2 semaphore(%run_scoped3A_19 : memref<!tpu.dma_semaphore, #tpu.memory_space<semaphore_mem>>) src(%dma_wait3A_29 : memref<640x128xf32, #tpu.memory_space<vmem_shared>>) dst(%dma_wait3A_27 : memref<640x128xf32, #tpu.memory_space<hbm>>)
      tpu.yield
    }) : () -> ()
    return
  }
}

#map = affine_map<(d0, d1) -> (0, 0)>
#map1 = affine_map<(d0, d1) -> (0)>
#map2 = affine_map<(d0, d1) -> (0, 0, 0)>
module attributes {stable_mosaic.version = 14 : i64} {
  func.func @_scatter_body(%arg0: i32, %arg1: i32, %arg2: memref<10000x128xf32, #tpu.memory_space<hbm>>, %arg3: memref<320000xi32, #tpu.memory_space<hbm>>, %arg4: memref<32x125x80xi32, #tpu.memory_space<hbm>>, %arg5: memref<10240x128xf32, #tpu.memory_space<hbm>>, %arg6: memref<2x10240x128xf32, #tpu.memory_space<hbm>>, %arg7: memref<10000xi32, #tpu.memory_space<vmem>>, %arg8: memref<125x80xi32, #tpu.memory_space<vmem>>, %arg9: memref<80x128xf32, #tpu.memory_space<vmem>>, %arg10: memref<80x128xf32, #tpu.memory_space<vmem>>, %arg11: memref<10240x128xf32, #tpu.memory_space<vmem_shared>>, %arg12: memref<!tpu.dma_semaphore, #tpu.memory_space<semaphore_mem>>, %arg13: memref<!tpu.dma_semaphore, #tpu.memory_space<semaphore_mem>>) attributes {dimension_semantics = [#tpu.dimension_semantics<core_parallel>, #tpu.dimension_semantics<subcore_parallel>], iteration_bounds = array<i64: 2, 16>, scalar_prefetch = 0 : i64, scratch_operands = 7 : i64, tpu.core_type = #tpu.core_type<sc_vector_subcore>, window_params = [{transform_indices = #map}, {transform_indices = #map1}, {transform_indices = #map2}, {transform_indices = #map}, {transform_indices = #map2}]} {
    %mul3A = arith.constant 16 : i32
    %mul3A_0 = arith.muli %arg0, %mul3A : i32
    %add3A = arith.addi %mul3A_0, %arg1 : i32
    %mul3A_1 = arith.constant 640 : i32
    %mul3A_2 = arith.muli %arg1, %mul3A_1 : i32
    "tpu.region"() ({
      %run_scoped3A_19 = tpu.sem_alloc : memref<!tpu.dma_semaphore, #tpu.memory_space<semaphore_mem>>
      %dma_start3A_20 = arith.constant 0 : i32
      %dma_start3A_21 = tpu.memref_slice %arg11[%mul3A_2, %dma_start3A_20] : memref<10240x128xf32, #tpu.memory_space<vmem_shared>> -> memref<640x128xf32, #tpu.memory_space<vmem_shared>>
      %dma_start3A_22 = arith.constant 0 : i32
      %dma_start3A_23 = tpu.memref_slice %arg5[%mul3A_2, %dma_start3A_22] : memref<10240x128xf32, #tpu.memory_space<hbm>> -> memref<640x128xf32, #tpu.memory_space<hbm>>
      tpu.enqueue_dma source(%dma_start3A_23 : memref<640x128xf32, #tpu.memory_space<hbm>>) target(%dma_start3A_21 : memref<640x128xf32, #tpu.memory_space<vmem_shared>>) target_semaphore(%run_scoped3A_19 : memref<!tpu.dma_semaphore, #tpu.memory_space<semaphore_mem>>)
      %dma_wait3A_24 = arith.constant 0 : i32
      %dma_wait3A_25 = tpu.memref_slice %arg11[%mul3A_2, %dma_wait3A_24] : memref<10240x128xf32, #tpu.memory_space<vmem_shared>> -> memref<640x128xf32, #tpu.memory_space<vmem_shared>>
      %dma_wait3A_26 = arith.constant 0 : i32
      %dma_wait3A_27 = tpu.memref_slice %arg5[%mul3A_2, %dma_wait3A_26] : memref<10240x128xf32, #tpu.memory_space<hbm>> -> memref<640x128xf32, #tpu.memory_space<hbm>>
      tpu.wait_dma2 semaphore(%run_scoped3A_19 : memref<!tpu.dma_semaphore, #tpu.memory_space<semaphore_mem>>) src(%dma_wait3A_27 : memref<640x128xf32, #tpu.memory_space<hbm>>) dst(%dma_wait3A_25 : memref<640x128xf32, #tpu.memory_space<vmem_shared>>)
      tpu.yield
    }) : () -> ()
    %mul3A_3 = arith.constant 10000 : i32
    %mul3A_4 = arith.muli %add3A, %mul3A_3 : i32
    "tpu.region"() ({
      %run_scoped3A_19 = tpu.sem_alloc : memref<!tpu.dma_semaphore, #tpu.memory_space<semaphore_mem>>
      %dma_start3A_20 = tpu.memref_slice %arg3[%mul3A_4] : memref<320000xi32, #tpu.memory_space<hbm>> -> memref<10000xi32, #tpu.memory_space<hbm>>
      %dma_start3A_21 = tpu.memref_slice %arg3[%mul3A_4] : memref<320000xi32, #tpu.memory_space<hbm>> -> memref<10000xi32, #tpu.memory_space<hbm>>
      tpu.enqueue_dma source(%dma_start3A_21 : memref<10000xi32, #tpu.memory_space<hbm>>) target(%arg7 : memref<10000xi32, #tpu.memory_space<vmem>>) target_semaphore(%run_scoped3A_19 : memref<!tpu.dma_semaphore, #tpu.memory_space<semaphore_mem>>)
      %dma_wait3A_22 = tpu.memref_slice %arg3[%mul3A_4] : memref<320000xi32, #tpu.memory_space<hbm>> -> memref<10000xi32, #tpu.memory_space<hbm>>
      %dma_wait3A_23 = tpu.memref_slice %arg3[%mul3A_4] : memref<320000xi32, #tpu.memory_space<hbm>> -> memref<10000xi32, #tpu.memory_space<hbm>>
      tpu.wait_dma2 semaphore(%run_scoped3A_19 : memref<!tpu.dma_semaphore, #tpu.memory_space<semaphore_mem>>) src(%dma_wait3A_23 : memref<10000xi32, #tpu.memory_space<hbm>>) dst(%arg7 : memref<10000xi32, #tpu.memory_space<vmem>>)
      tpu.yield
    }) : () -> ()
    "tpu.region"() ({
      %run_scoped3A_19 = tpu.sem_alloc : memref<!tpu.dma_semaphore, #tpu.memory_space<semaphore_mem>>
      %dma_start3A_20 = arith.constant 0 : i32
      %dma_start3A_21 = arith.constant 0 : i32
      %dma_start3A_22 = tpu.memref_slice %arg4[%add3A, %dma_start3A_20, %dma_start3A_21] : memref<32x125x80xi32, #tpu.memory_space<hbm>> -> memref<1x125x80xi32, #tpu.memory_space<hbm>>
      %dma_start3A_23 = tpu.memref_squeeze %dma_start3A_22 : memref<1x125x80xi32, #tpu.memory_space<hbm>> -> memref<125x80xi32, #tpu.memory_space<hbm>>
      %dma_start3A_24 = arith.constant 0 : i32
      %dma_start3A_25 = arith.constant 0 : i32
      %dma_start3A_26 = tpu.memref_slice %arg4[%add3A, %dma_start3A_24, %dma_start3A_25] : memref<32x125x80xi32, #tpu.memory_space<hbm>> -> memref<1x125x80xi32, #tpu.memory_space<hbm>>
      %dma_start3A_27 = tpu.memref_squeeze %dma_start3A_26 : memref<1x125x80xi32, #tpu.memory_space<hbm>> -> memref<125x80xi32, #tpu.memory_space<hbm>>
      tpu.enqueue_dma source(%dma_start3A_27 : memref<125x80xi32, #tpu.memory_space<hbm>>) target(%arg8 : memref<125x80xi32, #tpu.memory_space<vmem>>) target_semaphore(%run_scoped3A_19 : memref<!tpu.dma_semaphore, #tpu.memory_space<semaphore_mem>>)
      %dma_wait3A_28 = arith.constant 0 : i32
      %dma_wait3A_29 = arith.constant 0 : i32
      %dma_wait3A_30 = tpu.memref_slice %arg4[%add3A, %dma_wait3A_28, %dma_wait3A_29] : memref<32x125x80xi32, #tpu.memory_space<hbm>> -> memref<1x125x80xi32, #tpu.memory_space<hbm>>
      %dma_wait3A_31 = tpu.memref_squeeze %dma_wait3A_30 : memref<1x125x80xi32, #tpu.memory_space<hbm>> -> memref<125x80xi32, #tpu.memory_space<hbm>>
      %dma_wait3A_32 = arith.constant 0 : i32
      %dma_wait3A_33 = arith.constant 0 : i32
      %dma_wait3A_34 = tpu.memref_slice %arg4[%add3A, %dma_wait3A_32, %dma_wait3A_33] : memref<32x125x80xi32, #tpu.memory_space<hbm>> -> memref<1x125x80xi32, #tpu.memory_space<hbm>>
      %dma_wait3A_35 = tpu.memref_squeeze %dma_wait3A_34 : memref<1x125x80xi32, #tpu.memory_space<hbm>> -> memref<125x80xi32, #tpu.memory_space<hbm>>
      tpu.wait_dma2 semaphore(%run_scoped3A_19 : memref<!tpu.dma_semaphore, #tpu.memory_space<semaphore_mem>>) src(%dma_wait3A_35 : memref<125x80xi32, #tpu.memory_space<hbm>>) dst(%arg8 : memref<125x80xi32, #tpu.memory_space<vmem>>)
      tpu.yield
    }) : () -> ()
    %barrier3A = arith.constant 0 : index
    tpu.barrier barrier_id(%barrier3A)
    %dma_start3A = arith.constant 0 : i32
    %dma_start3A_5 = tpu.memref_slice %arg7[%dma_start3A] : memref<10000xi32, #tpu.memory_space<vmem>> -> memref<80xi32, #tpu.memory_space<vmem>>
    %dma_start3A_6 = arith.constant 0 : i32
    %dma_start3A_7 = arith.constant 0 : i32
    %dma_start3A_8 = tpu.memref_slice %arg2[%dma_start3A_6, %dma_start3A_7] : memref<10000x128xf32, #tpu.memory_space<hbm>> -> memref<10000x128xf32, #tpu.memory_space<hbm>>
    tpu.enqueue_indirect_dma source(%dma_start3A_8 : memref<10000x128xf32, #tpu.memory_space<hbm>>) target(%arg9 : memref<80x128xf32, #tpu.memory_space<vmem>>) offsets(%dma_start3A_5 : memref<80xi32, #tpu.memory_space<vmem>>) semaphore(%arg12 : memref<!tpu.dma_semaphore, #tpu.memory_space<semaphore_mem>>)
    %scan3A = arith.constant 0 : i32
    %scan3A_9 = arith.constant 0 : i32
    %scan3A_10 = arith.constant 62 : i32
    %scan3A_11 = arith.addi %scan3A_9, %scan3A_10 : i32
    %scan3A_12 = arith.constant 1 : i32
    scf.for %scan3A_19 = %scan3A_9 to %scan3A_11 step %scan3A_12  : i32 {
      %mul3A_20 = arith.constant 2 : i32
      %mul3A_21 = arith.muli %scan3A_19, %mul3A_20 : i32
      %add3A_22 = arith.constant 1 : i32
      %add3A_23 = arith.addi %mul3A_21, %add3A_22 : i32
      %mul3A_24 = arith.constant 80 : i32
      %mul3A_25 = arith.muli %add3A_23, %mul3A_24 : i32
      %dma_start3A_26 = tpu.memref_slice %arg7[%mul3A_25] : memref<10000xi32, #tpu.memory_space<vmem>> -> memref<80xi32, #tpu.memory_space<vmem>>
      %dma_start3A_27 = arith.constant 0 : i32
      %dma_start3A_28 = arith.constant 0 : i32
      %dma_start3A_29 = tpu.memref_slice %arg2[%dma_start3A_27, %dma_start3A_28] : memref<10000x128xf32, #tpu.memory_space<hbm>> -> memref<10000x128xf32, #tpu.memory_space<hbm>>
      tpu.enqueue_indirect_dma source(%dma_start3A_29 : memref<10000x128xf32, #tpu.memory_space<hbm>>) target(%arg10 : memref<80x128xf32, #tpu.memory_space<vmem>>) offsets(%dma_start3A_26 : memref<80xi32, #tpu.memory_space<vmem>>) semaphore(%arg13 : memref<!tpu.dma_semaphore, #tpu.memory_space<semaphore_mem>>)
      %mul3A_30 = arith.constant 80 : i32
      %mul3A_31 = arith.muli %mul3A_21, %mul3A_30 : i32
      %dma_wait3A_32 = tpu.memref_slice %arg7[%mul3A_31] : memref<10000xi32, #tpu.memory_space<vmem>> -> memref<80xi32, #tpu.memory_space<vmem>>
      %dma_wait3A_33 = arith.constant 0 : i32
      %dma_wait3A_34 = arith.constant 0 : i32
      %dma_wait3A_35 = tpu.memref_slice %arg2[%dma_wait3A_33, %dma_wait3A_34] : memref<10000x128xf32, #tpu.memory_space<hbm>> -> memref<10000x128xf32, #tpu.memory_space<hbm>>
      tpu.wait_indirect_dma semaphore(%arg12 : memref<!tpu.dma_semaphore, #tpu.memory_space<semaphore_mem>>) src(%dma_wait3A_35 : memref<10000x128xf32, #tpu.memory_space<hbm>>) dst(%arg9 : memref<80x128xf32, #tpu.memory_space<vmem>>)
      "tpu.region"() ({
        %run_scoped3A_54 = tpu.sem_alloc : memref<!tpu.dma_semaphore, #tpu.memory_space<semaphore_mem>>
        %dma_start3A_55 = arith.constant 0 : i32
        %dma_start3A_56 = tpu.memref_slice %arg8[%mul3A_21, %dma_start3A_55] : memref<125x80xi32, #tpu.memory_space<vmem>> -> memref<1x80xi32, #tpu.memory_space<vmem>>
        %dma_start3A_57 = tpu.memref_squeeze %dma_start3A_56 : memref<1x80xi32, #tpu.memory_space<vmem>> -> memref<80xi32, #tpu.memory_space<vmem>>
        %dma_start3A_58 = arith.constant 0 : i32
        %dma_start3A_59 = arith.constant 0 : i32
        %dma_start3A_60 = tpu.memref_slice %arg11[%dma_start3A_58, %dma_start3A_59] : memref<10240x128xf32, #tpu.memory_space<vmem_shared>> -> memref<10240x128xf32, #tpu.memory_space<vmem_shared>>
        tpu.enqueue_indirect_dma source(%arg9 : memref<80x128xf32, #tpu.memory_space<vmem>>) target(%dma_start3A_60 : memref<10240x128xf32, #tpu.memory_space<vmem_shared>>) offsets(%dma_start3A_57 : memref<80xi32, #tpu.memory_space<vmem>>) semaphore(%run_scoped3A_54 : memref<!tpu.dma_semaphore, #tpu.memory_space<semaphore_mem>>) {add = true}
        %dma_wait3A_61 = arith.constant 0 : i32
        %dma_wait3A_62 = tpu.memref_slice %arg8[%mul3A_21, %dma_wait3A_61] : memref<125x80xi32, #tpu.memory_space<vmem>> -> memref<1x80xi32, #tpu.memory_space<vmem>>
        %dma_wait3A_63 = tpu.memref_squeeze %dma_wait3A_62 : memref<1x80xi32, #tpu.memory_space<vmem>> -> memref<80xi32, #tpu.memory_space<vmem>>
        %dma_wait3A_64 = arith.constant 0 : i32
        %dma_wait3A_65 = arith.constant 0 : i32
        %dma_wait3A_66 = tpu.memref_slice %arg11[%dma_wait3A_64, %dma_wait3A_65] : memref<10240x128xf32, #tpu.memory_space<vmem_shared>> -> memref<10240x128xf32, #tpu.memory_space<vmem_shared>>
        tpu.wait_indirect_dma semaphore(%run_scoped3A_54 : memref<!tpu.dma_semaphore, #tpu.memory_space<semaphore_mem>>) src(%arg9 : memref<80x128xf32, #tpu.memory_space<vmem>>) dst(%dma_wait3A_66 : memref<10240x128xf32, #tpu.memory_space<vmem_shared>>)
        tpu.yield
      }) : () -> ()
      %add3A_36 = arith.constant 2 : i32
      %add3A_37 = arith.addi %mul3A_21, %add3A_36 : i32
      %mul3A_38 = arith.constant 80 : i32
      %mul3A_39 = arith.muli %add3A_37, %mul3A_38 : i32
      %dma_start3A_40 = tpu.memref_slice %arg7[%mul3A_39] : memref<10000xi32, #tpu.memory_space<vmem>> -> memref<80xi32, #tpu.memory_space<vmem>>
      %dma_start3A_41 = arith.constant 0 : i32
      %dma_start3A_42 = arith.constant 0 : i32
      %dma_start3A_43 = tpu.memref_slice %arg2[%dma_start3A_41, %dma_start3A_42] : memref<10000x128xf32, #tpu.memory_space<hbm>> -> memref<10000x128xf32, #tpu.memory_space<hbm>>
      tpu.enqueue_indirect_dma source(%dma_start3A_43 : memref<10000x128xf32, #tpu.memory_space<hbm>>) target(%arg9 : memref<80x128xf32, #tpu.memory_space<vmem>>) offsets(%dma_start3A_40 : memref<80xi32, #tpu.memory_space<vmem>>) semaphore(%arg12 : memref<!tpu.dma_semaphore, #tpu.memory_space<semaphore_mem>>)
      %add3A_44 = arith.constant 1 : i32
      %add3A_45 = arith.addi %mul3A_21, %add3A_44 : i32
      %mul3A_46 = arith.constant 80 : i32
      %mul3A_47 = arith.muli %add3A_45, %mul3A_46 : i32
      %dma_wait3A_48 = tpu.memref_slice %arg7[%mul3A_47] : memref<10000xi32, #tpu.memory_space<vmem>> -> memref<80xi32, #tpu.memory_space<vmem>>
      %dma_wait3A_49 = arith.constant 0 : i32
      %dma_wait3A_50 = arith.constant 0 : i32
      %dma_wait3A_51 = tpu.memref_slice %arg2[%dma_wait3A_49, %dma_wait3A_50] : memref<10000x128xf32, #tpu.memory_space<hbm>> -> memref<10000x128xf32, #tpu.memory_space<hbm>>
      tpu.wait_indirect_dma semaphore(%arg13 : memref<!tpu.dma_semaphore, #tpu.memory_space<semaphore_mem>>) src(%dma_wait3A_51 : memref<10000x128xf32, #tpu.memory_space<hbm>>) dst(%arg10 : memref<80x128xf32, #tpu.memory_space<vmem>>)
      %add3A_52 = arith.constant 1 : i32
      %add3A_53 = arith.addi %mul3A_21, %add3A_52 : i32
      "tpu.region"() ({
        %run_scoped3A_54 = tpu.sem_alloc : memref<!tpu.dma_semaphore, #tpu.memory_space<semaphore_mem>>
        %dma_start3A_55 = arith.constant 0 : i32
        %dma_start3A_56 = tpu.memref_slice %arg8[%add3A_53, %dma_start3A_55] : memref<125x80xi32, #tpu.memory_space<vmem>> -> memref<1x80xi32, #tpu.memory_space<vmem>>
        %dma_start3A_57 = tpu.memref_squeeze %dma_start3A_56 : memref<1x80xi32, #tpu.memory_space<vmem>> -> memref<80xi32, #tpu.memory_space<vmem>>
        %dma_start3A_58 = arith.constant 0 : i32
        %dma_start3A_59 = arith.constant 0 : i32
        %dma_start3A_60 = tpu.memref_slice %arg11[%dma_start3A_58, %dma_start3A_59] : memref<10240x128xf32, #tpu.memory_space<vmem_shared>> -> memref<10240x128xf32, #tpu.memory_space<vmem_shared>>
        tpu.enqueue_indirect_dma source(%arg10 : memref<80x128xf32, #tpu.memory_space<vmem>>) target(%dma_start3A_60 : memref<10240x128xf32, #tpu.memory_space<vmem_shared>>) offsets(%dma_start3A_57 : memref<80xi32, #tpu.memory_space<vmem>>) semaphore(%run_scoped3A_54 : memref<!tpu.dma_semaphore, #tpu.memory_space<semaphore_mem>>) {add = true}
        %dma_wait3A_61 = arith.constant 0 : i32
        %dma_wait3A_62 = tpu.memref_slice %arg8[%add3A_53, %dma_wait3A_61] : memref<125x80xi32, #tpu.memory_space<vmem>> -> memref<1x80xi32, #tpu.memory_space<vmem>>
        %dma_wait3A_63 = tpu.memref_squeeze %dma_wait3A_62 : memref<1x80xi32, #tpu.memory_space<vmem>> -> memref<80xi32, #tpu.memory_space<vmem>>
        %dma_wait3A_64 = arith.constant 0 : i32
        %dma_wait3A_65 = arith.constant 0 : i32
        %dma_wait3A_66 = tpu.memref_slice %arg11[%dma_wait3A_64, %dma_wait3A_65] : memref<10240x128xf32, #tpu.memory_space<vmem_shared>> -> memref<10240x128xf32, #tpu.memory_space<vmem_shared>>
        tpu.wait_indirect_dma semaphore(%run_scoped3A_54 : memref<!tpu.dma_semaphore, #tpu.memory_space<semaphore_mem>>) src(%arg10 : memref<80x128xf32, #tpu.memory_space<vmem>>) dst(%dma_wait3A_66 : memref<10240x128xf32, #tpu.memory_space<vmem_shared>>)
        tpu.yield
      }) : () -> ()
    }
    %scan3A_13 = arith.constant 62 : i32
    %dma_wait3A = arith.constant 9920 : i32
    %dma_wait3A_14 = tpu.memref_slice %arg7[%dma_wait3A] : memref<10000xi32, #tpu.memory_space<vmem>> -> memref<80xi32, #tpu.memory_space<vmem>>
    %dma_wait3A_15 = arith.constant 0 : i32
    %dma_wait3A_16 = arith.constant 0 : i32
    %dma_wait3A_17 = tpu.memref_slice %arg2[%dma_wait3A_15, %dma_wait3A_16] : memref<10000x128xf32, #tpu.memory_space<hbm>> -> memref<10000x128xf32, #tpu.memory_space<hbm>>
    tpu.wait_indirect_dma semaphore(%arg12 : memref<!tpu.dma_semaphore, #tpu.memory_space<semaphore_mem>>) src(%dma_wait3A_17 : memref<10000x128xf32, #tpu.memory_space<hbm>>) dst(%arg9 : memref<80x128xf32, #tpu.memory_space<vmem>>)
    %run_scoped3A = arith.constant 124 : i32
    "tpu.region"() ({
      %run_scoped3A_19 = tpu.sem_alloc : memref<!tpu.dma_semaphore, #tpu.memory_space<semaphore_mem>>
      %dma_start3A_20 = arith.constant 0 : i32
      %dma_start3A_21 = tpu.memref_slice %arg8[%run_scoped3A, %dma_start3A_20] : memref<125x80xi32, #tpu.memory_space<vmem>> -> memref<1x80xi32, #tpu.memory_space<vmem>>
      %dma_start3A_22 = tpu.memref_squeeze %dma_start3A_21 : memref<1x80xi32, #tpu.memory_space<vmem>> -> memref<80xi32, #tpu.memory_space<vmem>>
      %dma_start3A_23 = arith.constant 0 : i32
      %dma_start3A_24 = arith.constant 0 : i32
      %dma_start3A_25 = tpu.memref_slice %arg11[%dma_start3A_23, %dma_start3A_24] : memref<10240x128xf32, #tpu.memory_space<vmem_shared>> -> memref<10240x128xf32, #tpu.memory_space<vmem_shared>>
      tpu.enqueue_indirect_dma source(%arg9 : memref<80x128xf32, #tpu.memory_space<vmem>>) target(%dma_start3A_25 : memref<10240x128xf32, #tpu.memory_space<vmem_shared>>) offsets(%dma_start3A_22 : memref<80xi32, #tpu.memory_space<vmem>>) semaphore(%run_scoped3A_19 : memref<!tpu.dma_semaphore, #tpu.memory_space<semaphore_mem>>) {add = true}
      %dma_wait3A_26 = arith.constant 0 : i32
      %dma_wait3A_27 = tpu.memref_slice %arg8[%run_scoped3A, %dma_wait3A_26] : memref<125x80xi32, #tpu.memory_space<vmem>> -> memref<1x80xi32, #tpu.memory_space<vmem>>
      %dma_wait3A_28 = tpu.memref_squeeze %dma_wait3A_27 : memref<1x80xi32, #tpu.memory_space<vmem>> -> memref<80xi32, #tpu.memory_space<vmem>>
      %dma_wait3A_29 = arith.constant 0 : i32
      %dma_wait3A_30 = arith.constant 0 : i32
      %dma_wait3A_31 = tpu.memref_slice %arg11[%dma_wait3A_29, %dma_wait3A_30] : memref<10240x128xf32, #tpu.memory_space<vmem_shared>> -> memref<10240x128xf32, #tpu.memory_space<vmem_shared>>
      tpu.wait_indirect_dma semaphore(%run_scoped3A_19 : memref<!tpu.dma_semaphore, #tpu.memory_space<semaphore_mem>>) src(%arg9 : memref<80x128xf32, #tpu.memory_space<vmem>>) dst(%dma_wait3A_31 : memref<10240x128xf32, #tpu.memory_space<vmem_shared>>)
      tpu.yield
    }) : () -> ()
    %barrier3A_18 = arith.constant 0 : index
    tpu.barrier barrier_id(%barrier3A_18)
    "tpu.region"() ({
      %run_scoped3A_19 = tpu.sem_alloc : memref<!tpu.dma_semaphore, #tpu.memory_space<semaphore_mem>>
      %dma_start3A_20 = arith.constant 0 : i32
      %dma_start3A_21 = tpu.memref_slice %arg6[%arg0, %mul3A_2, %dma_start3A_20] : memref<2x10240x128xf32, #tpu.memory_space<hbm>> -> memref<1x640x128xf32, #tpu.memory_space<hbm>>
      %dma_start3A_22 = tpu.memref_squeeze %dma_start3A_21 : memref<1x640x128xf32, #tpu.memory_space<hbm>> -> memref<640x128xf32, #tpu.memory_space<hbm>>
      %dma_start3A_23 = arith.constant 0 : i32
      %dma_start3A_24 = tpu.memref_slice %arg11[%mul3A_2, %dma_start3A_23] : memref<10240x128xf32, #tpu.memory_space<vmem_shared>> -> memref<640x128xf32, #tpu.memory_space<vmem_shared>>
      tpu.enqueue_dma source(%dma_start3A_24 : memref<640x128xf32, #tpu.memory_space<vmem_shared>>) target(%dma_start3A_22 : memref<640x128xf32, #tpu.memory_space<hbm>>) target_semaphore(%run_scoped3A_19 : memref<!tpu.dma_semaphore, #tpu.memory_space<semaphore_mem>>)
      %dma_wait3A_25 = arith.constant 0 : i32
      %dma_wait3A_26 = tpu.memref_slice %arg6[%arg0, %mul3A_2, %dma_wait3A_25] : memref<2x10240x128xf32, #tpu.memory_space<hbm>> -> memref<1x640x128xf32, #tpu.memory_space<hbm>>
      %dma_wait3A_27 = tpu.memref_squeeze %dma_wait3A_26 : memref<1x640x128xf32, #tpu.memory_space<hbm>> -> memref<640x128xf32, #tpu.memory_space<hbm>>
      %dma_wait3A_28 = arith.constant 0 : i32
      %dma_wait3A_29 = tpu.memref_slice %arg11[%mul3A_2, %dma_wait3A_28] : memref<10240x128xf32, #tpu.memory_space<vmem_shared>> -> memref<640x128xf32, #tpu.memory_space<vmem_shared>>
      tpu.wait_dma2 semaphore(%run_scoped3A_19 : memref<!tpu.dma_semaphore, #tpu.memory_space<semaphore_mem>>) src(%dma_wait3A_29 : memref<640x128xf32, #tpu.memory_space<vmem_shared>>) dst(%dma_wait3A_27 : memref<640x128xf32, #tpu.memory_space<hbm>>)
      tpu.yield
    }) : () -> ()
    return
  }
}

module attributes {stable_mosaic.version = 14 : i64} {
  func.func @_prep_kernel(%arg0: i32, %arg1: memref<2x2000x128xf32, #tpu.memory_space<vmem>>, %arg2: memref<2000x128xf32, #tpu.memory_space<vmem>>, %arg3: memref<128x128xf32, #tpu.memory_space<vmem>>, %arg4: memref<2000x1xf32, #tpu.memory_space<vmem>>, %arg5: memref<2000x128xf32, #tpu.memory_space<vmem>>) attributes {dimension_semantics = [#tpu.dimension_semantics<arbitrary>], iteration_bounds = array<i64: 5>, scalar_prefetch = 0 : i64, scratch_operands = 0 : i64, tpu.core_type = #tpu.core_type<tc>, window_params = [{transform_indices = @transform_0, window_bounds = array<i64: 2, 2000, 128>}, {transform_indices = @transform_1, window_bounds = array<i64: 2000, 128>}, {pipeline_mode = #tpu.pipeline_mode<synchronous>, transform_indices = @transform_2, window_bounds = array<i64: 128, 128>}, {transform_indices = @transform_3, window_bounds = array<i64: 2000, 1>}, {transform_indices = @transform_4, window_bounds = array<i64: 2000, 128>}]} {
    %get3A = arith.constant 0 : index
    %get3A_0 = arith.constant 0 : index
    %get3A_1 = arith.constant 0 : index
    %get3A_2 = vector.load %arg1[%get3A, %get3A_0, %get3A_1] : memref<2x2000x128xf32, #tpu.memory_space<vmem>>, vector<1x2000x1xf32>
    %get3A_3 = vector.shape_cast %get3A_2 : vector<1x2000x1xf32> to vector<2000x1xf32>
    %get3A_4 = arith.constant 1 : index
    %get3A_5 = arith.constant 0 : index
    %get3A_6 = arith.constant 0 : index
    %get3A_7 = vector.load %arg1[%get3A_4, %get3A_5, %get3A_6] : memref<2x2000x128xf32, #tpu.memory_space<vmem>>, vector<1x2000x1xf32>
    %get3A_8 = vector.shape_cast %get3A_7 : vector<1x2000x1xf32> to vector<2000x1xf32>
    %add3A = arith.addf %get3A_3, %get3A_8 : vector<2000x1xf32>
    %add3A_9 = arith.constant 1.000000e+00 : f32
    %add3A_10 = vector.broadcast %add3A_9 : f32 to vector<2000x1xf32>
    %add3A_11 = arith.addf %add3A, %add3A_10 : vector<2000x1xf32>
    %rsqrt3A = math.rsqrt %add3A_11 : vector<2000x1xf32>
    %swap3A = arith.constant 0 : index
    %swap3A_12 = arith.constant 0 : index
    %swap3A_13 = vector.load %arg4[%swap3A, %swap3A_12] : memref<2000x1xf32, #tpu.memory_space<vmem>>, vector<2000x1xf32>
    tpu.vector_store %arg4[%swap3A, %swap3A_12], %rsqrt3A {strides = array<i32>} : memref<2000x1xf32, #tpu.memory_space<vmem>>, vector<2000x1xf32>,
    %get3A_14 = arith.constant 0 : index
    %get3A_15 = arith.constant 0 : index
    %get3A_16 = vector.load %arg2[%get3A_14, %get3A_15] : memref<2000x128xf32, #tpu.memory_space<vmem>>, vector<2000x128xf32>
    %get3A_17 = arith.constant 0 : index
    %get3A_18 = arith.constant 0 : index
    %get3A_19 = vector.load %arg3[%get3A_17, %get3A_18] : memref<128x128xf32, #tpu.memory_space<vmem>>, vector<128x128xf32>
    %dot_general3A = arith.constant dense<0.000000e+00> : vector<2000x128xf32>
    %dot_general3A_20 = tpu.matmul %get3A_16, %get3A_19, %dot_general3A {dimension_numbers = #tpu.dot_dimension_numbers<[1], [0], [0], [1], [0, 0, 1, 1], [], []>, precision = #tpu.contract_precision<fp32>, transpose_lhs_hint = false} : vector<2000x128xf32>, vector<128x128xf32>, vector<2000x128xf32> -> vector<2000x128xf32>
    %mul3A = vector.broadcast %rsqrt3A : vector<2000x1xf32> to vector<2000x128xf32>
    %mul3A_21 = arith.mulf %dot_general3A_20, %mul3A : vector<2000x128xf32>
    %swap3A_22 = arith.constant 0 : index
    %swap3A_23 = arith.constant 0 : index
    %swap3A_24 = vector.load %arg5[%swap3A_22, %swap3A_23] : memref<2000x128xf32, #tpu.memory_space<vmem>>, vector<2000x128xf32>
    tpu.vector_store %arg5[%swap3A_22, %swap3A_23], %mul3A_21 {strides = array<i32>} : memref<2000x128xf32, #tpu.memory_space<vmem>>, vector<2000x128xf32>,
    return
  }
  func.func @transform_0(%arg0: i32) -> (i32, i32, i32) {
    %c0_i32 = arith.constant 0 : i32
    %c0_i32_0 = arith.constant 0 : i32
    %c0_i32_1 = arith.constant 0 : i32
    return %c0_i32, %arg0, %c0_i32_0 : i32, i32, i32
  }
  func.func @transform_1(%arg0: i32) -> (i32, i32) {
    %c0_i32 = arith.constant 0 : i32
    %c0_i32_0 = arith.constant 0 : i32
    return %arg0, %c0_i32 : i32, i32
  }
  func.func @transform_2(%arg0: i32) -> (i32, i32) {
    %c0_i32 = arith.constant 0 : i32
    %c0_i32_0 = arith.constant 0 : i32
    %c0_i32_1 = arith.constant 0 : i32
    return %c0_i32, %c0_i32_0 : i32, i32
  }
  func.func @transform_3(%arg0: i32) -> (i32, i32) {
    %c0_i32 = arith.constant 0 : i32
    %c0_i32_0 = arith.constant 0 : i32
    return %arg0, %c0_i32 : i32, i32
  }
  func.func @transform_4(%arg0: i32) -> (i32, i32) {
    %c0_i32 = arith.constant 0 : i32
    %c0_i32_0 = arith.constant 0 : i32
    return %arg0, %c0_i32 : i32, i32
  }
}

module attributes {stable_mosaic.version = 14 : i64} {
  func.func @_stats_kernel(%arg0: i32, %arg1: memref<2x2000x128xf32, #tpu.memory_space<vmem>>, %arg2: memref<2000x128xf32, #tpu.memory_space<vmem>>, %arg3: memref<2000x1xf32, #tpu.memory_space<vmem>>, %arg4: memref<2000x1xi32, #tpu.memory_space<vmem>>, %arg5: memref<1x128xf32, #tpu.memory_space<vmem>>, %arg6: memref<2000x128xf32, #tpu.memory_space<vmem>>, %arg7: memref<3x64x128xf32, #tpu.memory_space<vmem>>, %arg8: memref<3x64x128xf32, #tpu.memory_space<vmem>>) attributes {dimension_semantics = [#tpu.dimension_semantics<arbitrary>], iteration_bounds = array<i64: 5>, scalar_prefetch = 0 : i64, scratch_operands = 1 : i64, tpu.core_type = #tpu.core_type<tc>, window_params = [{transform_indices = @transform_0, window_bounds = array<i64: 2, 2000, 128>}, {transform_indices = @transform_1, window_bounds = array<i64: 2000, 128>}, {transform_indices = @transform_2, window_bounds = array<i64: 2000, 1>}, {transform_indices = @transform_3, window_bounds = array<i64: 2000, 1>}, {pipeline_mode = #tpu.pipeline_mode<synchronous>, transform_indices = @transform_4, window_bounds = array<i64: 1, 128>}, {transform_indices = @transform_5, window_bounds = array<i64: 2000, 128>}, {pipeline_mode = #tpu.pipeline_mode<synchronous>, transform_indices = @transform_6, window_bounds = array<i64: 3, 64, 128>}]} {
    %get3A = arith.constant 0 : index
    %get3A_0 = arith.constant 0 : index
    %get3A_1 = vector.load %arg3[%get3A, %get3A_0] : memref<2000x1xf32, #tpu.memory_space<vmem>>, vector<2000x1xf32>
    %get3A_2 = arith.constant 0 : index
    %get3A_3 = arith.constant 0 : index
    %get3A_4 = arith.constant 0 : index
    %get3A_5 = vector.load %arg1[%get3A_2, %get3A_3, %get3A_4] : memref<2x2000x128xf32, #tpu.memory_space<vmem>>, vector<1x2000x128xf32>
    %get3A_6 = vector.shape_cast %get3A_5 : vector<1x2000x128xf32> to vector<2000x128xf32>
    %get3A_7 = arith.constant 1 : index
    %get3A_8 = arith.constant 0 : index
    %get3A_9 = arith.constant 0 : index
    %get3A_10 = vector.load %arg1[%get3A_7, %get3A_8, %get3A_9] : memref<2x2000x128xf32, #tpu.memory_space<vmem>>, vector<1x2000x128xf32>
    %get3A_11 = vector.shape_cast %get3A_10 : vector<1x2000x128xf32> to vector<2000x128xf32>
    %add3A = arith.addf %get3A_6, %get3A_11 : vector<2000x128xf32>
    %get3A_12 = arith.constant 0 : index
    %get3A_13 = arith.constant 0 : index
    %get3A_14 = vector.load %arg2[%get3A_12, %get3A_13] : memref<2000x128xf32, #tpu.memory_space<vmem>>, vector<2000x128xf32>
    %add3A_15 = arith.addf %add3A, %get3A_14 : vector<2000x128xf32>
    %mul3A = vector.broadcast %get3A_1 : vector<2000x1xf32> to vector<2000x128xf32>
    %mul3A_16 = arith.mulf %mul3A, %add3A_15 : vector<2000x128xf32>
    %get3A_17 = arith.constant 0 : index
    %get3A_18 = arith.constant 0 : index
    %get3A_19 = vector.load %arg5[%get3A_17, %get3A_18] : memref<1x128xf32, #tpu.memory_space<vmem>>, vector<1x128xf32>
    %add3A_20 = vector.broadcast %get3A_19 : vector<1x128xf32> to vector<2000x128xf32>
    %add3A_21 = arith.addf %mul3A_16, %add3A_20 : vector<2000x128xf32>
    %swap3A = arith.constant 0 : index
    %swap3A_22 = arith.constant 0 : index
    %swap3A_23 = vector.load %arg6[%swap3A, %swap3A_22] : memref<2000x128xf32, #tpu.memory_space<vmem>>, vector<2000x128xf32>
    tpu.vector_store %arg6[%swap3A, %swap3A_22], %add3A_21 {strides = array<i32>} : memref<2000x128xf32, #tpu.memory_space<vmem>>, vector<2000x128xf32>,
    %get3A_24 = arith.constant 0 : index
    %get3A_25 = arith.constant 0 : index
    %get3A_26 = vector.load %arg4[%get3A_24, %get3A_25] : memref<2000x1xi32, #tpu.memory_space<vmem>>, vector<2000x1xi32>
    %iota3A = tpu.iota {dimensions = array<i32: 1>} : vector<2000x64xi32>
    %eq3A = vector.broadcast %get3A_26 : vector<2000x1xi32> to vector<2000x64xi32>
    %eq3A_27 = arith.cmpi eq, %eq3A, %iota3A : vector<2000x64xi32>
    %convert_element_type3A = arith.extui %eq3A_27 : vector<2000x64xi1> to vector<2000x64xi32>
    %convert_element_type3A_28 = arith.sitofp %convert_element_type3A : vector<2000x64xi32> to vector<2000x64xf32>
    %broadcast_in_dim3A = arith.constant 1.000000e+00 : f32
    %broadcast_in_dim3A_29 = vector.broadcast %broadcast_in_dim3A : f32 to vector<2000x128xf32>
    %dot_general3A = arith.constant dense<0.000000e+00> : vector<64x128xf32>
    %dot_general3A_30 = tpu.matmul %convert_element_type3A_28, %broadcast_in_dim3A_29, %dot_general3A {dimension_numbers = #tpu.dot_dimension_numbers<[0], [0], [1], [1], [0, 1, 1, 1], [], []>, precision = #tpu.contract_precision<fp32>, transpose_lhs_hint = false} : vector<2000x64xf32>, vector<2000x128xf32>, vector<64x128xf32> -> vector<64x128xf32>
    %dot_general3A_31 = arith.constant dense<0.000000e+00> : vector<64x128xf32>
    %dot_general3A_32 = tpu.matmul %convert_element_type3A_28, %add3A_21, %dot_general3A_31 {dimension_numbers = #tpu.dot_dimension_numbers<[0], [0], [1], [1], [0, 1, 1, 1], [], []>, precision = #tpu.contract_precision<fp32>, transpose_lhs_hint = false} : vector<2000x64xf32>, vector<2000x128xf32>, vector<64x128xf32> -> vector<64x128xf32>
    %mul3A_33 = arith.mulf %add3A_21, %add3A_21 : vector<2000x128xf32>
    %dot_general3A_34 = arith.constant dense<0.000000e+00> : vector<64x128xf32>
    %dot_general3A_35 = tpu.matmul %convert_element_type3A_28, %mul3A_33, %dot_general3A_34 {dimension_numbers = #tpu.dot_dimension_numbers<[0], [0], [1], [1], [0, 1, 1, 1], [], []>, precision = #tpu.contract_precision<fp32>, transpose_lhs_hint = false} : vector<2000x64xf32>, vector<2000x128xf32>, vector<64x128xf32> -> vector<64x128xf32>
    %stack3A = vector.shape_cast %dot_general3A_30 : vector<64x128xf32> to vector<1x64x128xf32>
    %stack3A_36 = vector.shape_cast %dot_general3A_32 : vector<64x128xf32> to vector<1x64x128xf32>
    %stack3A_37 = vector.shape_cast %dot_general3A_35 : vector<64x128xf32> to vector<1x64x128xf32>
    %stack3A_38 = tpu.concatenate %stack3A, %stack3A_36, %stack3A_37 in 0 : vector<1x64x128xf32>, vector<1x64x128xf32>, vector<1x64x128xf32> -> vector<3x64x128xf32>
    %eq3A_39 = arith.constant 0 : i32
    %eq3A_40 = arith.cmpi eq, %arg0, %eq3A_39 : i32
    %convert_element_type3A_41 = arith.extui %eq3A_40 : i1 to i32
    %cond3A = arith.constant 0 : i32
    %cond3A_42 = arith.cmpi ne, %convert_element_type3A_41, %cond3A : i32
    scf.if %cond3A_42 {
      %swap3A_52 = arith.constant 0 : index
      %swap3A_53 = arith.constant 0 : index
      %swap3A_54 = arith.constant 0 : index
      %swap3A_55 = vector.load %arg8[%swap3A_52, %swap3A_53, %swap3A_54] : memref<3x64x128xf32, #tpu.memory_space<vmem>>, vector<3x64x128xf32>
      tpu.vector_store %arg8[%swap3A_52, %swap3A_53, %swap3A_54], %stack3A_38 {strides = array<i32>} : memref<3x64x128xf32, #tpu.memory_space<vmem>>, vector<3x64x128xf32>,
    } else {
    }
    %gt3A = arith.constant 0 : i32
    %gt3A_43 = arith.cmpi sgt, %arg0, %gt3A : i32
    %convert_element_type3A_44 = arith.extui %gt3A_43 : i1 to i32
    %cond3A_45 = arith.constant 0 : i32
    %cond3A_46 = arith.cmpi ne, %convert_element_type3A_44, %cond3A_45 : i32
    scf.if %cond3A_46 {
      %get3A_52 = arith.constant 0 : index
      %get3A_53 = arith.constant 0 : index
      %get3A_54 = arith.constant 0 : index
      %get3A_55 = vector.load %arg8[%get3A_52, %get3A_53, %get3A_54] : memref<3x64x128xf32, #tpu.memory_space<vmem>>, vector<3x64x128xf32>
      %add3A_56 = arith.addf %get3A_55, %stack3A_38 : vector<3x64x128xf32>
      %swap3A_57 = arith.constant 0 : index
      %swap3A_58 = arith.constant 0 : index
      %swap3A_59 = arith.constant 0 : index
      %swap3A_60 = vector.load %arg8[%swap3A_57, %swap3A_58, %swap3A_59] : memref<3x64x128xf32, #tpu.memory_space<vmem>>, vector<3x64x128xf32>
      tpu.vector_store %arg8[%swap3A_57, %swap3A_58, %swap3A_59], %add3A_56 {strides = array<i32>} : memref<3x64x128xf32, #tpu.memory_space<vmem>>, vector<3x64x128xf32>,
    } else {
    }
    %eq3A_47 = arith.constant 4 : i32
    %eq3A_48 = arith.cmpi eq, %arg0, %eq3A_47 : i32
    %convert_element_type3A_49 = arith.extui %eq3A_48 : i1 to i32
    %cond3A_50 = arith.constant 0 : i32
    %cond3A_51 = arith.cmpi ne, %convert_element_type3A_49, %cond3A_50 : i32
    scf.if %cond3A_51 {
      %get3A_52 = arith.constant 0 : index
      %get3A_53 = arith.constant 0 : index
      %get3A_54 = arith.constant 0 : index
      %get3A_55 = vector.load %arg8[%get3A_52, %get3A_53, %get3A_54] : memref<3x64x128xf32, #tpu.memory_space<vmem>>, vector<3x64x128xf32>
      %swap3A_56 = arith.constant 0 : index
      %swap3A_57 = arith.constant 0 : index
      %swap3A_58 = arith.constant 0 : index
      %swap3A_59 = vector.load %arg7[%swap3A_56, %swap3A_57, %swap3A_58] : memref<3x64x128xf32, #tpu.memory_space<vmem>>, vector<3x64x128xf32>
      tpu.vector_store %arg7[%swap3A_56, %swap3A_57, %swap3A_58], %get3A_55 {strides = array<i32>} : memref<3x64x128xf32, #tpu.memory_space<vmem>>, vector<3x64x128xf32>,
    } else {
    }
    return
  }
  func.func @transform_0(%arg0: i32) -> (i32, i32, i32) {
    %c0_i32 = arith.constant 0 : i32
    %c0_i32_0 = arith.constant 0 : i32
    %c0_i32_1 = arith.constant 0 : i32
    return %c0_i32, %arg0, %c0_i32_0 : i32, i32, i32
  }
  func.func @transform_1(%arg0: i32) -> (i32, i32) {
    %c0_i32 = arith.constant 0 : i32
    %c0_i32_0 = arith.constant 0 : i32
    return %arg0, %c0_i32 : i32, i32
  }
  func.func @transform_2(%arg0: i32) -> (i32, i32) {
    %c0_i32 = arith.constant 0 : i32
    %c0_i32_0 = arith.constant 0 : i32
    return %arg0, %c0_i32 : i32, i32
  }
  func.func @transform_3(%arg0: i32) -> (i32, i32) {
    %c0_i32 = arith.constant 0 : i32
    %c0_i32_0 = arith.constant 0 : i32
    return %arg0, %c0_i32 : i32, i32
  }
  func.func @transform_4(%arg0: i32) -> (i32, i32) {
    %c0_i32 = arith.constant 0 : i32
    %c0_i32_0 = arith.constant 0 : i32
    %c0_i32_1 = arith.constant 0 : i32
    return %c0_i32, %c0_i32_0 : i32, i32
  }
  func.func @transform_5(%arg0: i32) -> (i32, i32) {
    %c0_i32 = arith.constant 0 : i32
    %c0_i32_0 = arith.constant 0 : i32
    return %arg0, %c0_i32 : i32, i32
  }
  func.func @transform_6(%arg0: i32) -> (i32, i32, i32) {
    %c0_i32 = arith.constant 0 : i32
    %c0_i32_0 = arith.constant 0 : i32
    %c0_i32_1 = arith.constant 0 : i32
    %c0_i32_2 = arith.constant 0 : i32
    return %c0_i32, %c0_i32_0, %c0_i32_1 : i32, i32, i32
  }
}

module attributes {stable_mosaic.version = 14 : i64} {
  func.func @_norm_kernel(%arg0: i32, %arg1: memref<2000x128xf32, #tpu.memory_space<vmem>>, %arg2: memref<3x64x128xf32, #tpu.memory_space<vmem>>, %arg3: memref<2000x1xi32, #tpu.memory_space<vmem>>, %arg4: memref<2000x1xf32, #tpu.memory_space<vmem>>, %arg5: memref<1x128xf32, #tpu.memory_space<vmem>>, %arg6: memref<1x128xf32, #tpu.memory_space<vmem>>, %arg7: memref<1x128xf32, #tpu.memory_space<vmem>>, %arg8: memref<128x128xf32, #tpu.memory_space<vmem>>, %arg9: memref<2000x128xf32, #tpu.memory_space<vmem>>, %arg10: memref<2000x128xf32, #tpu.memory_space<vmem>>, %arg11: memref<64x128xf32, #tpu.memory_space<vmem>>, %arg12: memref<64x128xf32, #tpu.memory_space<vmem>>) attributes {dimension_semantics = [#tpu.dimension_semantics<arbitrary>], iteration_bounds = array<i64: 5>, scalar_prefetch = 0 : i64, scratch_operands = 1 : i64, tpu.core_type = #tpu.core_type<tc>, window_params = [{transform_indices = @transform_0, window_bounds = array<i64: 2000, 128>}, {pipeline_mode = #tpu.pipeline_mode<synchronous>, transform_indices = @transform_1, window_bounds = array<i64: 3, 64, 128>}, {transform_indices = @transform_2, window_bounds = array<i64: 2000, 1>}, {transform_indices = @transform_3, window_bounds = array<i64: 2000, 1>}, {pipeline_mode = #tpu.pipeline_mode<synchronous>, transform_indices = @transform_4, window_bounds = array<i64: 1, 128>}, {pipeline_mode = #tpu.pipeline_mode<synchronous>, transform_indices = @transform_5, window_bounds = array<i64: 1, 128>}, {pipeline_mode = #tpu.pipeline_mode<synchronous>, transform_indices = @transform_6, window_bounds = array<i64: 1, 128>}, {pipeline_mode = #tpu.pipeline_mode<synchronous>, transform_indices = @transform_7, window_bounds = array<i64: 128, 128>}, {transform_indices = @transform_8, window_bounds = array<i64: 2000, 128>}, {transform_indices = @transform_9, window_bounds = array<i64: 2000, 128>}, {pipeline_mode = #tpu.pipeline_mode<synchronous>, transform_indices = @transform_10, window_bounds = array<i64: 64, 128>}]} {
    %get3A = arith.constant 0 : index
    %get3A_0 = arith.constant 0 : index
    %get3A_1 = arith.constant 0 : index
    %get3A_2 = vector.load %arg2[%get3A, %get3A_0, %get3A_1] : memref<3x64x128xf32, #tpu.memory_space<vmem>>, vector<1x64x128xf32>
    %get3A_3 = vector.shape_cast %get3A_2 : vector<1x64x128xf32> to vector<64x128xf32>
    %max3A = arith.constant 1.000000e+00 : f32
    %max3A_4 = vector.broadcast %max3A : f32 to vector<64x128xf32>
    %max3A_5 = arith.maximumf %get3A_3, %max3A_4 : vector<64x128xf32>
    %get3A_6 = arith.constant 1 : index
    %get3A_7 = arith.constant 0 : index
    %get3A_8 = arith.constant 0 : index
    %get3A_9 = vector.load %arg2[%get3A_6, %get3A_7, %get3A_8] : memref<3x64x128xf32, #tpu.memory_space<vmem>>, vector<1x64x128xf32>
    %get3A_10 = vector.shape_cast %get3A_9 : vector<1x64x128xf32> to vector<64x128xf32>
    %div3A = arith.divf %get3A_10, %max3A_5 : vector<64x128xf32>
    %get3A_11 = arith.constant 0 : index
    %get3A_12 = arith.constant 0 : index
    %get3A_13 = vector.load %arg7[%get3A_11, %get3A_12] : memref<1x128xf32, #tpu.memory_space<vmem>>, vector<1x128xf32>
    %get3A_14 = arith.constant 2 : index
    %get3A_15 = arith.constant 0 : index
    %get3A_16 = arith.constant 0 : index
    %get3A_17 = vector.load %arg2[%get3A_14, %get3A_15, %get3A_16] : memref<3x64x128xf32, #tpu.memory_space<vmem>>, vector<1x64x128xf32>
    %get3A_18 = vector.shape_cast %get3A_17 : vector<1x64x128xf32> to vector<64x128xf32>
    %div3A_19 = arith.divf %get3A_18, %max3A_5 : vector<64x128xf32>
    %mul3A = arith.constant 2.000000e+00 : f32
    %mul3A_20 = vector.broadcast %mul3A : f32 to vector<1x128xf32>
    %mul3A_21 = arith.mulf %mul3A_20, %get3A_13 : vector<1x128xf32>
    %mul3A_22 = arith.mulf %get3A_13, %get3A_13 : vector<1x128xf32>
    %sub3A = arith.subf %mul3A_21, %mul3A_22 : vector<1x128xf32>
    %mul3A_23 = vector.broadcast %sub3A : vector<1x128xf32> to vector<64x128xf32>
    %mul3A_24 = arith.mulf %mul3A_23, %div3A : vector<64x128xf32>
    %mul3A_25 = arith.mulf %mul3A_24, %div3A : vector<64x128xf32>
    %sub3A_26 = arith.subf %div3A_19, %mul3A_25 : vector<64x128xf32>
    %add3A = arith.constant 9.99999974E-6 : f32
    %add3A_27 = vector.broadcast %add3A : f32 to vector<64x128xf32>
    %add3A_28 = arith.addf %sub3A_26, %add3A_27 : vector<64x128xf32>
    %rsqrt3A = math.rsqrt %add3A_28 : vector<64x128xf32>
    %get3A_29 = arith.constant 0 : index
    %get3A_30 = arith.constant 0 : index
    %get3A_31 = vector.load %arg3[%get3A_29, %get3A_30] : memref<2000x1xi32, #tpu.memory_space<vmem>>, vector<2000x1xi32>
    %iota3A = tpu.iota {dimensions = array<i32: 1>} : vector<2000x64xi32>
    %eq3A = vector.broadcast %get3A_31 : vector<2000x1xi32> to vector<2000x64xi32>
    %eq3A_32 = arith.cmpi eq, %eq3A, %iota3A : vector<2000x64xi32>
    %convert_element_type3A = arith.extui %eq3A_32 : vector<2000x64xi1> to vector<2000x64xi32>
    %convert_element_type3A_33 = arith.sitofp %convert_element_type3A : vector<2000x64xi32> to vector<2000x64xf32>
    %mul3A_34 = vector.broadcast %get3A_13 : vector<1x128xf32> to vector<64x128xf32>
    %mul3A_35 = arith.mulf %div3A, %mul3A_34 : vector<64x128xf32>
    %dot_general3A = arith.constant dense<0.000000e+00> : vector<2000x128xf32>
    %dot_general3A_36 = tpu.matmul %convert_element_type3A_33, %mul3A_35, %dot_general3A {dimension_numbers = #tpu.dot_dimension_numbers<[1], [0], [0], [1], [0, 0, 1, 1], [], []>, precision = #tpu.contract_precision<fp32>, transpose_lhs_hint = false} : vector<2000x64xf32>, vector<64x128xf32>, vector<2000x128xf32> -> vector<2000x128xf32>
    %dot_general3A_37 = arith.constant dense<0.000000e+00> : vector<2000x128xf32>
    %dot_general3A_38 = tpu.matmul %convert_element_type3A_33, %rsqrt3A, %dot_general3A_37 {dimension_numbers = #tpu.dot_dimension_numbers<[1], [0], [0], [1], [0, 0, 1, 1], [], []>, precision = #tpu.contract_precision<fp32>, transpose_lhs_hint = false} : vector<2000x64xf32>, vector<64x128xf32>, vector<2000x128xf32> -> vector<2000x128xf32>
    %get3A_39 = arith.constant 0 : index
    %get3A_40 = arith.constant 0 : index
    %get3A_41 = vector.load %arg1[%get3A_39, %get3A_40] : memref<2000x128xf32, #tpu.memory_space<vmem>>, vector<2000x128xf32>
    %sub3A_42 = arith.subf %get3A_41, %dot_general3A_36 : vector<2000x128xf32>
    %mul3A_43 = arith.mulf %sub3A_42, %dot_general3A_38 : vector<2000x128xf32>
    %get3A_44 = arith.constant 0 : index
    %get3A_45 = arith.constant 0 : index
    %get3A_46 = vector.load %arg5[%get3A_44, %get3A_45] : memref<1x128xf32, #tpu.memory_space<vmem>>, vector<1x128xf32>
    %mul3A_47 = vector.broadcast %get3A_46 : vector<1x128xf32> to vector<2000x128xf32>
    %mul3A_48 = arith.mulf %mul3A_43, %mul3A_47 : vector<2000x128xf32>
    %get3A_49 = arith.constant 0 : index
    %get3A_50 = arith.constant 0 : index
    %get3A_51 = vector.load %arg6[%get3A_49, %get3A_50] : memref<1x128xf32, #tpu.memory_space<vmem>>, vector<1x128xf32>
    %add3A_52 = vector.broadcast %get3A_51 : vector<1x128xf32> to vector<2000x128xf32>
    %add3A_53 = arith.addf %mul3A_48, %add3A_52 : vector<2000x128xf32>
    %max3A_54 = arith.constant 0.000000e+00 : f32
    %max3A_55 = vector.broadcast %max3A_54 : f32 to vector<2000x128xf32>
    %max3A_56 = arith.maximumf %add3A_53, %max3A_55 : vector<2000x128xf32>
    %swap3A = arith.constant 0 : index
    %swap3A_57 = arith.constant 0 : index
    %swap3A_58 = vector.load %arg9[%swap3A, %swap3A_57] : memref<2000x128xf32, #tpu.memory_space<vmem>>, vector<2000x128xf32>
    tpu.vector_store %arg9[%swap3A, %swap3A_57], %max3A_56 {strides = array<i32>} : memref<2000x128xf32, #tpu.memory_space<vmem>>, vector<2000x128xf32>,
    %dot_general3A_59 = arith.constant dense<0.000000e+00> : vector<64x128xf32>
    %dot_general3A_60 = tpu.matmul %convert_element_type3A_33, %max3A_56, %dot_general3A_59 {dimension_numbers = #tpu.dot_dimension_numbers<[0], [0], [1], [1], [0, 1, 1, 1], [], []>, precision = #tpu.contract_precision<fp32>, transpose_lhs_hint = false} : vector<2000x64xf32>, vector<2000x128xf32>, vector<64x128xf32> -> vector<64x128xf32>
    %eq3A_61 = arith.constant 0 : i32
    %eq3A_62 = arith.cmpi eq, %arg0, %eq3A_61 : i32
    %convert_element_type3A_63 = arith.extui %eq3A_62 : i1 to i32
    %cond3A = arith.constant 0 : i32
    %cond3A_64 = arith.cmpi ne, %convert_element_type3A_63, %cond3A : i32
    scf.if %cond3A_64 {
      %swap3A_87 = arith.constant 0 : index
      %swap3A_88 = arith.constant 0 : index
      %swap3A_89 = vector.load %arg12[%swap3A_87, %swap3A_88] : memref<64x128xf32, #tpu.memory_space<vmem>>, vector<64x128xf32>
      tpu.vector_store %arg12[%swap3A_87, %swap3A_88], %dot_general3A_60 {strides = array<i32>} : memref<64x128xf32, #tpu.memory_space<vmem>>, vector<64x128xf32>,
    } else {
    }
    %gt3A = arith.constant 0 : i32
    %gt3A_65 = arith.cmpi sgt, %arg0, %gt3A : i32
    %convert_element_type3A_66 = arith.extui %gt3A_65 : i1 to i32
    %cond3A_67 = arith.constant 0 : i32
    %cond3A_68 = arith.cmpi ne, %convert_element_type3A_66, %cond3A_67 : i32
    scf.if %cond3A_68 {
      %get3A_87 = arith.constant 0 : index
      %get3A_88 = arith.constant 0 : index
      %get3A_89 = vector.load %arg12[%get3A_87, %get3A_88] : memref<64x128xf32, #tpu.memory_space<vmem>>, vector<64x128xf32>
      %add3A_90 = arith.addf %get3A_89, %dot_general3A_60 : vector<64x128xf32>
      %swap3A_91 = arith.constant 0 : index
      %swap3A_92 = arith.constant 0 : index
      %swap3A_93 = vector.load %arg12[%swap3A_91, %swap3A_92] : memref<64x128xf32, #tpu.memory_space<vmem>>, vector<64x128xf32>
      tpu.vector_store %arg12[%swap3A_91, %swap3A_92], %add3A_90 {strides = array<i32>} : memref<64x128xf32, #tpu.memory_space<vmem>>, vector<64x128xf32>,
    } else {
    }
    %eq3A_69 = arith.constant 4 : i32
    %eq3A_70 = arith.cmpi eq, %arg0, %eq3A_69 : i32
    %convert_element_type3A_71 = arith.extui %eq3A_70 : i1 to i32
    %cond3A_72 = arith.constant 0 : i32
    %cond3A_73 = arith.cmpi ne, %convert_element_type3A_71, %cond3A_72 : i32
    scf.if %cond3A_73 {
      %get3A_87 = arith.constant 0 : index
      %get3A_88 = arith.constant 0 : index
      %get3A_89 = vector.load %arg12[%get3A_87, %get3A_88] : memref<64x128xf32, #tpu.memory_space<vmem>>, vector<64x128xf32>
      %swap3A_90 = arith.constant 0 : index
      %swap3A_91 = arith.constant 0 : index
      %swap3A_92 = vector.load %arg11[%swap3A_90, %swap3A_91] : memref<64x128xf32, #tpu.memory_space<vmem>>, vector<64x128xf32>
      tpu.vector_store %arg11[%swap3A_90, %swap3A_91], %get3A_89 {strides = array<i32>} : memref<64x128xf32, #tpu.memory_space<vmem>>, vector<64x128xf32>,
    } else {
    }
    %get3A_74 = arith.constant 0 : index
    %get3A_75 = arith.constant 0 : index
    %get3A_76 = vector.load %arg8[%get3A_74, %get3A_75] : memref<128x128xf32, #tpu.memory_space<vmem>>, vector<128x128xf32>
    %dot_general3A_77 = arith.constant dense<0.000000e+00> : vector<2000x128xf32>
    %dot_general3A_78 = tpu.matmul %max3A_56, %get3A_76, %dot_general3A_77 {dimension_numbers = #tpu.dot_dimension_numbers<[1], [0], [0], [1], [0, 0, 1, 1], [], []>, precision = #tpu.contract_precision<fp32>, transpose_lhs_hint = false} : vector<2000x128xf32>, vector<128x128xf32>, vector<2000x128xf32> -> vector<2000x128xf32>
    %get3A_79 = arith.constant 0 : index
    %get3A_80 = arith.constant 0 : index
    %get3A_81 = vector.load %arg4[%get3A_79, %get3A_80] : memref<2000x1xf32, #tpu.memory_space<vmem>>, vector<2000x1xf32>
    %mul3A_82 = vector.broadcast %get3A_81 : vector<2000x1xf32> to vector<2000x128xf32>
    %mul3A_83 = arith.mulf %dot_general3A_78, %mul3A_82 : vector<2000x128xf32>
    %swap3A_84 = arith.constant 0 : index
    %swap3A_85 = arith.constant 0 : index
    %swap3A_86 = vector.load %arg10[%swap3A_84, %swap3A_85] : memref<2000x128xf32, #tpu.memory_space<vmem>>, vector<2000x128xf32>
    tpu.vector_store %arg10[%swap3A_84, %swap3A_85], %mul3A_83 {strides = array<i32>} : memref<2000x128xf32, #tpu.memory_space<vmem>>, vector<2000x128xf32>,
    return
  }
  func.func @transform_0(%arg0: i32) -> (i32, i32) {
    %c0_i32 = arith.constant 0 : i32
    %c0_i32_0 = arith.constant 0 : i32
    return %arg0, %c0_i32 : i32, i32
  }
  func.func @transform_1(%arg0: i32) -> (i32, i32, i32) {
    %c0_i32 = arith.constant 0 : i32
    %c0_i32_0 = arith.constant 0 : i32
    %c0_i32_1 = arith.constant 0 : i32
    %c0_i32_2 = arith.constant 0 : i32
    return %c0_i32, %c0_i32_0, %c0_i32_1 : i32, i32, i32
  }
  func.func @transform_2(%arg0: i32) -> (i32, i32) {
    %c0_i32 = arith.constant 0 : i32
    %c0_i32_0 = arith.constant 0 : i32
    return %arg0, %c0_i32 : i32, i32
  }
  func.func @transform_3(%arg0: i32) -> (i32, i32) {
    %c0_i32 = arith.constant 0 : i32
    %c0_i32_0 = arith.constant 0 : i32
    return %arg0, %c0_i32 : i32, i32
  }
  func.func @transform_4(%arg0: i32) -> (i32, i32) {
    %c0_i32 = arith.constant 0 : i32
    %c0_i32_0 = arith.constant 0 : i32
    %c0_i32_1 = arith.constant 0 : i32
    return %c0_i32, %c0_i32_0 : i32, i32
  }
  func.func @transform_5(%arg0: i32) -> (i32, i32) {
    %c0_i32 = arith.constant 0 : i32
    %c0_i32_0 = arith.constant 0 : i32
    %c0_i32_1 = arith.constant 0 : i32
    return %c0_i32, %c0_i32_0 : i32, i32
  }
  func.func @transform_6(%arg0: i32) -> (i32, i32) {
    %c0_i32 = arith.constant 0 : i32
    %c0_i32_0 = arith.constant 0 : i32
    %c0_i32_1 = arith.constant 0 : i32
    return %c0_i32, %c0_i32_0 : i32, i32
  }
  func.func @transform_7(%arg0: i32) -> (i32, i32) {
    %c0_i32 = arith.constant 0 : i32
    %c0_i32_0 = arith.constant 0 : i32
    %c0_i32_1 = arith.constant 0 : i32
    return %c0_i32, %c0_i32_0 : i32, i32
  }
  func.func @transform_8(%arg0: i32) -> (i32, i32) {
    %c0_i32 = arith.constant 0 : i32
    %c0_i32_0 = arith.constant 0 : i32
    return %arg0, %c0_i32 : i32, i32
  }
  func.func @transform_9(%arg0: i32) -> (i32, i32) {
    %c0_i32 = arith.constant 0 : i32
    %c0_i32_0 = arith.constant 0 : i32
    return %arg0, %c0_i32 : i32, i32
  }
  func.func @transform_10(%arg0: i32) -> (i32, i32) {
    %c0_i32 = arith.constant 0 : i32
    %c0_i32_0 = arith.constant 0 : i32
    %c0_i32_1 = arith.constant 0 : i32
    return %c0_i32, %c0_i32_0 : i32, i32
  }
}

module attributes {stable_mosaic.version = 14 : i64} {
  func.func @_norm_last_kernel(%arg0: i32, %arg1: memref<2000x128xf32, #tpu.memory_space<vmem>>, %arg2: memref<3x64x128xf32, #tpu.memory_space<vmem>>, %arg3: memref<2000x1xi32, #tpu.memory_space<vmem>>, %arg4: memref<1x128xf32, #tpu.memory_space<vmem>>, %arg5: memref<1x128xf32, #tpu.memory_space<vmem>>, %arg6: memref<1x128xf32, #tpu.memory_space<vmem>>, %arg7: memref<64x128xf32, #tpu.memory_space<vmem>>, %arg8: memref<64x128xf32, #tpu.memory_space<vmem>>, %arg9: memref<384x384xf32, #tpu.memory_space<vmem>>, %arg10: memref<1x384xf32, #tpu.memory_space<vmem>>, %arg11: memref<384x32xf32, #tpu.memory_space<vmem>>, %arg12: memref<1x32xf32, #tpu.memory_space<vmem>>, %arg13: memref<2000x128xf32, #tpu.memory_space<vmem>>, %arg14: memref<64x32xf32, #tpu.memory_space<vmem>>, %arg15: memref<64x128xf32, #tpu.memory_space<vmem>>) attributes {dimension_semantics = [#tpu.dimension_semantics<arbitrary>], iteration_bounds = array<i64: 5>, scalar_prefetch = 0 : i64, scratch_operands = 1 : i64, tpu.core_type = #tpu.core_type<tc>, window_params = [{transform_indices = @transform_0, window_bounds = array<i64: 2000, 128>}, {pipeline_mode = #tpu.pipeline_mode<synchronous>, transform_indices = @transform_1, window_bounds = array<i64: 3, 64, 128>}, {transform_indices = @transform_2, window_bounds = array<i64: 2000, 1>}, {pipeline_mode = #tpu.pipeline_mode<synchronous>, transform_indices = @transform_3, window_bounds = array<i64: 1, 128>}, {pipeline_mode = #tpu.pipeline_mode<synchronous>, transform_indices = @transform_4, window_bounds = array<i64: 1, 128>}, {pipeline_mode = #tpu.pipeline_mode<synchronous>, transform_indices = @transform_5, window_bounds = array<i64: 1, 128>}, {pipeline_mode = #tpu.pipeline_mode<synchronous>, transform_indices = @transform_6, window_bounds = array<i64: 64, 128>}, {pipeline_mode = #tpu.pipeline_mode<synchronous>, transform_indices = @transform_7, window_bounds = array<i64: 64, 128>}, {pipeline_mode = #tpu.pipeline_mode<synchronous>, transform_indices = @transform_8, window_bounds = array<i64: 384, 384>}, {pipeline_mode = #tpu.pipeline_mode<synchronous>, transform_indices = @transform_9, window_bounds = array<i64: 1, 384>}, {pipeline_mode = #tpu.pipeline_mode<synchronous>, transform_indices = @transform_10, window_bounds = array<i64: 384, 32>}, {pipeline_mode = #tpu.pipeline_mode<synchronous>, transform_indices = @transform_11, window_bounds = array<i64: 1, 32>}, {transform_indices = @transform_12, window_bounds = array<i64: 2000, 128>}, {pipeline_mode = #tpu.pipeline_mode<synchronous>, transform_indices = @transform_13, window_bounds = array<i64: 64, 32>}]} {
    %get3A = arith.constant 0 : index
    %get3A_0 = arith.constant 0 : index
    %get3A_1 = arith.constant 0 : index
    %get3A_2 = vector.load %arg2[%get3A, %get3A_0, %get3A_1] : memref<3x64x128xf32, #tpu.memory_space<vmem>>, vector<1x64x128xf32>
    %get3A_3 = vector.shape_cast %get3A_2 : vector<1x64x128xf32> to vector<64x128xf32>
    %max3A = arith.constant 1.000000e+00 : f32
    %max3A_4 = vector.broadcast %max3A : f32 to vector<64x128xf32>
    %max3A_5 = arith.maximumf %get3A_3, %max3A_4 : vector<64x128xf32>
    %get3A_6 = arith.constant 1 : index
    %get3A_7 = arith.constant 0 : index
    %get3A_8 = arith.constant 0 : index
    %get3A_9 = vector.load %arg2[%get3A_6, %get3A_7, %get3A_8] : memref<3x64x128xf32, #tpu.memory_space<vmem>>, vector<1x64x128xf32>
    %get3A_10 = vector.shape_cast %get3A_9 : vector<1x64x128xf32> to vector<64x128xf32>
    %div3A = arith.divf %get3A_10, %max3A_5 : vector<64x128xf32>
    %get3A_11 = arith.constant 0 : index
    %get3A_12 = arith.constant 0 : index
    %get3A_13 = vector.load %arg6[%get3A_11, %get3A_12] : memref<1x128xf32, #tpu.memory_space<vmem>>, vector<1x128xf32>
    %get3A_14 = arith.constant 2 : index
    %get3A_15 = arith.constant 0 : index
    %get3A_16 = arith.constant 0 : index
    %get3A_17 = vector.load %arg2[%get3A_14, %get3A_15, %get3A_16] : memref<3x64x128xf32, #tpu.memory_space<vmem>>, vector<1x64x128xf32>
    %get3A_18 = vector.shape_cast %get3A_17 : vector<1x64x128xf32> to vector<64x128xf32>
    %div3A_19 = arith.divf %get3A_18, %max3A_5 : vector<64x128xf32>
    %mul3A = arith.constant 2.000000e+00 : f32
    %mul3A_20 = vector.broadcast %mul3A : f32 to vector<1x128xf32>
    %mul3A_21 = arith.mulf %mul3A_20, %get3A_13 : vector<1x128xf32>
    %mul3A_22 = arith.mulf %get3A_13, %get3A_13 : vector<1x128xf32>
    %sub3A = arith.subf %mul3A_21, %mul3A_22 : vector<1x128xf32>
    %mul3A_23 = vector.broadcast %sub3A : vector<1x128xf32> to vector<64x128xf32>
    %mul3A_24 = arith.mulf %mul3A_23, %div3A : vector<64x128xf32>
    %mul3A_25 = arith.mulf %mul3A_24, %div3A : vector<64x128xf32>
    %sub3A_26 = arith.subf %div3A_19, %mul3A_25 : vector<64x128xf32>
    %add3A = arith.constant 9.99999974E-6 : f32
    %add3A_27 = vector.broadcast %add3A : f32 to vector<64x128xf32>
    %add3A_28 = arith.addf %sub3A_26, %add3A_27 : vector<64x128xf32>
    %rsqrt3A = math.rsqrt %add3A_28 : vector<64x128xf32>
    %get3A_29 = arith.constant 0 : index
    %get3A_30 = arith.constant 0 : index
    %get3A_31 = vector.load %arg3[%get3A_29, %get3A_30] : memref<2000x1xi32, #tpu.memory_space<vmem>>, vector<2000x1xi32>
    %iota3A = tpu.iota {dimensions = array<i32: 1>} : vector<2000x64xi32>
    %eq3A = vector.broadcast %get3A_31 : vector<2000x1xi32> to vector<2000x64xi32>
    %eq3A_32 = arith.cmpi eq, %eq3A, %iota3A : vector<2000x64xi32>
    %convert_element_type3A = arith.extui %eq3A_32 : vector<2000x64xi1> to vector<2000x64xi32>
    %convert_element_type3A_33 = arith.sitofp %convert_element_type3A : vector<2000x64xi32> to vector<2000x64xf32>
    %mul3A_34 = vector.broadcast %get3A_13 : vector<1x128xf32> to vector<64x128xf32>
    %mul3A_35 = arith.mulf %div3A, %mul3A_34 : vector<64x128xf32>
    %dot_general3A = arith.constant dense<0.000000e+00> : vector<2000x128xf32>
    %dot_general3A_36 = tpu.matmul %convert_element_type3A_33, %mul3A_35, %dot_general3A {dimension_numbers = #tpu.dot_dimension_numbers<[1], [0], [0], [1], [0, 0, 1, 1], [], []>, precision = #tpu.contract_precision<fp32>, transpose_lhs_hint = false} : vector<2000x64xf32>, vector<64x128xf32>, vector<2000x128xf32> -> vector<2000x128xf32>
    %dot_general3A_37 = arith.constant dense<0.000000e+00> : vector<2000x128xf32>
    %dot_general3A_38 = tpu.matmul %convert_element_type3A_33, %rsqrt3A, %dot_general3A_37 {dimension_numbers = #tpu.dot_dimension_numbers<[1], [0], [0], [1], [0, 0, 1, 1], [], []>, precision = #tpu.contract_precision<fp32>, transpose_lhs_hint = false} : vector<2000x64xf32>, vector<64x128xf32>, vector<2000x128xf32> -> vector<2000x128xf32>
    %get3A_39 = arith.constant 0 : index
    %get3A_40 = arith.constant 0 : index
    %get3A_41 = vector.load %arg1[%get3A_39, %get3A_40] : memref<2000x128xf32, #tpu.memory_space<vmem>>, vector<2000x128xf32>
    %sub3A_42 = arith.subf %get3A_41, %dot_general3A_36 : vector<2000x128xf32>
    %mul3A_43 = arith.mulf %sub3A_42, %dot_general3A_38 : vector<2000x128xf32>
    %get3A_44 = arith.constant 0 : index
    %get3A_45 = arith.constant 0 : index
    %get3A_46 = vector.load %arg4[%get3A_44, %get3A_45] : memref<1x128xf32, #tpu.memory_space<vmem>>, vector<1x128xf32>
    %mul3A_47 = vector.broadcast %get3A_46 : vector<1x128xf32> to vector<2000x128xf32>
    %mul3A_48 = arith.mulf %mul3A_43, %mul3A_47 : vector<2000x128xf32>
    %get3A_49 = arith.constant 0 : index
    %get3A_50 = arith.constant 0 : index
    %get3A_51 = vector.load %arg5[%get3A_49, %get3A_50] : memref<1x128xf32, #tpu.memory_space<vmem>>, vector<1x128xf32>
    %add3A_52 = vector.broadcast %get3A_51 : vector<1x128xf32> to vector<2000x128xf32>
    %add3A_53 = arith.addf %mul3A_48, %add3A_52 : vector<2000x128xf32>
    %max3A_54 = arith.constant 0.000000e+00 : f32
    %max3A_55 = vector.broadcast %max3A_54 : f32 to vector<2000x128xf32>
    %max3A_56 = arith.maximumf %add3A_53, %max3A_55 : vector<2000x128xf32>
    %swap3A = arith.constant 0 : index
    %swap3A_57 = arith.constant 0 : index
    %swap3A_58 = vector.load %arg13[%swap3A, %swap3A_57] : memref<2000x128xf32, #tpu.memory_space<vmem>>, vector<2000x128xf32>
    tpu.vector_store %arg13[%swap3A, %swap3A_57], %max3A_56 {strides = array<i32>} : memref<2000x128xf32, #tpu.memory_space<vmem>>, vector<2000x128xf32>,
    %dot_general3A_59 = arith.constant dense<0.000000e+00> : vector<64x128xf32>
    %dot_general3A_60 = tpu.matmul %convert_element_type3A_33, %max3A_56, %dot_general3A_59 {dimension_numbers = #tpu.dot_dimension_numbers<[0], [0], [1], [1], [0, 1, 1, 1], [], []>, precision = #tpu.contract_precision<fp32>, transpose_lhs_hint = false} : vector<2000x64xf32>, vector<2000x128xf32>, vector<64x128xf32> -> vector<64x128xf32>
    %eq3A_61 = arith.constant 0 : i32
    %eq3A_62 = arith.cmpi eq, %arg0, %eq3A_61 : i32
    %convert_element_type3A_63 = arith.extui %eq3A_62 : i1 to i32
    %cond3A = arith.constant 0 : i32
    %cond3A_64 = arith.cmpi ne, %convert_element_type3A_63, %cond3A : i32
    scf.if %cond3A_64 {
      %swap3A_74 = arith.constant 0 : index
      %swap3A_75 = arith.constant 0 : index
      %swap3A_76 = vector.load %arg15[%swap3A_74, %swap3A_75] : memref<64x128xf32, #tpu.memory_space<vmem>>, vector<64x128xf32>
      tpu.vector_store %arg15[%swap3A_74, %swap3A_75], %dot_general3A_60 {strides = array<i32>} : memref<64x128xf32, #tpu.memory_space<vmem>>, vector<64x128xf32>,
    } else {
    }
    %gt3A = arith.constant 0 : i32
    %gt3A_65 = arith.cmpi sgt, %arg0, %gt3A : i32
    %convert_element_type3A_66 = arith.extui %gt3A_65 : i1 to i32
    %cond3A_67 = arith.constant 0 : i32
    %cond3A_68 = arith.cmpi ne, %convert_element_type3A_66, %cond3A_67 : i32
    scf.if %cond3A_68 {
      %get3A_74 = arith.constant 0 : index
      %get3A_75 = arith.constant 0 : index
      %get3A_76 = vector.load %arg15[%get3A_74, %get3A_75] : memref<64x128xf32, #tpu.memory_space<vmem>>, vector<64x128xf32>
      %add3A_77 = arith.addf %get3A_76, %dot_general3A_60 : vector<64x128xf32>
      %swap3A_78 = arith.constant 0 : index
      %swap3A_79 = arith.constant 0 : index
      %swap3A_80 = vector.load %arg15[%swap3A_78, %swap3A_79] : memref<64x128xf32, #tpu.memory_space<vmem>>, vector<64x128xf32>
      tpu.vector_store %arg15[%swap3A_78, %swap3A_79], %add3A_77 {strides = array<i32>} : memref<64x128xf32, #tpu.memory_space<vmem>>, vector<64x128xf32>,
    } else {
    }
    %eq3A_69 = arith.constant 4 : i32
    %eq3A_70 = arith.cmpi eq, %arg0, %eq3A_69 : i32
    %convert_element_type3A_71 = arith.extui %eq3A_70 : i1 to i32
    %cond3A_72 = arith.constant 0 : i32
    %cond3A_73 = arith.cmpi ne, %convert_element_type3A_71, %cond3A_72 : i32
    scf.if %cond3A_73 {
      %get3A_74 = arith.constant 0 : index
      %get3A_75 = arith.constant 0 : index
      %get3A_76 = arith.constant 0 : index
      %get3A_77 = vector.load %arg2[%get3A_74, %get3A_75, %get3A_76] : memref<3x64x128xf32, #tpu.memory_space<vmem>>, vector<1x64x128xf32>
      %get3A_78 = vector.shape_cast %get3A_77 : vector<1x64x128xf32> to vector<64x128xf32>
      %slice3A = vector.extract_strided_slice %get3A_78 {offsets = [0, 0], sizes = [64, 1], strides = [1, 1]} : vector<64x128xf32> to vector<64x1xf32>
      %max3A_79 = arith.constant 1.000000e+00 : f32
      %max3A_80 = vector.broadcast %max3A_79 : f32 to vector<64x1xf32>
      %max3A_81 = arith.maximumf %slice3A, %max3A_80 : vector<64x1xf32>
      %get3A_82 = arith.constant 0 : index
      %get3A_83 = arith.constant 0 : index
      %get3A_84 = vector.load %arg7[%get3A_82, %get3A_83] : memref<64x128xf32, #tpu.memory_space<vmem>>, vector<64x128xf32>
      %div3A_85 = vector.broadcast %max3A_81 : vector<64x1xf32> to vector<64x128xf32>
      %div3A_86 = arith.divf %get3A_84, %div3A_85 : vector<64x128xf32>
      %get3A_87 = arith.constant 0 : index
      %get3A_88 = arith.constant 0 : index
      %get3A_89 = vector.load %arg8[%get3A_87, %get3A_88] : memref<64x128xf32, #tpu.memory_space<vmem>>, vector<64x128xf32>
      %div3A_90 = vector.broadcast %max3A_81 : vector<64x1xf32> to vector<64x128xf32>
      %div3A_91 = arith.divf %get3A_89, %div3A_90 : vector<64x128xf32>
      %get3A_92 = arith.constant 0 : index
      %get3A_93 = arith.constant 0 : index
      %get3A_94 = vector.load %arg15[%get3A_92, %get3A_93] : memref<64x128xf32, #tpu.memory_space<vmem>>, vector<64x128xf32>
      %div3A_95 = vector.broadcast %max3A_81 : vector<64x1xf32> to vector<64x128xf32>
      %div3A_96 = arith.divf %get3A_94, %div3A_95 : vector<64x128xf32>
      %concatenate3A = tpu.concatenate %div3A_86, %div3A_91, %div3A_96 in 1 : vector<64x128xf32>, vector<64x128xf32>, vector<64x128xf32> -> vector<64x384xf32>
      %get3A_97 = arith.constant 0 : index
      %get3A_98 = arith.constant 0 : index
      %get3A_99 = vector.load %arg9[%get3A_97, %get3A_98] : memref<384x384xf32, #tpu.memory_space<vmem>>, vector<384x384xf32>
      %dot_general3A_100 = arith.constant dense<0.000000e+00> : vector<64x384xf32>
      %dot_general3A_101 = tpu.matmul %concatenate3A, %get3A_99, %dot_general3A_100 {dimension_numbers = #tpu.dot_dimension_numbers<[1], [0], [0], [1], [0, 0, 1, 1], [], []>, precision = #tpu.contract_precision<fp32>, transpose_lhs_hint = false} : vector<64x384xf32>, vector<384x384xf32>, vector<64x384xf32> -> vector<64x384xf32>
      %get3A_102 = arith.constant 0 : index
      %get3A_103 = arith.constant 0 : index
      %get3A_104 = vector.load %arg10[%get3A_102, %get3A_103] : memref<1x384xf32, #tpu.memory_space<vmem>>, vector<1x384xf32>
      %add3A_105 = vector.broadcast %get3A_104 : vector<1x384xf32> to vector<64x384xf32>
      %add3A_106 = arith.addf %dot_general3A_101, %add3A_105 : vector<64x384xf32>
      %max3A_107 = arith.constant 0.000000e+00 : f32
      %max3A_108 = vector.broadcast %max3A_107 : f32 to vector<64x384xf32>
      %max3A_109 = arith.maximumf %add3A_106, %max3A_108 : vector<64x384xf32>
      %get3A_110 = arith.constant 0 : index
      %get3A_111 = arith.constant 0 : index
      %get3A_112 = vector.load %arg11[%get3A_110, %get3A_111] : memref<384x32xf32, #tpu.memory_space<vmem>>, vector<384x32xf32>
      %dot_general3A_113 = arith.constant dense<0.000000e+00> : vector<64x32xf32>
      %dot_general3A_114 = tpu.matmul %max3A_109, %get3A_112, %dot_general3A_113 {dimension_numbers = #tpu.dot_dimension_numbers<[1], [0], [0], [1], [0, 0, 1, 1], [], []>, precision = #tpu.contract_precision<fp32>, transpose_lhs_hint = false} : vector<64x384xf32>, vector<384x32xf32>, vector<64x32xf32> -> vector<64x32xf32>
      %get3A_115 = arith.constant 0 : index
      %get3A_116 = arith.constant 0 : index
      %get3A_117 = vector.load %arg12[%get3A_115, %get3A_116] : memref<1x32xf32, #tpu.memory_space<vmem>>, vector<1x32xf32>
      %add3A_118 = vector.broadcast %get3A_117 : vector<1x32xf32> to vector<64x32xf32>
      %add3A_119 = arith.addf %dot_general3A_114, %add3A_118 : vector<64x32xf32>
      %reduce_max3A = arith.constant dense<0xFF800000> : vector<64xf32>
      %reduce_max3A_120 = vector.multi_reduction <maximumf>, %add3A_119, %reduce_max3A [1] : vector<64x32xf32> to vector<64xf32>
      %broadcast_in_dim3A = vector.shape_cast %reduce_max3A_120 : vector<64xf32> to vector<64x1xf32>
      %sub3A_121 = vector.broadcast %broadcast_in_dim3A : vector<64x1xf32> to vector<64x32xf32>
      %sub3A_122 = arith.subf %add3A_119, %sub3A_121 : vector<64x32xf32>
      %exp3A = math.exp %sub3A_122 : vector<64x32xf32>
      %reduce_sum3A = arith.constant dense<0.000000e+00> : vector<64xf32>
      %reduce_sum3A_123 = vector.multi_reduction <add>, %exp3A, %reduce_sum3A [1] : vector<64x32xf32> to vector<64xf32>
      %broadcast_in_dim3A_124 = vector.shape_cast %reduce_sum3A_123 : vector<64xf32> to vector<64x1xf32>
      %log3A = math.log %broadcast_in_dim3A_124 : vector<64x1xf32>
      %sub3A_125 = vector.broadcast %log3A : vector<64x1xf32> to vector<64x32xf32>
      %sub3A_126 = arith.subf %sub3A_122, %sub3A_125 : vector<64x32xf32>
      %swap3A_127 = arith.constant 0 : index
      %swap3A_128 = arith.constant 0 : index
      %swap3A_129 = vector.load %arg14[%swap3A_127, %swap3A_128] : memref<64x32xf32, #tpu.memory_space<vmem>>, vector<64x32xf32>
      tpu.vector_store %arg14[%swap3A_127, %swap3A_128], %sub3A_126 {strides = array<i32>} : memref<64x32xf32, #tpu.memory_space<vmem>>, vector<64x32xf32>,
    } else {
    }
    return
  }
  func.func @transform_0(%arg0: i32) -> (i32, i32) {
    %c0_i32 = arith.constant 0 : i32
    %c0_i32_0 = arith.constant 0 : i32
    return %arg0, %c0_i32 : i32, i32
  }
  func.func @transform_1(%arg0: i32) -> (i32, i32, i32) {
    %c0_i32 = arith.constant 0 : i32
    %c0_i32_0 = arith.constant 0 : i32
    %c0_i32_1 = arith.constant 0 : i32
    %c0_i32_2 = arith.constant 0 : i32
    return %c0_i32, %c0_i32_0, %c0_i32_1 : i32, i32, i32
  }
  func.func @transform_2(%arg0: i32) -> (i32, i32) {
    %c0_i32 = arith.constant 0 : i32
    %c0_i32_0 = arith.constant 0 : i32
    return %arg0, %c0_i32 : i32, i32
  }
  func.func @transform_3(%arg0: i32) -> (i32, i32) {
    %c0_i32 = arith.constant 0 : i32
    %c0_i32_0 = arith.constant 0 : i32
    %c0_i32_1 = arith.constant 0 : i32
    return %c0_i32, %c0_i32_0 : i32, i32
  }
  func.func @transform_4(%arg0: i32) -> (i32, i32) {
    %c0_i32 = arith.constant 0 : i32
    %c0_i32_0 = arith.constant 0 : i32
    %c0_i32_1 = arith.constant 0 : i32
    return %c0_i32, %c0_i32_0 : i32, i32
  }
  func.func @transform_5(%arg0: i32) -> (i32, i32) {
    %c0_i32 = arith.constant 0 : i32
    %c0_i32_0 = arith.constant 0 : i32
    %c0_i32_1 = arith.constant 0 : i32
    return %c0_i32, %c0_i32_0 : i32, i32
  }
  func.func @transform_6(%arg0: i32) -> (i32, i32) {
    %c0_i32 = arith.constant 0 : i32
    %c0_i32_0 = arith.constant 0 : i32
    %c0_i32_1 = arith.constant 0 : i32
    return %c0_i32, %c0_i32_0 : i32, i32
  }
  func.func @transform_7(%arg0: i32) -> (i32, i32) {
    %c0_i32 = arith.constant 0 : i32
    %c0_i32_0 = arith.constant 0 : i32
    %c0_i32_1 = arith.constant 0 : i32
    return %c0_i32, %c0_i32_0 : i32, i32
  }
  func.func @transform_8(%arg0: i32) -> (i32, i32) {
    %c0_i32 = arith.constant 0 : i32
    %c0_i32_0 = arith.constant 0 : i32
    %c0_i32_1 = arith.constant 0 : i32
    return %c0_i32, %c0_i32_0 : i32, i32
  }
  func.func @transform_9(%arg0: i32) -> (i32, i32) {
    %c0_i32 = arith.constant 0 : i32
    %c0_i32_0 = arith.constant 0 : i32
    %c0_i32_1 = arith.constant 0 : i32
    return %c0_i32, %c0_i32_0 : i32, i32
  }
  func.func @transform_10(%arg0: i32) -> (i32, i32) {
    %c0_i32 = arith.constant 0 : i32
    %c0_i32_0 = arith.constant 0 : i32
    %c0_i32_1 = arith.constant 0 : i32
    return %c0_i32, %c0_i32_0 : i32, i32
  }
  func.func @transform_11(%arg0: i32) -> (i32, i32) {
    %c0_i32 = arith.constant 0 : i32
    %c0_i32_0 = arith.constant 0 : i32
    %c0_i32_1 = arith.constant 0 : i32
    return %c0_i32, %c0_i32_0 : i32, i32
  }
  func.func @transform_12(%arg0: i32) -> (i32, i32) {
    %c0_i32 = arith.constant 0 : i32
    %c0_i32_0 = arith.constant 0 : i32
    return %arg0, %c0_i32 : i32, i32
  }
  func.func @transform_13(%arg0: i32) -> (i32, i32) {
    %c0_i32 = arith.constant 0 : i32
    %c0_i32_0 = arith.constant 0 : i32
    %c0_i32_1 = arith.constant 0 : i32
    return %c0_i32, %c0_i32_0 : i32, i32
  }
}

</mosaic_0001>

<sc_bundles>
// kernel: kernel.13.cloned.1.call-start
scs
__scs_entry_jumppad:
0x0: {  	(pc) =	sbr.rel $0x88, $3  }
0x1: {  	(tag) =	ssettag $0x0;
	lr =	simm.s32 $0x1  }
0x2: {  	[smem:$0x3F8B] =	sst lr;
	_ =	strace $0xD0000000  }
0x3: {  	_ = 	snop  }
0x4: {  	_ = 	snop  }
0x5: {  	_ = 	snop  }
0x6: {  	_ = 	snop  }
0x7: {  	_ = 	snop  }
__scs_overlays_trampoline_lowered:
0x8: {  	[smem:$0x3F9A] =	sst s0  }
0x9: {  	[smem:$0x3F9B] =	sst s1  }
0xa: {  	[smem:$0x3F9C] =	sst s2  }
0xb: {  	[smem:$0x3F9D] =	sst s3  }
0xc: {  	[smem:$0x3F9E] =	sst s4  }
0xd: {  	[smem:$0x3F9F] =	sst s5  }
0xe: {  	[smem:$0x3FA0] =	sst s6  }
0xf: {  	[smem:$0x3FA1] =	sst s7  }
0x10: {  	[smem:$0x3FA2] =	sst s8  }
0x11: {  	[smem:$0x3FA3] =	sst s9;
	s0 =	simm.s32 @!p0 $0x0  }
0x12: {  	s1 =	sld [smem:$0x3F89];
	s0 =	simm.s32 @p0 $0x1  }
0x13: {  	[smem:$0x3FA4] =	sst s0;
	s0 =	simm.s32 @!p1 $0x0  }
0x14: {  	s2 =	sld [smem:$0x3F88];
	s0 =	simm.s32 @p1 $0x1  }
0x15: {  	[smem:$0x3FA5] =	sst s0;
	s0 =	simm.s32 @!p2 $0x0  }
0x16: {  	s3 =	sld [smem:$0x3FDB];
	s0 =	simm.s32 @p2 $0x1  }
0x17: {  	s4 =	simm.s32 $0x1BF5;
	[smem:$0x3FA7] =	sst s0  }
0x18: {  	s0 =	sld [smem:$0x3F8A];
	_ =	swait.ge [sflag:s4], $0x0  }
0x19: {  	s7 =	sld [smem:$0x3F8B]  }
0x1a: {  	s8 =	sadd.s32 $0xFFFFE003, lr  }
0x1b: {  	s9 =	sadd.s32 $0xFFFFFEF7, lr;
	s5 =	simm.s32 $0xFFFFFFFF;
	p2 =	slt.u32 s8, $0xFFFFF086  }
0x1c: {  	p1 =	slt.u32 s9, $0xF7A;
	s5 =	simm.s32 @!p2 $0x0  }
0x1d: {  	s5 =	simm.s32 @p1 $0x1;
	p0 =	seq.s32 s7, s2  }
0x1e: {  	s7 =	smul.u32 @!p0 $0xF7A, s2;
	p2 =	seq.s32 @!p0 s5, $0x0  }
0x1f: {  	s9 =	smul.u32 $0xF7A, s1;
	s8 =	simm.s32 @!p0 $0x1BF5;
	p2 =	por !p2, p0  }
0x20: {  	[sflag:s8] =	ssyncset.s32 @!p0 $0xFFFFF086;
	s6 =	sadd.s32 @!p0 s3, s7;
	s7 =	simm.s32 @!p0 $0x108  }
0x21: {  	s3 =	sadd.s32 s3, s9;
	s6 =	sadd.s32 @!p0 $0x88, s6;
	s7 =	simm.s32 @p2 $0x1082  }
0x22: {  	[simem:s7], [sflag:s8] =	dma.local @!p0 [hbm:s6], $0xF7A  }
0x23: {  	s9 =	sor.u32 $0xD0000000, s2;
	s6 =	simm.s32 $0x108;
	_ =	swait.ge @!p0 [sflag:s8], $0x0  }
0x24: {  	s3 =	sadd.s32 $0x88, s3;
	s6 =	simm.s32 @!p1 $0x1082;
	[sflag:s4] =	ssyncset.s32 $0xFFFFF086  }
0x25: {  	[simem:s6], [sflag:s4] =	dma.local [hbm:s3], $0xF7A  }
0x26: {  	[smem:$0x3F8B] =	sst s1;
	(tag) =	ssettag s2;
	_ =	strace s9  }
0x27: {  	s1 =	sld [smem:$0x3F9B]  }
0x28: {  	s2 =	sld [smem:$0x3F9C]  }
0x29: {  	s4 =	sld [smem:$0x3F9E]  }
0x2a: {  	p0 =	seq.s32 s5, $0x0;
	s5 =	sld [smem:$0x3F9F]  }
0x2b: {  	s6 =	sld [smem:$0x3FA0]  }
0x2c: {  	s7 =	sld [smem:$0x3FA1]  }
0x2d: {  	s3 =	simm.s32 $0x108;
	s8 =	sld [smem:$0x3FA2]  }
0x2e: {  	s3 =	simm.s32 @!p0 $0x1082;
	s9 =	sld [smem:$0x3FA3]  }
0x2f: {  	lr =	sadd.s32 s0, s3;
	s0 =	sld [smem:$0x3F9A]  }
0x30: {  	s3 =	sld [smem:$0x3F9D]  }
0x31: {  	[smem:$0x3FA6] =	sst s10  }
0x32: {  	s10 =	sld [smem:$0x3FA4];
	_ =	sdelay $0x3  }
0x33: {  	p0 =	seq.s32 s10, $0x1;
	s10 =	sld [smem:$0x3FA6];
	_ =	sdelay $0x3  }
0x34: {  	[smem:$0x3FA6] =	sst s10  }
0x35: {  	s10 =	sld [smem:$0x3FA5];
	_ =	sdelay $0x3  }
0x36: {  	p1 =	seq.s32 s10, $0x1;
	s10 =	sld [smem:$0x3FA6];
	_ =	sdelay $0x3  }
0x37: {  	[smem:$0x3FA6] =	sst s10  }
0x38: {  	s10 =	sld [smem:$0x3FA7]  }
0x39: {  	_ = 	snop;
	(pc) =	sbr.ind lr, $3  }
0x3a: {  	_ = 	snop  }
0x3b: {  	_ = 	snop  }
0x3c: {  	p2 =	seq.s32 s10, $0x1;
	s10 =	sld [smem:$0x3FA6]  }
0x3d: {  	_ =	shalt  }
0x3e: {  	_ =	shalt  }
0x3f: {  	_ =	shalt  }
0x40: {  	_ =	shalt  }
0x41: {  	_ =	shalt  }
0x42: {  	_ =	shalt  }
0x43: {  	_ =	shalt  }
0x44: {  	_ =	shalt  }
0x45: {  	_ =	shalt  }
0x46: {  	_ =	shalt  }
0x47: {  	_ =	shalt  }
0x48: {  	_ =	shalt  }
0x49: {  	_ =	shalt  }
0x4a: {  	_ =	shalt  }
0x4b: {  	_ =	shalt  }
0x4c: {  	_ =	shalt  }
0x4d: {  	_ =	shalt  }
0x4e: {  	_ =	shalt  }
0x4f: {  	_ =	shalt  }
0x50: {  	_ =	shalt  }
0x51: {  	_ =	shalt  }
0x52: {  	_ =	shalt  }
0x53: {  	_ =	shalt  }
0x54: {  	_ =	shalt  }
0x55: {  	_ =	shalt  }
0x56: {  	_ =	shalt  }
0x57: {  	_ =	shalt  }
0x58: {  	_ =	shalt  }
0x59: {  	_ =	shalt  }
0x5a: {  	_ =	shalt  }
0x5b: {  	_ =	shalt  }
0x5c: {  	_ =	shalt  }
0x5d: {  	_ =	shalt  }
0x5e: {  	_ =	shalt  }
0x5f: {  	_ =	shalt  }
0x60: {  	_ =	shalt  }
0x61: {  	_ =	shalt  }
0x62: {  	_ =	shalt  }
0x63: {  	_ =	shalt  }
0x64: {  	_ =	shalt  }
0x65: {  	_ =	shalt  }
0x66: {  	_ =	shalt  }
0x67: {  	_ =	shalt  }
0x68: {  	_ =	shalt  }
0x69: {  	_ =	shalt  }
0x6a: {  	_ =	shalt  }
0x6b: {  	_ =	shalt  }
0x6c: {  	_ =	shalt  }
0x6d: {  	_ =	shalt  }
0x6e: {  	_ =	shalt  }
0x6f: {  	_ =	shalt  }
0x70: {  	_ =	shalt  }
0x71: {  	_ =	shalt  }
0x72: {  	_ =	shalt  }
0x73: {  	_ =	shalt  }
0x74: {  	_ =	shalt  }
0x75: {  	_ =	shalt  }
0x76: {  	_ =	shalt  }
0x77: {  	_ =	shalt  }
0x78: {  	_ =	shalt  }
0x79: {  	_ =	shalt  }
0x7a: {  	_ =	shalt  }
0x7b: {  	_ =	shalt  }
0x7c: {  	_ =	shalt  }
0x7d: {  	_ =	shalt  }
0x7e: {  	_ =	shalt  }
0x7f: {  	_ =	shalt  }
0x80: {  	_ =	shalt  }
0x81: {  	_ =	shalt  }
0x82: {  	_ =	shalt  }
0x83: {  	_ =	shalt  }
0x84: {  	_ =	shalt  }
0x85: {  	_ =	shalt  }
0x86: {  	_ =	shalt  }
0x87: {  	_ =	shalt  }
.Lfunc_end0:
.L_simem_size_0:
called_computation_lowered:
.L_overlay_start_0:
0x88: {  	s2 =	sld [smem:$0x3FD9]  }
0x89: {  	s3 =	sld [smem:$0x3FFE];
	_ =	sdelay $0x1  }
0x8a: {  	s1 =	srdreg.scid  }
0x8b: {  	s0 =	sand.u32 $0x1, s1  }
0x8c: {  	s14 =	sshll.u32 s0, $0xA;
	s2 =	sadd.s32 s3, s2  }
0x8d: {  	s2 =	sadd.s32 s2, s14  }
0x8e: {  	[smem:$0x3FB2] =	sst s2  }
0x8f: {  	_ = 	snop  }
0x90: {  	s2 =	sld [smem:$0x3FD0];
	_ =	sdelay $0x2  }
0x91: {  	s15 =	simm.s32 $0xA;
	s4 =	simm.s32 $0x10  }
0x92: {  	[smem:s4], [sflag:s15] =	dma.local [hbm:s2], $0x1  }
0x93: {  	_ =	swait.eq [sflag:s15], $0x1  }
0x94: {  	[sflag:s15] =	ssyncset.done $0x0  }
0x95: {  	[sflag:s15] =	ssyncadd.s32 $0xFFFFFFFF  }
0x96: {  	s16 =	sld [smem:$0x10];
	(tm) =	ssettm $0x1  }
0x97: {  	s17 =	sld [smem:$0x3FFB];
	_ =	sdelay $0x3  }
0x98: {  	_ =	strace s17  }
0x99: {  	s3 =	sld [smem:$0x3FFC];
	_ =	sdelay $0x3  }
0x9a: {  	_ =	strace s3  }
0x9b: {  	s3 =	sld [smem:$0x3FFD];
	_ =	sdelay $0x3  }
0x9c: {  	_ =	strace s3  }
0x9d: {  	_ =	strace $0x8FFFFFFF  }
0x9e: {  	s18 =	sld [smem:$0x3FDB];
	_ =	sdelay $0x1  }
0x9f: {  	s19 =	simm.s32 $_scs_section_size  }
0xa0: {  	s5 =	simm.s32 $_size__tile_overlayer_lowered;
	s6 =	simm.s32 $_tile_overlayer_lowered  }
0xa1: {  	s22 =	simm.s32 $0x1BFF;
	s21 =	sshll.u32 s6, $0x1;
	s3 =	sadd.s32 s19, s18  }
0xa2: {  	s7 =	simm.s32 $0x0;
	s20 =	sshll.u32 s5, $0x1;
	s5 =	sadd.s32 s21, s3  }
0xa3: {  	[timem:s7], [sflag:s22] =	dma.local [hbm:s5], s20  }
0xa4: {  	_ =	swait.ge [sflag:s22], s20  }
0xa5: {  	s4 =	ssub.s32 $0x0, s20;
	[sflag:s22] =	ssyncset.done $0x0  }
0xa6: {  	[sflag:s22] =	ssyncadd.s32 s4;
	_ =	sdelay $0x1  }
0xa7: {  	s23 =	simm.s32 $0x1B8B  }
0xa8: {  	_ =	swait.ge [sflag:s23], $0x1  }
0xa9: {  	[sflag:s23] =	ssyncset.done $0x0  }
0xaa: {  	s25 =	simm.s32 $0x1B8E;
	s24 =	sld [smem:$0x3FFE];
	[sflag:s23] =	ssyncadd.s32 $0xFFFFFFFF  }
0xab: {  	s26 =	simm.s32 $execute0_lowered;
	[smem:$0x3FD2] =	sst s25  }
0xac: {  	s5 =	sshll.u32 s26, $0x1;
	_ =	strace $0x80000046;
	[dreg:$0x1] =	wrdreg $0xFFFFFFFF  }
0xad: {  	s28 =	simm.s32 $_size_execute0_lowered;
	s3 =	sadd.s32 s3, s5;
	[dreg:$0x0] =	wrdreg $0x0  }
0xae: {  	s5 =	sshll.u32 s28, $0x1;
	[dreg:$0x2] =	wrdreg s3  }
0xaf: {  	[dreg:$0x3] =	wrdreg s5  }
0xb0: {  	[dreg:$0x4] =	wrdreg $0xC0  }
0xb1: {  	_ =	task [dreg:s7], $0x5FFFF  }
0xb2: {  	[dreg:$0x1] =	wrdreg $0xFFFFFFFF  }
0xb3: {  	[dreg:$0x0] =	wrdreg $0x60  }
0xb4: {  	[dreg:$0x2] =	wrdreg s24  }
0xb5: {  	[dreg:$0x3] =	wrdreg s16  }
0xb6: {  	[dreg:$0x4] =	wrdreg $0x68000  }
0xb7: {  	[dreg:$0x5] =	wrdreg $0x9  }
0xb8: {  	_ =	task.clear_ibuf [dreg:s7], $0x6FFFF;
	_ =	strace $0x90000046  }
0xb9: {  	s29 =	simm.s32 $0x9;
	_ =	strace $0x80000048  }
0xba: {  	_ =	swait.ge [sflag:s29], $0x1  }
0xbb: {  	[sflag:s29] =	ssyncadd.s32 $0xFFFFFFFF  }
0xbc: {  	_ =	strace $0x90000048  }
0xbd: {  	_ =	sfence  }
0xbe: {  	s30 =	sld [smem:$0x0];
	_ =	sdelay $0x2  }
0xbf: {  	s31 =	sshll.u32 s1, $0xD;
	s1 =	sshrl.u32 s1, $0x2  }
0xc0: {  	s3 =	sand.u32 $0x4000, s31;
	s1 =	sadd.s32 s1, s30  }
0xc1: {  	s0 =	sor.u32 s3, s0;
	s1 =	sshll.u32 s1, $0x11  }
0xc2: {  	s0 =	sor.u32 s1, s0  }
0xc3: {  	s0 =	sadd.s32 $0x8F2B, s0  }
0xc4: {  	[sflag:s0] =	ssyncadd.remote.s32 $0x1  }
0xc5: {  	_ =	sfence.sel $0xFFFF  }
0xc6: {  	[dreg:$0x0] =	wrdreg $0xFFFFFFFF;
	(pc) =	sbr.abs _section_cstart, $3  }
0xc7: {  	[dreg:$0x1] =	wrdreg $0xFFFFFFFF  }
0xc8: {  	_ =	task.clear_ibuf [dreg:s7], $0x2FFFF;
	_ =	strace $0x9FFFFFFF  }
0xc9: {  	(tm) =	ssettm $0x7FFFFFFF  }
tec
execute0_lowered:
.L_overlay_start_1:
0x0: {  	(tag) =	ssettag $0x1  }
0x1: {  	s5 =	rddreg [dreg:$0x0]  }
0x2: {  	s2 =	rddreg [dreg:$0x1]  }
0x3: {  	s3 =	rddreg [dreg:$0x2]  }
0x4: {  	s0 =	rddreg [dreg:$0x3];
	s1 =	stileid.u32  }
0x5: {  	s6 =	srdreg.scid;
	s4 =	simm.s32 $0x0;
	s13 =	simm.s32 $0x50  }
0x6: {  	s14 =	simm.s32 $0x0;
	s7 =	smul.u32 $0x14000, s1;
	s6 =	sand.u32 $0x1, s6  }
0x7: {  	[smem:$0x7FF] =	sst s4;
	s9 =	sshll.u32 s1, $0xB;
	s11 =	smul.u32 $0x50000, s1  }
0x8: {  	s31 =	sshll.u32 s1, $0x6;
	s8 =	smul.u32 $0x140000, s6;
	_ =	strace $0x80000047  }
0x9: {  	s9 =	sadd.s32 s9, s5;
	s28 =	ssub.s32 $0x2, s6;
	s6 =	sshll.u32 s6, $0xF  }
0xa: {  	s10 =	sshrl.u32 s7, $0x3;
	s29 =	sshrl.u32 s28, $0x1;
	s30 =	sshrl.u32 s11, $0x2  }
0xb: {  	s6 =	sadd.s32 s6, s9;
	s9 =	simm.s32 $0x4000;
	s11 =	sor.u32 $0x1C01, s31  }
0xc: {  	s10 =	sadd.s32 s10, s5;
	s7 =	sadd.s32 s7, s8;
	s8 =	ssub.s32 s28, s29  }
0xd: {  	s12 =	sadd.s32 s30, s3;
	s6 =	sadd.s32 $0x10200, s6;
	s7 =	sshrl.u32 s7, $0x3  }
0xe: {  	s8 =	smax.u32 s8, $0x1;
	s12 =	sshrl.u32 s12, $0x3;
	s7 =	sadd.s32 s7, s5  }
0xf: {  	s5 =	sadd.s32 $0x20200, s10;
	s10 =	simm.s32 $0x1;
	s7 =	sadd.s32 $0x48200, s7  }
.LBB2_1:
0x10: {  	[tilespmem:s9], [sflag:$0x1] =	stream.linear.gather [hbm4b:s2+s4], $0x2800, $0x38;
	[tilespmem:$0x1A800] =	vst v63  }
0x11: {  	_ =	swait.ge [sflag:s10], $0x2800  }
0x12: {  	[sflag:s10] =	ssyncset.done $0x0  }
0x13: {  	[sflag:s10] =	ssyncadd.s32 $0xFFFFD800  }
0x14: {  	[spmem:s12], [sflag:s11] =	dma.local [hbm:s5], $0x2800  }
0x15: {  	_ =	swait.ge [sflag:s10], $0x2800  }
0x16: {  	[sflag:s10] =	ssyncset.done $0x0  }
0x17: {  	[sflag:s10] =	ssyncadd.s32 $0xFFFFD800  }
0x18: {  	[tilespmem:s4], [sflag:$0x1] =	stream.linear.gather [hbm4b:s6+s4], $0x3E80, $0x38;
	[tilespmem:$0x1A800] =	vst v63  }
0x19: {  	_ =	swait.ge [sflag:s10], $0x3E80  }
0x1a: {  	[sflag:s10] =	ssyncset.done $0x0  }
0x1b: {  	[sflag:s10] =	ssyncadd.s32 $0xFFFFC180  }
0x1c: {  	s15 =	simm.s32 $0x0;
	[bflag:$0x0] =	sbarrier.arrive $0xFFFF  }
0x1d: {  	[spmem:s3] =	stream.indirect.scatter.add.f32 [tilespmem:s9], [sflag:$0x1], $0x80, s15, s13, $0xb8;
	[tilespmem:$0x1A800] =	vst v63  }
0x1e: {  	_ =	swait.ge [sflag:s10], $0x2800  }
0x1f: {  	s15 =	simm.s32 $0x200;
	[sflag:s10] =	ssyncset.done $0x0  }
.LBB2_2:
0x20: {  	s16 =	sshra.s32 s15, $0x2;
	[sflag:s10] =	ssyncadd.s32 $0xFFFFD800;
	p0 =	sne.s32 s15, $0xF800  }
0x21: {  	[spmem:s3] =	stream.indirect.scatter.add.f32 [tilespmem:s9], [sflag:$0x1], $0x80, s16, s13, $0xb8;
	[tilespmem:$0x1A800] =	vst v63  }
.Ltmp0:
0x22: {  	_ = 	snop;
	(pc) =	sbr.rel @p0 .LBB2_2-.Ltmp0, $4  }
0x23: {  	_ = 	snop  }
0x24: {  	s15 =	sadd.s32 $0x200, s15  }
0x25: {  	_ =	swait.ge [sflag:s10], $0x2800  }
0x26: {  	[sflag:s10] =	ssyncset.done $0x0  }
0x27: {  	s14 =	sadd.s32 $0x1, s14  }
0x28: {  	[sflag:s10] =	ssyncadd.s32 $0xFFFFD800;
	p0 =	sne.s32 s14, s8  }
.Ltmp1:
0x29: {  	[bflag:$0x0] =	sbarrier.arrive $0xFFFF;
	(pc) =	sbr.rel @p0 .LBB2_1-.Ltmp1, $4  }
0x2a: {  	[hbm:s7], [sflag:s11] =	dma.local [spmem:s12], $0x2800  }
0x2b: {  	_ =	swait.ge [sflag:s10], $0x2800  }
0x2c: {  	[sflag:s10] =	ssyncset.done $0x0  }
0x2d: {  	[sflag:s10] =	ssyncadd.s32 $0xFFFFD800  }
0x2e: {  	_ =	sfence.sel $0x180000  }
0x2f: {  	[bflag:$0x0] =	sbarrier.arrive $0xFFFF  }
0x30: {  	p0 =	sne.s32 s1, $0x0;
	_ =	strace $0x90000047  }
0x31: {  	s0 =	sadd.s32 @!p0 $0x100000, s0;
	[bflag:$0x2] =	sbarrier.arrive $0xFFFF  }
0x32: {  	[sflag:s0] =	ssyncadd.tile.s32 @!p0 $0x1;
	_ =	shalt  }
.Lfunc_end2:
_tile_overlayer_lowered:
.L_overlay_start_2:
0x33: {  	(tag) =	ssettag $0x2  }
0x34: {  	s0 =	rddreg [dreg:$0x0];
	s2 =	stileid.u32  }
0x35: {  	s1 =	rddreg [dreg:$0x1];
	p0 =	sne.s32 s2, $0x0  }
0x36: {  	s3 =	rddreg [dreg:$0x2];
	[bflag:$0x3] =	sbarrier.arrive $0xFFFF;
	s2 =	simm.s32 @!p0 $0x1C01  }
0x37: {  	[timem:s3], [sflag:s2] =	dma.local @!p0 [hbm:s0], s1  }
0x38: {  	s0 =	simm.s32 @!p0 $0x1  }
0x39: {  	_ =	swait.ge @!p0 [sflag:s0], s1  }
0x3a: {  	s1 =	ssub.s32 @!p0 $0x0, s1;
	[sflag:s0] =	ssyncset.done @!p0 $0x0  }
0x3b: {  	[sflag:s0] =	ssyncadd.s32 @!p0 s1  }
0x3c: {  	[bflag:$0x3] =	sbarrier.arrive $0xFFFF  }
0x3d: {  	_ =	shalt  }

// kernel: kernel.16.cloned.1.call-start
scs
__scs_entry_jumppad:
0x0: {  	(pc) =	sbr.rel $0x88, $3  }
0x1: {  	(tag) =	ssettag $0x0;
	lr =	simm.s32 $0x1  }
0x2: {  	[smem:$0x3F8B] =	sst lr;
	_ =	strace $0xD0000000  }
0x3: {  	_ = 	snop  }
0x4: {  	_ = 	snop  }
0x5: {  	_ = 	snop  }
0x6: {  	_ = 	snop  }
0x7: {  	_ = 	snop  }
__scs_overlays_trampoline_lowered:
0x8: {  	[smem:$0x3F9A] =	sst s0  }
0x9: {  	[smem:$0x3F9B] =	sst s1  }
0xa: {  	[smem:$0x3F9C] =	sst s2  }
0xb: {  	[smem:$0x3F9D] =	sst s3  }
0xc: {  	[smem:$0x3F9E] =	sst s4  }
0xd: {  	[smem:$0x3F9F] =	sst s5  }
0xe: {  	[smem:$0x3FA0] =	sst s6  }
0xf: {  	[smem:$0x3FA1] =	sst s7  }
0x10: {  	[smem:$0x3FA2] =	sst s8  }
0x11: {  	[smem:$0x3FA3] =	sst s9;
	s0 =	simm.s32 @!p0 $0x0  }
0x12: {  	s1 =	sld [smem:$0x3F89];
	s0 =	simm.s32 @p0 $0x1  }
0x13: {  	[smem:$0x3FA4] =	sst s0;
	s0 =	simm.s32 @!p1 $0x0  }
0x14: {  	s2 =	sld [smem:$0x3F88];
	s0 =	simm.s32 @p1 $0x1  }
0x15: {  	[smem:$0x3FA5] =	sst s0;
	s0 =	simm.s32 @!p2 $0x0  }
0x16: {  	s3 =	sld [smem:$0x3FDB];
	s0 =	simm.s32 @p2 $0x1  }
0x17: {  	s4 =	simm.s32 $0x1BF5;
	[smem:$0x3FA7] =	sst s0  }
0x18: {  	s0 =	sld [smem:$0x3F8A];
	_ =	swait.ge [sflag:s4], $0x0  }
0x19: {  	s7 =	sld [smem:$0x3F8B]  }
0x1a: {  	s8 =	sadd.s32 $0xFFFFE003, lr  }
0x1b: {  	s9 =	sadd.s32 $0xFFFFFEF7, lr;
	s5 =	simm.s32 $0xFFFFFFFF;
	p2 =	slt.u32 s8, $0xFFFFF086  }
0x1c: {  	p1 =	slt.u32 s9, $0xF7A;
	s5 =	simm.s32 @!p2 $0x0  }
0x1d: {  	s5 =	simm.s32 @p1 $0x1;
	p0 =	seq.s32 s7, s2  }
0x1e: {  	s7 =	smul.u32 @!p0 $0xF7A, s2;
	p2 =	seq.s32 @!p0 s5, $0x0  }
0x1f: {  	s9 =	smul.u32 $0xF7A, s1;
	s8 =	simm.s32 @!p0 $0x1BF5;
	p2 =	por !p2, p0  }
0x20: {  	[sflag:s8] =	ssyncset.s32 @!p0 $0xFFFFF086;
	s6 =	sadd.s32 @!p0 s3, s7;
	s7 =	simm.s32 @!p0 $0x108  }
0x21: {  	s3 =	sadd.s32 s3, s9;
	s6 =	sadd.s32 @!p0 $0x88, s6;
	s7 =	simm.s32 @p2 $0x1082  }
0x22: {  	[simem:s7], [sflag:s8] =	dma.local @!p0 [hbm:s6], $0xF7A  }
0x23: {  	s9 =	sor.u32 $0xD0000000, s2;
	s6 =	simm.s32 $0x108;
	_ =	swait.ge @!p0 [sflag:s8], $0x0  }
0x24: {  	s3 =	sadd.s32 $0x88, s3;
	s6 =	simm.s32 @!p1 $0x1082;
	[sflag:s4] =	ssyncset.s32 $0xFFFFF086  }
0x25: {  	[simem:s6], [sflag:s4] =	dma.local [hbm:s3], $0xF7A  }
0x26: {  	[smem:$0x3F8B] =	sst s1;
	(tag) =	ssettag s2;
	_ =	strace s9  }
0x27: {  	s1 =	sld [smem:$0x3F9B]  }
0x28: {  	s2 =	sld [smem:$0x3F9C]  }
0x29: {  	s4 =	sld [smem:$0x3F9E]  }
0x2a: {  	p0 =	seq.s32 s5, $0x0;
	s5 =	sld [smem:$0x3F9F]  }
0x2b: {  	s6 =	sld [smem:$0x3FA0]  }
0x2c: {  	s7 =	sld [smem:$0x3FA1]  }
0x2d: {  	s3 =	simm.s32 $0x108;
	s8 =	sld [smem:$0x3FA2]  }
0x2e: {  	s3 =	simm.s32 @!p0 $0x1082;
	s9 =	sld [smem:$0x3FA3]  }
0x2f: {  	lr =	sadd.s32 s0, s3;
	s0 =	sld [smem:$0x3F9A]  }
0x30: {  	s3 =	sld [smem:$0x3F9D]  }
0x31: {  	[smem:$0x3FA6] =	sst s10  }
0x32: {  	s10 =	sld [smem:$0x3FA4];
	_ =	sdelay $0x3  }
0x33: {  	p0 =	seq.s32 s10, $0x1;
	s10 =	sld [smem:$0x3FA6];
	_ =	sdelay $0x3  }
0x34: {  	[smem:$0x3FA6] =	sst s10  }
0x35: {  	s10 =	sld [smem:$0x3FA5];
	_ =	sdelay $0x3  }
0x36: {  	p1 =	seq.s32 s10, $0x1;
	s10 =	sld [smem:$0x3FA6];
	_ =	sdelay $0x3  }
0x37: {  	[smem:$0x3FA6] =	sst s10  }
0x38: {  	s10 =	sld [smem:$0x3FA7]  }
0x39: {  	_ = 	snop;
	(pc) =	sbr.ind lr, $3  }
0x3a: {  	_ = 	snop  }
0x3b: {  	_ = 	snop  }
0x3c: {  	p2 =	seq.s32 s10, $0x1;
	s10 =	sld [smem:$0x3FA6]  }
0x3d: {  	_ =	shalt  }
0x3e: {  	_ =	shalt  }
0x3f: {  	_ =	shalt  }
0x40: {  	_ =	shalt  }
0x41: {  	_ =	shalt  }
0x42: {  	_ =	shalt  }
0x43: {  	_ =	shalt  }
0x44: {  	_ =	shalt  }
0x45: {  	_ =	shalt  }
0x46: {  	_ =	shalt  }
0x47: {  	_ =	shalt  }
0x48: {  	_ =	shalt  }
0x49: {  	_ =	shalt  }
0x4a: {  	_ =	shalt  }
0x4b: {  	_ =	shalt  }
0x4c: {  	_ =	shalt  }
0x4d: {  	_ =	shalt  }
0x4e: {  	_ =	shalt  }
0x4f: {  	_ =	shalt  }
0x50: {  	_ =	shalt  }
0x51: {  	_ =	shalt  }
0x52: {  	_ =	shalt  }
0x53: {  	_ =	shalt  }
0x54: {  	_ =	shalt  }
0x55: {  	_ =	shalt  }
0x56: {  	_ =	shalt  }
0x57: {  	_ =	shalt  }
0x58: {  	_ =	shalt  }
0x59: {  	_ =	shalt  }
0x5a: {  	_ =	shalt  }
0x5b: {  	_ =	shalt  }
0x5c: {  	_ =	shalt  }
0x5d: {  	_ =	shalt  }
0x5e: {  	_ =	shalt  }
0x5f: {  	_ =	shalt  }
0x60: {  	_ =	shalt  }
0x61: {  	_ =	shalt  }
0x62: {  	_ =	shalt  }
0x63: {  	_ =	shalt  }
0x64: {  	_ =	shalt  }
0x65: {  	_ =	shalt  }
0x66: {  	_ =	shalt  }
0x67: {  	_ =	shalt  }
0x68: {  	_ =	shalt  }
0x69: {  	_ =	shalt  }
0x6a: {  	_ =	shalt  }
0x6b: {  	_ =	shalt  }
0x6c: {  	_ =	shalt  }
0x6d: {  	_ =	shalt  }
0x6e: {  	_ =	shalt  }
0x6f: {  	_ =	shalt  }
0x70: {  	_ =	shalt  }
0x71: {  	_ =	shalt  }
0x72: {  	_ =	shalt  }
0x73: {  	_ =	shalt  }
0x74: {  	_ =	shalt  }
0x75: {  	_ =	shalt  }
0x76: {  	_ =	shalt  }
0x77: {  	_ =	shalt  }
0x78: {  	_ =	shalt  }
0x79: {  	_ =	shalt  }
0x7a: {  	_ =	shalt  }
0x7b: {  	_ =	shalt  }
0x7c: {  	_ =	shalt  }
0x7d: {  	_ =	shalt  }
0x7e: {  	_ =	shalt  }
0x7f: {  	_ =	shalt  }
0x80: {  	_ =	shalt  }
0x81: {  	_ =	shalt  }
0x82: {  	_ =	shalt  }
0x83: {  	_ =	shalt  }
0x84: {  	_ =	shalt  }
0x85: {  	_ =	shalt  }
0x86: {  	_ =	shalt  }
0x87: {  	_ =	shalt  }
.Lfunc_end0:
.L_simem_size_0:
called_computation.1_lowered:
.L_overlay_start_0:
0x88: {  	s2 =	sld [smem:$0x3FD9]  }
0x89: {  	s3 =	sld [smem:$0x3FFE];
	_ =	sdelay $0x1  }
0x8a: {  	s1 =	srdreg.scid  }
0x8b: {  	s0 =	sand.u32 $0x1, s1  }
0x8c: {  	s14 =	sshll.u32 s0, $0xA;
	s2 =	sadd.s32 s3, s2  }
0x8d: {  	s2 =	sadd.s32 s2, s14  }
0x8e: {  	[smem:$0x3FB2] =	sst s2  }
0x8f: {  	_ = 	snop  }
0x90: {  	s2 =	sld [smem:$0x3FD0];
	_ =	sdelay $0x2  }
0x91: {  	s15 =	simm.s32 $0xA;
	s4 =	simm.s32 $0x10  }
0x92: {  	[smem:s4], [sflag:s15] =	dma.local [hbm:s2], $0x1  }
0x93: {  	_ =	swait.eq [sflag:s15], $0x1  }
0x94: {  	[sflag:s15] =	ssyncset.done $0x0  }
0x95: {  	[sflag:s15] =	ssyncadd.s32 $0xFFFFFFFF  }
0x96: {  	s16 =	sld [smem:$0x10];
	(tm) =	ssettm $0x1  }
0x97: {  	s17 =	sld [smem:$0x3FFB];
	_ =	sdelay $0x3  }
0x98: {  	_ =	strace s17  }
0x99: {  	s3 =	sld [smem:$0x3FFC];
	_ =	sdelay $0x3  }
0x9a: {  	_ =	strace s3  }
0x9b: {  	s3 =	sld [smem:$0x3FFD];
	_ =	sdelay $0x3  }
0x9c: {  	_ =	strace s3  }
0x9d: {  	_ =	strace $0x8FFFFFFF  }
0x9e: {  	s18 =	sld [smem:$0x3FDB];
	_ =	sdelay $0x1  }
0x9f: {  	s19 =	simm.s32 $_scs_section_size  }
0xa0: {  	s5 =	simm.s32 $_size__tile_overlayer_lowered;
	s6 =	simm.s32 $_tile_overlayer_lowered  }
0xa1: {  	s22 =	simm.s32 $0x1BFF;
	s21 =	sshll.u32 s6, $0x1;
	s3 =	sadd.s32 s19, s18  }
0xa2: {  	s7 =	simm.s32 $0x0;
	s20 =	sshll.u32 s5, $0x1;
	s5 =	sadd.s32 s21, s3  }
0xa3: {  	[timem:s7], [sflag:s22] =	dma.local [hbm:s5], s20  }
0xa4: {  	_ =	swait.ge [sflag:s22], s20  }
0xa5: {  	s4 =	ssub.s32 $0x0, s20;
	[sflag:s22] =	ssyncset.done $0x0  }
0xa6: {  	[sflag:s22] =	ssyncadd.s32 s4;
	_ =	sdelay $0x1  }
0xa7: {  	s23 =	simm.s32 $0x1B8B  }
0xa8: {  	_ =	swait.ge [sflag:s23], $0x1  }
0xa9: {  	[sflag:s23] =	ssyncset.done $0x0  }
0xaa: {  	s25 =	simm.s32 $0x1B8E;
	s24 =	sld [smem:$0x3FFE];
	[sflag:s23] =	ssyncadd.s32 $0xFFFFFFFF  }
0xab: {  	s26 =	simm.s32 $execute0_lowered;
	[smem:$0x3FD2] =	sst s25  }
0xac: {  	s5 =	sshll.u32 s26, $0x1;
	_ =	strace $0x80000049;
	[dreg:$0x1] =	wrdreg $0xFFFFFFFF  }
0xad: {  	s28 =	simm.s32 $_size_execute0_lowered;
	s3 =	sadd.s32 s3, s5;
	[dreg:$0x0] =	wrdreg $0x0  }
0xae: {  	s5 =	sshll.u32 s28, $0x1;
	[dreg:$0x2] =	wrdreg s3  }
0xaf: {  	[dreg:$0x3] =	wrdreg s5  }
0xb0: {  	[dreg:$0x4] =	wrdreg $0xC0  }
0xb1: {  	_ =	task [dreg:s7], $0x5FFFF  }
0xb2: {  	[dreg:$0x1] =	wrdreg $0xFFFFFFFF  }
0xb3: {  	[dreg:$0x0] =	wrdreg $0x60  }
0xb4: {  	[dreg:$0x2] =	wrdreg s16  }
0xb5: {  	[dreg:$0x3] =	wrdreg s24  }
0xb6: {  	[dreg:$0x4] =	wrdreg $0xB7800  }
0xb7: {  	[dreg:$0x5] =	wrdreg $0x9  }
0xb8: {  	_ =	task.clear_ibuf [dreg:s7], $0x6FFFF;
	_ =	strace $0x90000049  }
0xb9: {  	s29 =	simm.s32 $0x9;
	_ =	strace $0x8000004B  }
0xba: {  	_ =	swait.ge [sflag:s29], $0x1  }
0xbb: {  	[sflag:s29] =	ssyncadd.s32 $0xFFFFFFFF  }
0xbc: {  	_ =	strace $0x9000004B  }
0xbd: {  	_ =	sfence  }
0xbe: {  	s30 =	sld [smem:$0x0];
	_ =	sdelay $0x2  }
0xbf: {  	s31 =	sshll.u32 s1, $0xD;
	s1 =	sshrl.u32 s1, $0x2  }
0xc0: {  	s3 =	sand.u32 $0x4000, s31;
	s1 =	sadd.s32 s1, s30  }
0xc1: {  	s0 =	sor.u32 s3, s0;
	s1 =	sshll.u32 s1, $0x11  }
0xc2: {  	s0 =	sor.u32 s1, s0  }
0xc3: {  	s0 =	sadd.s32 $0x8F2B, s0  }
0xc4: {  	[sflag:s0] =	ssyncadd.remote.s32 $0x1  }
0xc5: {  	_ =	sfence.sel $0xFFFF  }
0xc6: {  	[dreg:$0x0] =	wrdreg $0xFFFFFFFF;
	(pc) =	sbr.abs _section_cstart, $3  }
0xc7: {  	[dreg:$0x1] =	wrdreg $0xFFFFFFFF  }
0xc8: {  	_ =	task.clear_ibuf [dreg:s7], $0x2FFFF;
	_ =	strace $0x9FFFFFFF  }
0xc9: {  	(tm) =	ssettm $0x7FFFFFFF  }
tec
execute0_lowered:
.L_overlay_start_1:
0x0: {  	(tag) =	ssettag $0x1  }
0x1: {  	s1 =	rddreg [dreg:$0x0]  }
0x2: {  	s6 =	rddreg [dreg:$0x1]  }
0x3: {  	s0 =	srdreg.scid;
	s3 =	rddreg [dreg:$0x2]  }
0x4: {  	s4 =	simm.s32 $0x0;
	s14 =	simm.s32 $0x50;
	s15 =	simm.s32 $0x6780  }
0x5: {  	s16 =	simm.s32 $0x8F80;
	s17 =	simm.s32 $0x1;
	s18 =	simm.s32 $0x2  }
0x6: {  	s19 =	simm.s32 $0x6580;
	s5 =	sand.u32 $0x1, s0;
	s0 =	stileid.u32  }
0x7: {  	s20 =	simm.s32 $0x0;
	[smem:$0x7FF] =	sst s4;
	s9 =	smul.u32 $0x14000, s0  }
0x8: {  	s2 =	sshll.u32 s5, $0x4;
	s10 =	smul.u32 $0x140000, s5;
	s5 =	ssub.s32 $0x2, s5  }
0x9: {  	s29 =	smul.u32 $0x50000, s0;
	s31 =	sshll.u32 s0, $0x6;
	s7 =	sor.u32 s0, s2  }
0xa: {  	s2 =	rddreg [dreg:$0x3];
	_ =	strace $0x8000004A;
	s12 =	sshrl.u32 s5, $0x1  }
0xb: {  	s8 =	smul.u32 $0x4E2, s7;
	s7 =	sshll.u32 s7, $0xB;
	s28 =	sshrl.u32 s9, $0x3  }
0xc: {  	s9 =	sadd.s32 s9, s10;
	s12 =	ssub.s32 s5, s12;
	s30 =	sshrl.u32 s29, $0x2  }
0xd: {  	s11 =	sadd.s32 s7, s6;
	s7 =	sadd.s32 s28, s6;
	s9 =	sshrl.u32 s9, $0x3  }
0xe: {  	s13 =	sadd.s32 s30, s3;
	s10 =	smax.u32 s12, $0x1;
	s12 =	simm.s32 $0x3  }
0xf: {  	s8 =	sadd.s32 s8, s6;
	s9 =	sadd.s32 s9, s6;
	s5 =	sadd.s32 $0x20200, s7  }
0x10: {  	s6 =	sor.u32 $0x1C03, s31;
	s7 =	sadd.s32 $0x6400, s8;
	s8 =	sadd.s32 $0x10200, s11  }
0x11: {  	s9 =	sadd.s32 $0x6F400, s9;
	s11 =	sshrl.u32 s13, $0x3;
	s13 =	simm.s32 $0x2780  }
.LBB2_1:
0x12: {  	[spmem:s11], [sflag:s6] =	dma.local [hbm:s5], $0x2800  }
0x13: {  	_ =	swait.ge [sflag:s12], $0x2800  }
0x14: {  	[sflag:s12] =	ssyncset.done $0x0  }
0x15: {  	[sflag:s12] =	ssyncadd.s32 $0xFFFFD800  }
0x16: {  	[tilespmem:s4], [sflag:$0x3] =	stream.linear.gather [hbm4b:s7+s4], $0x2710, $0x38;
	[tilespmem:$0x1F780] =	vst v63  }
0x17: {  	_ =	swait.ge [sflag:s12], $0x2710  }
0x18: {  	[sflag:s12] =	ssyncset.done $0x0  }
0x19: {  	[sflag:s12] =	ssyncadd.s32 $0xFFFFD8F0  }
0x1a: {  	[tilespmem:s13], [sflag:$0x3] =	stream.linear.gather [hbm4b:s8+s4], $0x3E80, $0x38;
	[tilespmem:$0x1F780] =	vst v63  }
0x1b: {  	_ =	swait.ge [sflag:s12], $0x3E80  }
0x1c: {  	[sflag:s12] =	ssyncset.done $0x0  }
0x1d: {  	[sflag:s12] =	ssyncadd.s32 $0xFFFFC180  }
0x1e: {  	[bflag:$0x0] =	sbarrier.arrive $0xFFFF  }
0x1f: {  	[tilespmem:s15], [sflag:$0x1] =	stream.indirect.gather [hbm4b:s1+s14], $0x80, s4, s14, $0xb8;
	[tilespmem:$0x1F780] =	vst v63  }
0x20: {  	s21 =	simm.s32 $0x50  }
0x21: {  	[tilespmem:s16], [sflag:$0x2] =	stream.indirect.gather [hbm4b:s1+s14], $0x80, s21, s14, $0xb8;
	[tilespmem:$0x1F780] =	vst v63  }
0x22: {  	_ =	swait.ge [sflag:s17], $0x2800  }
0x23: {  	[sflag:s17] =	ssyncset.done $0x0  }
0x24: {  	s29 =	simm.s32 $0x2780;
	[sflag:s17] =	ssyncadd.s32 $0xFFFFD800  }
0x25: {  	[spmem:s3] =	stream.indirect.scatter.add.f32 [tilespmem:s15], [sflag:$0x3], $0x80, s29, s14, $0xb8;
	[tilespmem:$0x1F780] =	vst v63  }
0x26: {  	_ =	swait.ge [sflag:s12], $0x2800  }
0x27: {  	[sflag:s12] =	ssyncset.done $0x0  }
0x28: {  	s30 =	simm.s32 $0xA0;
	[sflag:s12] =	ssyncadd.s32 $0xFFFFD800  }
0x29: {  	[tilespmem:s15], [sflag:$0x1] =	stream.indirect.gather [hbm4b:s1+s14], $0x80, s30, s14, $0xb8;
	[tilespmem:$0x1F780] =	vst v63  }
0x2a: {  	_ =	swait.ge [sflag:s18], $0x2800  }
0x2b: {  	[sflag:s18] =	ssyncset.done $0x0  }
0x2c: {  	s31 =	simm.s32 $0x2800;
	[sflag:s18] =	ssyncadd.s32 $0xFFFFD800  }
0x2d: {  	[spmem:s3] =	stream.indirect.scatter.add.f32 [tilespmem:s16], [sflag:$0x3], $0x80, s31, s14, $0xb8;
	[tilespmem:$0x1F780] =	vst v63  }
0x2e: {  	s22 =	simm.s32 $0x400;
	_ =	swait.ge [sflag:s12], $0x2800  }
0x2f: {  	s23 =	simm.s32 $0x800;
	s21 =	simm.s32 $0x140;
	[sflag:s12] =	ssyncset.done $0x0  }
.LBB2_2:
0x30: {  	p0 =	sne.s32 s23, $0xF400;
	s24 =	sadd.s32 $0xFFFFFFB0, s21;
	[sflag:s12] =	ssyncadd.s32 $0xFFFFD800  }
0x31: {  	[tilespmem:s16], [sflag:$0x2] =	stream.indirect.gather [hbm4b:s1+s14], $0x80, s24, s14, $0xb8;
	[tilespmem:$0x1F780] =	vst v63  }
0x32: {  	s24 =	smov.u32 s23;
	s23 =	sadd.s32 $0x400, s23;
	_ =	swait.ge [sflag:s17], $0x2800  }
0x33: {  	s25 =	sshra.s32 s22, $0x2;
	s22 =	smov.u32 s24;
	[sflag:s17] =	ssyncset.done $0x0  }
0x34: {  	s24 =	sadd.s32 $0x2780, s25;
	[sflag:s17] =	ssyncadd.s32 $0xFFFFD800  }
0x35: {  	[spmem:s3] =	stream.indirect.scatter.add.f32 [tilespmem:s15], [sflag:$0x3], $0x80, s24, s14, $0xb8;
	[tilespmem:$0x1F780] =	vst v63  }
0x36: {  	_ =	swait.ge [sflag:s12], $0x2800  }
0x37: {  	[sflag:s12] =	ssyncset.done $0x0  }
0x38: {  	[sflag:s12] =	ssyncadd.s32 $0xFFFFD800  }
0x39: {  	[tilespmem:s15], [sflag:$0x1] =	stream.indirect.gather [hbm4b:s1+s14], $0x80, s21, s14, $0xb8;
	[tilespmem:$0x1F780] =	vst v63  }
0x3a: {  	_ =	swait.ge [sflag:s18], $0x2800  }
.Ltmp0:
0x3b: {  	[sflag:s18] =	ssyncset.done $0x0;
	(pc) =	sbr.rel @p0 .LBB2_2-.Ltmp0, $4  }
0x3c: {  	s24 =	sadd.s32 $0x2800, s25;
	[sflag:s18] =	ssyncadd.s32 $0xFFFFD800  }
0x3d: {  	[spmem:s3] =	stream.indirect.scatter.add.f32 [tilespmem:s16], [sflag:$0x3], $0x80, s24, s14, $0xb8;
	[tilespmem:$0x1F780] =	vst v63  }
0x3e: {  	_ =	swait.ge [sflag:s12], $0x2800  }
0x3f: {  	s21 =	sadd.s32 $0xA0, s21;
	[sflag:s12] =	ssyncset.done $0x0  }
0x40: {  	s23 =	sadd.s32 $0xFFFFFFB0, s21;
	[sflag:s12] =	ssyncadd.s32 $0xFFFFD800  }
0x41: {  	[tilespmem:s16], [sflag:$0x2] =	stream.indirect.gather [hbm4b:s1+s14], $0x80, s23, s14, $0xb8;
	[tilespmem:$0x1F780] =	vst v63  }
0x42: {  	_ =	swait.ge [sflag:s17], $0x2800  }
0x43: {  	s22 =	sshra.s32 s22, $0x2;
	[sflag:s17] =	ssyncset.done $0x0  }
0x44: {  	s30 =	sadd.s32 $0x2780, s22;
	[sflag:s17] =	ssyncadd.s32 $0xFFFFD800  }
0x45: {  	[spmem:s3] =	stream.indirect.scatter.add.f32 [tilespmem:s15], [sflag:$0x3], $0x80, s30, s14, $0xb8;
	[tilespmem:$0x1F780] =	vst v63  }
0x46: {  	_ =	swait.ge [sflag:s12], $0x2800  }
0x47: {  	[sflag:s12] =	ssyncset.done $0x0  }
0x48: {  	[sflag:s12] =	ssyncadd.s32 $0xFFFFD800  }
0x49: {  	[tilespmem:s15], [sflag:$0x1] =	stream.indirect.gather [hbm4b:s1+s14], $0x80, s21, s14, $0xb8;
	[tilespmem:$0x1F780] =	vst v63  }
0x4a: {  	_ =	swait.ge [sflag:s18], $0x2800  }
0x4b: {  	[sflag:s18] =	ssyncset.done $0x0  }
0x4c: {  	s31 =	sadd.s32 $0x2800, s22;
	[sflag:s18] =	ssyncadd.s32 $0xFFFFD800  }
0x4d: {  	[spmem:s3] =	stream.indirect.scatter.add.f32 [tilespmem:s16], [sflag:$0x3], $0x80, s31, s14, $0xb8;
	[tilespmem:$0x1F780] =	vst v63  }
0x4e: {  	_ =	swait.ge [sflag:s12], $0x2800  }
0x4f: {  	[sflag:s12] =	ssyncset.done $0x0  }
0x50: {  	[sflag:s12] =	ssyncadd.s32 $0xFFFFD800  }
0x51: {  	_ =	swait.ge [sflag:s17], $0x2800  }
0x52: {  	[sflag:s17] =	ssyncset.done $0x0  }
0x53: {  	[sflag:s17] =	ssyncadd.s32 $0xFFFFD800  }
0x54: {  	[spmem:s3] =	stream.indirect.scatter.add.f32 [tilespmem:s15], [sflag:$0x3], $0x80, s19, s14, $0xb8;
	[tilespmem:$0x1F780] =	vst v63  }
0x55: {  	_ =	swait.ge [sflag:s12], $0x2800  }
0x56: {  	s20 =	sadd.s32 $0x1, s20;
	[sflag:s12] =	ssyncset.done $0x0  }
0x57: {  	p0 =	sne.s32 s20, s10;
	[sflag:s12] =	ssyncadd.s32 $0xFFFFD800  }
.Ltmp1:
0x58: {  	[bflag:$0x0] =	sbarrier.arrive $0xFFFF;
	(pc) =	sbr.rel @p0 .LBB2_1-.Ltmp1, $4  }
0x59: {  	[hbm:s9], [sflag:s6] =	dma.local [spmem:s11], $0x2800  }
0x5a: {  	_ =	swait.ge [sflag:s12], $0x2800  }
0x5b: {  	[sflag:s12] =	ssyncset.done $0x0  }
0x5c: {  	[sflag:s12] =	ssyncadd.s32 $0xFFFFD800  }
0x5d: {  	_ =	sfence.sel $0x180000  }
0x5e: {  	[bflag:$0x0] =	sbarrier.arrive $0xFFFF  }
0x5f: {  	p0 =	sne.s32 s0, $0x0;
	_ =	strace $0x9000004A  }
0x60: {  	s0 =	sadd.s32 @!p0 $0x100000, s2;
	[bflag:$0x2] =	sbarrier.arrive $0xFFFF  }
0x61: {  	[sflag:s0] =	ssyncadd.tile.s32 @!p0 $0x1;
	_ =	shalt  }
.Lfunc_end2:
_tile_overlayer_lowered:
.L_overlay_start_2:
0x62: {  	(tag) =	ssettag $0x2  }
0x63: {  	s0 =	rddreg [dreg:$0x0];
	s2 =	stileid.u32  }
0x64: {  	s1 =	rddreg [dreg:$0x1];
	p0 =	sne.s32 s2, $0x0  }
0x65: {  	s3 =	rddreg [dreg:$0x2];
	[bflag:$0x3] =	sbarrier.arrive $0xFFFF;
	s2 =	simm.s32 @!p0 $0x1C03  }
0x66: {  	[timem:s3], [sflag:s2] =	dma.local @!p0 [hbm:s0], s1  }
0x67: {  	s0 =	simm.s32 @!p0 $0x3  }
0x68: {  	_ =	swait.ge @!p0 [sflag:s0], s1  }
0x69: {  	s1 =	ssub.s32 @!p0 $0x0, s1;
	[sflag:s0] =	ssyncset.done @!p0 $0x0  }
0x6a: {  	[sflag:s0] =	ssyncadd.s32 @!p0 s1  }
0x6b: {  	[bflag:$0x3] =	sbarrier.arrive $0xFFFF  }
0x6c: {  	_ =	shalt  }

// kernel: kernel.19.cloned.1.call-start
scs
__scs_entry_jumppad:
0x0: {  	(pc) =	sbr.rel $0x88, $3  }
0x1: {  	(tag) =	ssettag $0x0;
	lr =	simm.s32 $0x1  }
0x2: {  	[smem:$0x3F8B] =	sst lr;
	_ =	strace $0xD0000000  }
0x3: {  	_ = 	snop  }
0x4: {  	_ = 	snop  }
0x5: {  	_ = 	snop  }
0x6: {  	_ = 	snop  }
0x7: {  	_ = 	snop  }
__scs_overlays_trampoline_lowered:
0x8: {  	[smem:$0x3F9A] =	sst s0  }
0x9: {  	[smem:$0x3F9B] =	sst s1  }
0xa: {  	[smem:$0x3F9C] =	sst s2  }
0xb: {  	[smem:$0x3F9D] =	sst s3  }
0xc: {  	[smem:$0x3F9E] =	sst s4  }
0xd: {  	[smem:$0x3F9F] =	sst s5  }
0xe: {  	[smem:$0x3FA0] =	sst s6  }
0xf: {  	[smem:$0x3FA1] =	sst s7  }
0x10: {  	[smem:$0x3FA2] =	sst s8  }
0x11: {  	[smem:$0x3FA3] =	sst s9;
	s0 =	simm.s32 @!p0 $0x0  }
0x12: {  	s1 =	sld [smem:$0x3F89];
	s0 =	simm.s32 @p0 $0x1  }
0x13: {  	[smem:$0x3FA4] =	sst s0;
	s0 =	simm.s32 @!p1 $0x0  }
0x14: {  	s2 =	sld [smem:$0x3F88];
	s0 =	simm.s32 @p1 $0x1  }
0x15: {  	[smem:$0x3FA5] =	sst s0;
	s0 =	simm.s32 @!p2 $0x0  }
0x16: {  	s3 =	sld [smem:$0x3FDB];
	s0 =	simm.s32 @p2 $0x1  }
0x17: {  	s4 =	simm.s32 $0x1BF5;
	[smem:$0x3FA7] =	sst s0  }
0x18: {  	s0 =	sld [smem:$0x3F8A];
	_ =	swait.ge [sflag:s4], $0x0  }
0x19: {  	s7 =	sld [smem:$0x3F8B]  }
0x1a: {  	s8 =	sadd.s32 $0xFFFFE003, lr  }
0x1b: {  	s9 =	sadd.s32 $0xFFFFFEF7, lr;
	s5 =	simm.s32 $0xFFFFFFFF;
	p2 =	slt.u32 s8, $0xFFFFF086  }
0x1c: {  	p1 =	slt.u32 s9, $0xF7A;
	s5 =	simm.s32 @!p2 $0x0  }
0x1d: {  	s5 =	simm.s32 @p1 $0x1;
	p0 =	seq.s32 s7, s2  }
0x1e: {  	s7 =	smul.u32 @!p0 $0xF7A, s2;
	p2 =	seq.s32 @!p0 s5, $0x0  }
0x1f: {  	s9 =	smul.u32 $0xF7A, s1;
	s8 =	simm.s32 @!p0 $0x1BF5;
	p2 =	por !p2, p0  }
0x20: {  	[sflag:s8] =	ssyncset.s32 @!p0 $0xFFFFF086;
	s6 =	sadd.s32 @!p0 s3, s7;
	s7 =	simm.s32 @!p0 $0x108  }
0x21: {  	s3 =	sadd.s32 s3, s9;
	s6 =	sadd.s32 @!p0 $0x88, s6;
	s7 =	simm.s32 @p2 $0x1082  }
0x22: {  	[simem:s7], [sflag:s8] =	dma.local @!p0 [hbm:s6], $0xF7A  }
0x23: {  	s9 =	sor.u32 $0xD0000000, s2;
	s6 =	simm.s32 $0x108;
	_ =	swait.ge @!p0 [sflag:s8], $0x0  }
0x24: {  	s3 =	sadd.s32 $0x88, s3;
	s6 =	simm.s32 @!p1 $0x1082;
	[sflag:s4] =	ssyncset.s32 $0xFFFFF086  }
0x25: {  	[simem:s6], [sflag:s4] =	dma.local [hbm:s3], $0xF7A  }
0x26: {  	[smem:$0x3F8B] =	sst s1;
	(tag) =	ssettag s2;
	_ =	strace s9  }
0x27: {  	s1 =	sld [smem:$0x3F9B]  }
0x28: {  	s2 =	sld [smem:$0x3F9C]  }
0x29: {  	s4 =	sld [smem:$0x3F9E]  }
0x2a: {  	p0 =	seq.s32 s5, $0x0;
	s5 =	sld [smem:$0x3F9F]  }
0x2b: {  	s6 =	sld [smem:$0x3FA0]  }
0x2c: {  	s7 =	sld [smem:$0x3FA1]  }
0x2d: {  	s3 =	simm.s32 $0x108;
	s8 =	sld [smem:$0x3FA2]  }
0x2e: {  	s3 =	simm.s32 @!p0 $0x1082;
	s9 =	sld [smem:$0x3FA3]  }
0x2f: {  	lr =	sadd.s32 s0, s3;
	s0 =	sld [smem:$0x3F9A]  }
0x30: {  	s3 =	sld [smem:$0x3F9D]  }
0x31: {  	[smem:$0x3FA6] =	sst s10  }
0x32: {  	s10 =	sld [smem:$0x3FA4];
	_ =	sdelay $0x3  }
0x33: {  	p0 =	seq.s32 s10, $0x1;
	s10 =	sld [smem:$0x3FA6];
	_ =	sdelay $0x3  }
0x34: {  	[smem:$0x3FA6] =	sst s10  }
0x35: {  	s10 =	sld [smem:$0x3FA5];
	_ =	sdelay $0x3  }
0x36: {  	p1 =	seq.s32 s10, $0x1;
	s10 =	sld [smem:$0x3FA6];
	_ =	sdelay $0x3  }
0x37: {  	[smem:$0x3FA6] =	sst s10  }
0x38: {  	s10 =	sld [smem:$0x3FA7]  }
0x39: {  	_ = 	snop;
	(pc) =	sbr.ind lr, $3  }
0x3a: {  	_ = 	snop  }
0x3b: {  	_ = 	snop  }
0x3c: {  	p2 =	seq.s32 s10, $0x1;
	s10 =	sld [smem:$0x3FA6]  }
0x3d: {  	_ =	shalt  }
0x3e: {  	_ =	shalt  }
0x3f: {  	_ =	shalt  }
0x40: {  	_ =	shalt  }
0x41: {  	_ =	shalt  }
0x42: {  	_ =	shalt  }
0x43: {  	_ =	shalt  }
0x44: {  	_ =	shalt  }
0x45: {  	_ =	shalt  }
0x46: {  	_ =	shalt  }
0x47: {  	_ =	shalt  }
0x48: {  	_ =	shalt  }
0x49: {  	_ =	shalt  }
0x4a: {  	_ =	shalt  }
0x4b: {  	_ =	shalt  }
0x4c: {  	_ =	shalt  }
0x4d: {  	_ =	shalt  }
0x4e: {  	_ =	shalt  }
0x4f: {  	_ =	shalt  }
0x50: {  	_ =	shalt  }
0x51: {  	_ =	shalt  }
0x52: {  	_ =	shalt  }
0x53: {  	_ =	shalt  }
0x54: {  	_ =	shalt  }
0x55: {  	_ =	shalt  }
0x56: {  	_ =	shalt  }
0x57: {  	_ =	shalt  }
0x58: {  	_ =	shalt  }
0x59: {  	_ =	shalt  }
0x5a: {  	_ =	shalt  }
0x5b: {  	_ =	shalt  }
0x5c: {  	_ =	shalt  }
0x5d: {  	_ =	shalt  }
0x5e: {  	_ =	shalt  }
0x5f: {  	_ =	shalt  }
0x60: {  	_ =	shalt  }
0x61: {  	_ =	shalt  }
0x62: {  	_ =	shalt  }
0x63: {  	_ =	shalt  }
0x64: {  	_ =	shalt  }
0x65: {  	_ =	shalt  }
0x66: {  	_ =	shalt  }
0x67: {  	_ =	shalt  }
0x68: {  	_ =	shalt  }
0x69: {  	_ =	shalt  }
0x6a: {  	_ =	shalt  }
0x6b: {  	_ =	shalt  }
0x6c: {  	_ =	shalt  }
0x6d: {  	_ =	shalt  }
0x6e: {  	_ =	shalt  }
0x6f: {  	_ =	shalt  }
0x70: {  	_ =	shalt  }
0x71: {  	_ =	shalt  }
0x72: {  	_ =	shalt  }
0x73: {  	_ =	shalt  }
0x74: {  	_ =	shalt  }
0x75: {  	_ =	shalt  }
0x76: {  	_ =	shalt  }
0x77: {  	_ =	shalt  }
0x78: {  	_ =	shalt  }
0x79: {  	_ =	shalt  }
0x7a: {  	_ =	shalt  }
0x7b: {  	_ =	shalt  }
0x7c: {  	_ =	shalt  }
0x7d: {  	_ =	shalt  }
0x7e: {  	_ =	shalt  }
0x7f: {  	_ =	shalt  }
0x80: {  	_ =	shalt  }
0x81: {  	_ =	shalt  }
0x82: {  	_ =	shalt  }
0x83: {  	_ =	shalt  }
0x84: {  	_ =	shalt  }
0x85: {  	_ =	shalt  }
0x86: {  	_ =	shalt  }
0x87: {  	_ =	shalt  }
.Lfunc_end0:
.L_simem_size_0:
called_computation.2_lowered:
.L_overlay_start_0:
0x88: {  	s2 =	sld [smem:$0x3FD9]  }
0x89: {  	s3 =	sld [smem:$0x3FFE];
	_ =	sdelay $0x1  }
0x8a: {  	s1 =	srdreg.scid  }
0x8b: {  	s0 =	sand.u32 $0x1, s1  }
0x8c: {  	s14 =	sshll.u32 s0, $0xA;
	s2 =	sadd.s32 s3, s2  }
0x8d: {  	s2 =	sadd.s32 s2, s14  }
0x8e: {  	[smem:$0x3FB2] =	sst s2  }
0x8f: {  	_ = 	snop  }
0x90: {  	s2 =	sld [smem:$0x3FD0];
	_ =	sdelay $0x2  }
0x91: {  	s15 =	simm.s32 $0xA;
	s4 =	simm.s32 $0x10  }
0x92: {  	[smem:s4], [sflag:s15] =	dma.local [hbm:s2], $0x1  }
0x93: {  	_ =	swait.eq [sflag:s15], $0x1  }
0x94: {  	[sflag:s15] =	ssyncset.done $0x0  }
0x95: {  	[sflag:s15] =	ssyncadd.s32 $0xFFFFFFFF  }
0x96: {  	s16 =	sld [smem:$0x10];
	(tm) =	ssettm $0x1  }
0x97: {  	s17 =	sld [smem:$0x3FFB];
	_ =	sdelay $0x3  }
0x98: {  	_ =	strace s17  }
0x99: {  	s3 =	sld [smem:$0x3FFC];
	_ =	sdelay $0x3  }
0x9a: {  	_ =	strace s3  }
0x9b: {  	s3 =	sld [smem:$0x3FFD];
	_ =	sdelay $0x3  }
0x9c: {  	_ =	strace s3  }
0x9d: {  	_ =	strace $0x8FFFFFFF  }
0x9e: {  	s18 =	sld [smem:$0x3FDB];
	_ =	sdelay $0x1  }
0x9f: {  	s19 =	simm.s32 $_scs_section_size  }
0xa0: {  	s5 =	simm.s32 $_size__tile_overlayer_lowered;
	s6 =	simm.s32 $_tile_overlayer_lowered  }
0xa1: {  	s22 =	simm.s32 $0x1BFF;
	s21 =	sshll.u32 s6, $0x1;
	s3 =	sadd.s32 s19, s18  }
0xa2: {  	s7 =	simm.s32 $0x0;
	s20 =	sshll.u32 s5, $0x1;
	s5 =	sadd.s32 s21, s3  }
0xa3: {  	[timem:s7], [sflag:s22] =	dma.local [hbm:s5], s20  }
0xa4: {  	_ =	swait.ge [sflag:s22], s20  }
0xa5: {  	s4 =	ssub.s32 $0x0, s20;
	[sflag:s22] =	ssyncset.done $0x0  }
0xa6: {  	[sflag:s22] =	ssyncadd.s32 s4;
	_ =	sdelay $0x1  }
0xa7: {  	s23 =	simm.s32 $0x1B8B  }
0xa8: {  	_ =	swait.ge [sflag:s23], $0x1  }
0xa9: {  	[sflag:s23] =	ssyncset.done $0x0  }
0xaa: {  	s25 =	simm.s32 $0x1B8E;
	s24 =	sld [smem:$0x3FFE];
	[sflag:s23] =	ssyncadd.s32 $0xFFFFFFFF  }
0xab: {  	s26 =	simm.s32 $execute0_lowered;
	[smem:$0x3FD2] =	sst s25  }
0xac: {  	s5 =	sshll.u32 s26, $0x1;
	_ =	strace $0x8000004C;
	[dreg:$0x1] =	wrdreg $0xFFFFFFFF  }
0xad: {  	s28 =	simm.s32 $_size_execute0_lowered;
	s3 =	sadd.s32 s3, s5;
	[dreg:$0x0] =	wrdreg $0x0  }
0xae: {  	s5 =	sshll.u32 s28, $0x1;
	[dreg:$0x2] =	wrdreg s3  }
0xaf: {  	[dreg:$0x3] =	wrdreg s5  }
0xb0: {  	[dreg:$0x4] =	wrdreg $0xC0  }
0xb1: {  	_ =	task [dreg:s7], $0x5FFFF  }
0xb2: {  	[dreg:$0x1] =	wrdreg $0xFFFFFFFF  }
0xb3: {  	[dreg:$0x0] =	wrdreg $0x60  }
0xb4: {  	[dreg:$0x2] =	wrdreg s16  }
0xb5: {  	[dreg:$0x3] =	wrdreg s24  }
0xb6: {  	[dreg:$0x4] =	wrdreg $0xB7800  }
0xb7: {  	[dreg:$0x5] =	wrdreg $0x9  }
0xb8: {  	_ =	task.clear_ibuf [dreg:s7], $0x6FFFF;
	_ =	strace $0x9000004C  }
0xb9: {  	s29 =	simm.s32 $0x9;
	_ =	strace $0x8000004E  }
0xba: {  	_ =	swait.ge [sflag:s29], $0x1  }
0xbb: {  	[sflag:s29] =	ssyncadd.s32 $0xFFFFFFFF  }
0xbc: {  	_ =	strace $0x9000004E  }
0xbd: {  	_ =	sfence  }
0xbe: {  	s30 =	sld [smem:$0x0];
	_ =	sdelay $0x2  }
0xbf: {  	s31 =	sshll.u32 s1, $0xD;
	s1 =	sshrl.u32 s1, $0x2  }
0xc0: {  	s3 =	sand.u32 $0x4000, s31;
	s1 =	sadd.s32 s1, s30  }
0xc1: {  	s0 =	sor.u32 s3, s0;
	s1 =	sshll.u32 s1, $0x11  }
0xc2: {  	s0 =	sor.u32 s1, s0  }
0xc3: {  	s0 =	sadd.s32 $0x8F2B, s0  }
0xc4: {  	[sflag:s0] =	ssyncadd.remote.s32 $0x1  }
0xc5: {  	_ =	sfence.sel $0xFFFF  }
0xc6: {  	[dreg:$0x0] =	wrdreg $0xFFFFFFFF;
	(pc) =	sbr.abs _section_cstart, $3  }
0xc7: {  	[dreg:$0x1] =	wrdreg $0xFFFFFFFF  }
0xc8: {  	_ =	task.clear_ibuf [dreg:s7], $0x2FFFF;
	_ =	strace $0x9FFFFFFF  }
0xc9: {  	(tm) =	ssettm $0x7FFFFFFF  }
tec
execute0_lowered:
.L_overlay_start_1:
0x0: {  	(tag) =	ssettag $0x1  }
0x1: {  	s1 =	rddreg [dreg:$0x0]  }
0x2: {  	s6 =	rddreg [dreg:$0x1]  }
0x3: {  	s0 =	srdreg.scid;
	s3 =	rddreg [dreg:$0x2]  }
0x4: {  	s4 =	simm.s32 $0x0;
	s14 =	simm.s32 $0x50;
	s15 =	simm.s32 $0x6780  }
0x5: {  	s16 =	simm.s32 $0x8F80;
	s17 =	simm.s32 $0x1;
	s18 =	simm.s32 $0x2  }
0x6: {  	s19 =	simm.s32 $0x6580;
	s5 =	sand.u32 $0x1, s0;
	s0 =	stileid.u32  }
0x7: {  	s20 =	simm.s32 $0x0;
	[smem:$0x7FF] =	sst s4;
	s9 =	smul.u32 $0x14000, s0  }
0x8: {  	s2 =	sshll.u32 s5, $0x4;
	s10 =	smul.u32 $0x140000, s5;
	s5 =	ssub.s32 $0x2, s5  }
0x9: {  	s29 =	smul.u32 $0x50000, s0;
	s31 =	sshll.u32 s0, $0x6;
	s7 =	sor.u32 s0, s2  }
0xa: {  	s2 =	rddreg [dreg:$0x3];
	_ =	strace $0x8000004D;
	s12 =	sshrl.u32 s5, $0x1  }
0xb: {  	s8 =	smul.u32 $0x4E2, s7;
	s7 =	sshll.u32 s7, $0xB;
	s28 =	sshrl.u32 s9, $0x3  }
0xc: {  	s9 =	sadd.s32 s9, s10;
	s12 =	ssub.s32 s5, s12;
	s30 =	sshrl.u32 s29, $0x2  }
0xd: {  	s11 =	sadd.s32 s7, s6;
	s7 =	sadd.s32 s28, s6;
	s9 =	sshrl.u32 s9, $0x3  }
0xe: {  	s13 =	sadd.s32 s30, s3;
	s10 =	smax.u32 s12, $0x1;
	s12 =	simm.s32 $0x3  }
0xf: {  	s8 =	sadd.s32 s8, s6;
	s9 =	sadd.s32 s9, s6;
	s5 =	sadd.s32 $0x20200, s7  }
0x10: {  	s6 =	sor.u32 $0x1C03, s31;
	s7 =	sadd.s32 $0x6400, s8;
	s8 =	sadd.s32 $0x10200, s11  }
0x11: {  	s9 =	sadd.s32 $0x6F400, s9;
	s11 =	sshrl.u32 s13, $0x3;
	s13 =	simm.s32 $0x2780  }
.LBB2_1:
0x12: {  	[spmem:s11], [sflag:s6] =	dma.local [hbm:s5], $0x2800  }
0x13: {  	_ =	swait.ge [sflag:s12], $0x2800  }
0x14: {  	[sflag:s12] =	ssyncset.done $0x0  }
0x15: {  	[sflag:s12] =	ssyncadd.s32 $0xFFFFD800  }
0x16: {  	[tilespmem:s4], [sflag:$0x3] =	stream.linear.gather [hbm4b:s7+s4], $0x2710, $0x38;
	[tilespmem:$0x1F780] =	vst v63  }
0x17: {  	_ =	swait.ge [sflag:s12], $0x2710  }
0x18: {  	[sflag:s12] =	ssyncset.done $0x0  }
0x19: {  	[sflag:s12] =	ssyncadd.s32 $0xFFFFD8F0  }
0x1a: {  	[tilespmem:s13], [sflag:$0x3] =	stream.linear.gather [hbm4b:s8+s4], $0x3E80, $0x38;
	[tilespmem:$0x1F780] =	vst v63  }
0x1b: {  	_ =	swait.ge [sflag:s12], $0x3E80  }
0x1c: {  	[sflag:s12] =	ssyncset.done $0x0  }
0x1d: {  	[sflag:s12] =	ssyncadd.s32 $0xFFFFC180  }
0x1e: {  	[bflag:$0x0] =	sbarrier.arrive $0xFFFF  }
0x1f: {  	[tilespmem:s15], [sflag:$0x1] =	stream.indirect.gather [hbm4b:s1+s14], $0x80, s4, s14, $0xb8;
	[tilespmem:$0x1F780] =	vst v63  }
0x20: {  	s21 =	simm.s32 $0x50  }
0x21: {  	[tilespmem:s16], [sflag:$0x2] =	stream.indirect.gather [hbm4b:s1+s14], $0x80, s21, s14, $0xb8;
	[tilespmem:$0x1F780] =	vst v63  }
0x22: {  	_ =	swait.ge [sflag:s17], $0x2800  }
0x23: {  	[sflag:s17] =	ssyncset.done $0x0  }
0x24: {  	s29 =	simm.s32 $0x2780;
	[sflag:s17] =	ssyncadd.s32 $0xFFFFD800  }
0x25: {  	[spmem:s3] =	stream.indirect.scatter.add.f32 [tilespmem:s15], [sflag:$0x3], $0x80, s29, s14, $0xb8;
	[tilespmem:$0x1F780] =	vst v63  }
0x26: {  	_ =	swait.ge [sflag:s12], $0x2800  }
0x27: {  	[sflag:s12] =	ssyncset.done $0x0  }
0x28: {  	s30 =	simm.s32 $0xA0;
	[sflag:s12] =	ssyncadd.s32 $0xFFFFD800  }
0x29: {  	[tilespmem:s15], [sflag:$0x1] =	stream.indirect.gather [hbm4b:s1+s14], $0x80, s30, s14, $0xb8;
	[tilespmem:$0x1F780] =	vst v63  }
0x2a: {  	_ =	swait.ge [sflag:s18], $0x2800  }
0x2b: {  	[sflag:s18] =	ssyncset.done $0x0  }
0x2c: {  	s31 =	simm.s32 $0x2800;
	[sflag:s18] =	ssyncadd.s32 $0xFFFFD800  }
0x2d: {  	[spmem:s3] =	stream.indirect.scatter.add.f32 [tilespmem:s16], [sflag:$0x3], $0x80, s31, s14, $0xb8;
	[tilespmem:$0x1F780] =	vst v63  }
0x2e: {  	s22 =	simm.s32 $0x400;
	_ =	swait.ge [sflag:s12], $0x2800  }
0x2f: {  	s23 =	simm.s32 $0x800;
	s21 =	simm.s32 $0x140;
	[sflag:s12] =	ssyncset.done $0x0  }
.LBB2_2:
0x30: {  	p0 =	sne.s32 s23, $0xF400;
	s24 =	sadd.s32 $0xFFFFFFB0, s21;
	[sflag:s12] =	ssyncadd.s32 $0xFFFFD800  }
0x31: {  	[tilespmem:s16], [sflag:$0x2] =	stream.indirect.gather [hbm4b:s1+s14], $0x80, s24, s14, $0xb8;
	[tilespmem:$0x1F780] =	vst v63  }
0x32: {  	s24 =	smov.u32 s23;
	s23 =	sadd.s32 $0x400, s23;
	_ =	swait.ge [sflag:s17], $0x2800  }
0x33: {  	s25 =	sshra.s32 s22, $0x2;
	s22 =	smov.u32 s24;
	[sflag:s17] =	ssyncset.done $0x0  }
0x34: {  	s24 =	sadd.s32 $0x2780, s25;
	[sflag:s17] =	ssyncadd.s32 $0xFFFFD800  }
0x35: {  	[spmem:s3] =	stream.indirect.scatter.add.f32 [tilespmem:s15], [sflag:$0x3], $0x80, s24, s14, $0xb8;
	[tilespmem:$0x1F780] =	vst v63  }
0x36: {  	_ =	swait.ge [sflag:s12], $0x2800  }
0x37: {  	[sflag:s12] =	ssyncset.done $0x0  }
0x38: {  	[sflag:s12] =	ssyncadd.s32 $0xFFFFD800  }
0x39: {  	[tilespmem:s15], [sflag:$0x1] =	stream.indirect.gather [hbm4b:s1+s14], $0x80, s21, s14, $0xb8;
	[tilespmem:$0x1F780] =	vst v63  }
0x3a: {  	_ =	swait.ge [sflag:s18], $0x2800  }
.Ltmp0:
0x3b: {  	[sflag:s18] =	ssyncset.done $0x0;
	(pc) =	sbr.rel @p0 .LBB2_2-.Ltmp0, $4  }
0x3c: {  	s24 =	sadd.s32 $0x2800, s25;
	[sflag:s18] =	ssyncadd.s32 $0xFFFFD800  }
0x3d: {  	[spmem:s3] =	stream.indirect.scatter.add.f32 [tilespmem:s16], [sflag:$0x3], $0x80, s24, s14, $0xb8;
	[tilespmem:$0x1F780] =	vst v63  }
0x3e: {  	_ =	swait.ge [sflag:s12], $0x2800  }
0x3f: {  	s21 =	sadd.s32 $0xA0, s21;
	[sflag:s12] =	ssyncset.done $0x0  }
0x40: {  	s23 =	sadd.s32 $0xFFFFFFB0, s21;
	[sflag:s12] =	ssyncadd.s32 $0xFFFFD800  }
0x41: {  	[tilespmem:s16], [sflag:$0x2] =	stream.indirect.gather [hbm4b:s1+s14], $0x80, s23, s14, $0xb8;
	[tilespmem:$0x1F780] =	vst v63  }
0x42: {  	_ =	swait.ge [sflag:s17], $0x2800  }
0x43: {  	s22 =	sshra.s32 s22, $0x2;
	[sflag:s17] =	ssyncset.done $0x0  }
0x44: {  	s30 =	sadd.s32 $0x2780, s22;
	[sflag:s17] =	ssyncadd.s32 $0xFFFFD800  }
0x45: {  	[spmem:s3] =	stream.indirect.scatter.add.f32 [tilespmem:s15], [sflag:$0x3], $0x80, s30, s14, $0xb8;
	[tilespmem:$0x1F780] =	vst v63  }
0x46: {  	_ =	swait.ge [sflag:s12], $0x2800  }
0x47: {  	[sflag:s12] =	ssyncset.done $0x0  }
0x48: {  	[sflag:s12] =	ssyncadd.s32 $0xFFFFD800  }
0x49: {  	[tilespmem:s15], [sflag:$0x1] =	stream.indirect.gather [hbm4b:s1+s14], $0x80, s21, s14, $0xb8;
	[tilespmem:$0x1F780] =	vst v63  }
0x4a: {  	_ =	swait.ge [sflag:s18], $0x2800  }
0x4b: {  	[sflag:s18] =	ssyncset.done $0x0  }
0x4c: {  	s31 =	sadd.s32 $0x2800, s22;
	[sflag:s18] =	ssyncadd.s32 $0xFFFFD800  }
0x4d: {  	[spmem:s3] =	stream.indirect.scatter.add.f32 [tilespmem:s16], [sflag:$0x3], $0x80, s31, s14, $0xb8;
	[tilespmem:$0x1F780] =	vst v63  }
0x4e: {  	_ =	swait.ge [sflag:s12], $0x2800  }
0x4f: {  	[sflag:s12] =	ssyncset.done $0x0  }
0x50: {  	[sflag:s12] =	ssyncadd.s32 $0xFFFFD800  }
0x51: {  	_ =	swait.ge [sflag:s17], $0x2800  }
0x52: {  	[sflag:s17] =	ssyncset.done $0x0  }
0x53: {  	[sflag:s17] =	ssyncadd.s32 $0xFFFFD800  }
0x54: {  	[spmem:s3] =	stream.indirect.scatter.add.f32 [tilespmem:s15], [sflag:$0x3], $0x80, s19, s14, $0xb8;
	[tilespmem:$0x1F780] =	vst v63  }
0x55: {  	_ =	swait.ge [sflag:s12], $0x2800  }
0x56: {  	s20 =	sadd.s32 $0x1, s20;
	[sflag:s12] =	ssyncset.done $0x0  }
0x57: {  	p0 =	sne.s32 s20, s10;
	[sflag:s12] =	ssyncadd.s32 $0xFFFFD800  }
.Ltmp1:
0x58: {  	[bflag:$0x0] =	sbarrier.arrive $0xFFFF;
	(pc) =	sbr.rel @p0 .LBB2_1-.Ltmp1, $4  }
0x59: {  	[hbm:s9], [sflag:s6] =	dma.local [spmem:s11], $0x2800  }
0x5a: {  	_ =	swait.ge [sflag:s12], $0x2800  }
0x5b: {  	[sflag:s12] =	ssyncset.done $0x0  }
0x5c: {  	[sflag:s12] =	ssyncadd.s32 $0xFFFFD800  }
0x5d: {  	_ =	sfence.sel $0x180000  }
0x5e: {  	[bflag:$0x0] =	sbarrier.arrive $0xFFFF  }
0x5f: {  	p0 =	sne.s32 s0, $0x0;
	_ =	strace $0x9000004D  }
0x60: {  	s0 =	sadd.s32 @!p0 $0x100000, s2;
	[bflag:$0x2] =	sbarrier.arrive $0xFFFF  }
0x61: {  	[sflag:s0] =	ssyncadd.tile.s32 @!p0 $0x1;
	_ =	shalt  }
.Lfunc_end2:
_tile_overlayer_lowered:
.L_overlay_start_2:
0x62: {  	(tag) =	ssettag $0x2  }
0x63: {  	s0 =	rddreg [dreg:$0x0];
	s2 =	stileid.u32  }
0x64: {  	s1 =	rddreg [dreg:$0x1];
	p0 =	sne.s32 s2, $0x0  }
0x65: {  	s3 =	rddreg [dreg:$0x2];
	[bflag:$0x3] =	sbarrier.arrive $0xFFFF;
	s2 =	simm.s32 @!p0 $0x1C03  }
0x66: {  	[timem:s3], [sflag:s2] =	dma.local @!p0 [hbm:s0], s1  }
0x67: {  	s0 =	simm.s32 @!p0 $0x3  }
0x68: {  	_ =	swait.ge @!p0 [sflag:s0], s1  }
0x69: {  	s1 =	ssub.s32 @!p0 $0x0, s1;
	[sflag:s0] =	ssyncset.done @!p0 $0x0  }
0x6a: {  	[sflag:s0] =	ssyncadd.s32 @!p0 s1  }
0x6b: {  	[bflag:$0x3] =	sbarrier.arrive $0xFFFF  }
0x6c: {  	_ =	shalt  }

// kernel: kernel.22.cloned.1.call-start
scs
__scs_entry_jumppad:
0x0: {  	(pc) =	sbr.rel $0x88, $3  }
0x1: {  	(tag) =	ssettag $0x0;
	lr =	simm.s32 $0x1  }
0x2: {  	[smem:$0x3F8B] =	sst lr;
	_ =	strace $0xD0000000  }
0x3: {  	_ = 	snop  }
0x4: {  	_ = 	snop  }
0x5: {  	_ = 	snop  }
0x6: {  	_ = 	snop  }
0x7: {  	_ = 	snop  }
__scs_overlays_trampoline_lowered:
0x8: {  	[smem:$0x3F9A] =	sst s0  }
0x9: {  	[smem:$0x3F9B] =	sst s1  }
0xa: {  	[smem:$0x3F9C] =	sst s2  }
0xb: {  	[smem:$0x3F9D] =	sst s3  }
0xc: {  	[smem:$0x3F9E] =	sst s4  }
0xd: {  	[smem:$0x3F9F] =	sst s5  }
0xe: {  	[smem:$0x3FA0] =	sst s6  }
0xf: {  	[smem:$0x3FA1] =	sst s7  }
0x10: {  	[smem:$0x3FA2] =	sst s8  }
0x11: {  	[smem:$0x3FA3] =	sst s9;
	s0 =	simm.s32 @!p0 $0x0  }
0x12: {  	s1 =	sld [smem:$0x3F89];
	s0 =	simm.s32 @p0 $0x1  }
0x13: {  	[smem:$0x3FA4] =	sst s0;
	s0 =	simm.s32 @!p1 $0x0  }
0x14: {  	s2 =	sld [smem:$0x3F88];
	s0 =	simm.s32 @p1 $0x1  }
0x15: {  	[smem:$0x3FA5] =	sst s0;
	s0 =	simm.s32 @!p2 $0x0  }
0x16: {  	s3 =	sld [smem:$0x3FDB];
	s0 =	simm.s32 @p2 $0x1  }
0x17: {  	s4 =	simm.s32 $0x1BF5;
	[smem:$0x3FA7] =	sst s0  }
0x18: {  	s0 =	sld [smem:$0x3F8A];
	_ =	swait.ge [sflag:s4], $0x0  }
0x19: {  	s7 =	sld [smem:$0x3F8B]  }
0x1a: {  	s8 =	sadd.s32 $0xFFFFE003, lr  }
0x1b: {  	s9 =	sadd.s32 $0xFFFFFEF7, lr;
	s5 =	simm.s32 $0xFFFFFFFF;
	p2 =	slt.u32 s8, $0xFFFFF086  }
0x1c: {  	p1 =	slt.u32 s9, $0xF7A;
	s5 =	simm.s32 @!p2 $0x0  }
0x1d: {  	s5 =	simm.s32 @p1 $0x1;
	p0 =	seq.s32 s7, s2  }
0x1e: {  	s7 =	smul.u32 @!p0 $0xF7A, s2;
	p2 =	seq.s32 @!p0 s5, $0x0  }
0x1f: {  	s9 =	smul.u32 $0xF7A, s1;
	s8 =	simm.s32 @!p0 $0x1BF5;
	p2 =	por !p2, p0  }
0x20: {  	[sflag:s8] =	ssyncset.s32 @!p0 $0xFFFFF086;
	s6 =	sadd.s32 @!p0 s3, s7;
	s7 =	simm.s32 @!p0 $0x108  }
0x21: {  	s3 =	sadd.s32 s3, s9;
	s6 =	sadd.s32 @!p0 $0x88, s6;
	s7 =	simm.s32 @p2 $0x1082  }
0x22: {  	[simem:s7], [sflag:s8] =	dma.local @!p0 [hbm:s6], $0xF7A  }
0x23: {  	s9 =	sor.u32 $0xD0000000, s2;
	s6 =	simm.s32 $0x108;
	_ =	swait.ge @!p0 [sflag:s8], $0x0  }
0x24: {  	s3 =	sadd.s32 $0x88, s3;
	s6 =	simm.s32 @!p1 $0x1082;
	[sflag:s4] =	ssyncset.s32 $0xFFFFF086  }
0x25: {  	[simem:s6], [sflag:s4] =	dma.local [hbm:s3], $0xF7A  }
0x26: {  	[smem:$0x3F8B] =	sst s1;
	(tag) =	ssettag s2;
	_ =	strace s9  }
0x27: {  	s1 =	sld [smem:$0x3F9B]  }
0x28: {  	s2 =	sld [smem:$0x3F9C]  }
0x29: {  	s4 =	sld [smem:$0x3F9E]  }
0x2a: {  	p0 =	seq.s32 s5, $0x0;
	s5 =	sld [smem:$0x3F9F]  }
0x2b: {  	s6 =	sld [smem:$0x3FA0]  }
0x2c: {  	s7 =	sld [smem:$0x3FA1]  }
0x2d: {  	s3 =	simm.s32 $0x108;
	s8 =	sld [smem:$0x3FA2]  }
0x2e: {  	s3 =	simm.s32 @!p0 $0x1082;
	s9 =	sld [smem:$0x3FA3]  }
0x2f: {  	lr =	sadd.s32 s0, s3;
	s0 =	sld [smem:$0x3F9A]  }
0x30: {  	s3 =	sld [smem:$0x3F9D]  }
0x31: {  	[smem:$0x3FA6] =	sst s10  }
0x32: {  	s10 =	sld [smem:$0x3FA4];
	_ =	sdelay $0x3  }
0x33: {  	p0 =	seq.s32 s10, $0x1;
	s10 =	sld [smem:$0x3FA6];
	_ =	sdelay $0x3  }
0x34: {  	[smem:$0x3FA6] =	sst s10  }
0x35: {  	s10 =	sld [smem:$0x3FA5];
	_ =	sdelay $0x3  }
0x36: {  	p1 =	seq.s32 s10, $0x1;
	s10 =	sld [smem:$0x3FA6];
	_ =	sdelay $0x3  }
0x37: {  	[smem:$0x3FA6] =	sst s10  }
0x38: {  	s10 =	sld [smem:$0x3FA7]  }
0x39: {  	_ = 	snop;
	(pc) =	sbr.ind lr, $3  }
0x3a: {  	_ = 	snop  }
0x3b: {  	_ = 	snop  }
0x3c: {  	p2 =	seq.s32 s10, $0x1;
	s10 =	sld [smem:$0x3FA6]  }
0x3d: {  	_ =	shalt  }
0x3e: {  	_ =	shalt  }
0x3f: {  	_ =	shalt  }
0x40: {  	_ =	shalt  }
0x41: {  	_ =	shalt  }
0x42: {  	_ =	shalt  }
0x43: {  	_ =	shalt  }
0x44: {  	_ =	shalt  }
0x45: {  	_ =	shalt  }
0x46: {  	_ =	shalt  }
0x47: {  	_ =	shalt  }
0x48: {  	_ =	shalt  }
0x49: {  	_ =	shalt  }
0x4a: {  	_ =	shalt  }
0x4b: {  	_ =	shalt  }
0x4c: {  	_ =	shalt  }
0x4d: {  	_ =	shalt  }
0x4e: {  	_ =	shalt  }
0x4f: {  	_ =	shalt  }
0x50: {  	_ =	shalt  }
0x51: {  	_ =	shalt  }
0x52: {  	_ =	shalt  }
0x53: {  	_ =	shalt  }
0x54: {  	_ =	shalt  }
0x55: {  	_ =	shalt  }
0x56: {  	_ =	shalt  }
0x57: {  	_ =	shalt  }
0x58: {  	_ =	shalt  }
0x59: {  	_ =	shalt  }
0x5a: {  	_ =	shalt  }
0x5b: {  	_ =	shalt  }
0x5c: {  	_ =	shalt  }
0x5d: {  	_ =	shalt  }
0x5e: {  	_ =	shalt  }
0x5f: {  	_ =	shalt  }
0x60: {  	_ =	shalt  }
0x61: {  	_ =	shalt  }
0x62: {  	_ =	shalt  }
0x63: {  	_ =	shalt  }
0x64: {  	_ =	shalt  }
0x65: {  	_ =	shalt  }
0x66: {  	_ =	shalt  }
0x67: {  	_ =	shalt  }
0x68: {  	_ =	shalt  }
0x69: {  	_ =	shalt  }
0x6a: {  	_ =	shalt  }
0x6b: {  	_ =	shalt  }
0x6c: {  	_ =	shalt  }
0x6d: {  	_ =	shalt  }
0x6e: {  	_ =	shalt  }
0x6f: {  	_ =	shalt  }
0x70: {  	_ =	shalt  }
0x71: {  	_ =	shalt  }
0x72: {  	_ =	shalt  }
0x73: {  	_ =	shalt  }
0x74: {  	_ =	shalt  }
0x75: {  	_ =	shalt  }
0x76: {  	_ =	shalt  }
0x77: {  	_ =	shalt  }
0x78: {  	_ =	shalt  }
0x79: {  	_ =	shalt  }
0x7a: {  	_ =	shalt  }
0x7b: {  	_ =	shalt  }
0x7c: {  	_ =	shalt  }
0x7d: {  	_ =	shalt  }
0x7e: {  	_ =	shalt  }
0x7f: {  	_ =	shalt  }
0x80: {  	_ =	shalt  }
0x81: {  	_ =	shalt  }
0x82: {  	_ =	shalt  }
0x83: {  	_ =	shalt  }
0x84: {  	_ =	shalt  }
0x85: {  	_ =	shalt  }
0x86: {  	_ =	shalt  }
0x87: {  	_ =	shalt  }
.Lfunc_end0:
.L_simem_size_0:
called_computation.3_lowered:
.L_overlay_start_0:
0x88: {  	s2 =	sld [smem:$0x3FD9]  }
0x89: {  	s3 =	sld [smem:$0x3FFE];
	_ =	sdelay $0x1  }
0x8a: {  	s1 =	srdreg.scid  }
0x8b: {  	s0 =	sand.u32 $0x1, s1  }
0x8c: {  	s14 =	sshll.u32 s0, $0xA;
	s2 =	sadd.s32 s3, s2  }
0x8d: {  	s2 =	sadd.s32 s2, s14  }
0x8e: {  	[smem:$0x3FB2] =	sst s2  }
0x8f: {  	_ = 	snop  }
0x90: {  	s2 =	sld [smem:$0x3FD0];
	_ =	sdelay $0x2  }
0x91: {  	s15 =	simm.s32 $0xA;
	s4 =	simm.s32 $0x10  }
0x92: {  	[smem:s4], [sflag:s15] =	dma.local [hbm:s2], $0x1  }
0x93: {  	_ =	swait.eq [sflag:s15], $0x1  }
0x94: {  	[sflag:s15] =	ssyncset.done $0x0  }
0x95: {  	[sflag:s15] =	ssyncadd.s32 $0xFFFFFFFF  }
0x96: {  	s16 =	sld [smem:$0x10];
	(tm) =	ssettm $0x1  }
0x97: {  	s17 =	sld [smem:$0x3FFB];
	_ =	sdelay $0x3  }
0x98: {  	_ =	strace s17  }
0x99: {  	s3 =	sld [smem:$0x3FFC];
	_ =	sdelay $0x3  }
0x9a: {  	_ =	strace s3  }
0x9b: {  	s3 =	sld [smem:$0x3FFD];
	_ =	sdelay $0x3  }
0x9c: {  	_ =	strace s3  }
0x9d: {  	_ =	strace $0x8FFFFFFF  }
0x9e: {  	s18 =	sld [smem:$0x3FDB];
	_ =	sdelay $0x1  }
0x9f: {  	s19 =	simm.s32 $_scs_section_size  }
0xa0: {  	s5 =	simm.s32 $_size__tile_overlayer_lowered;
	s6 =	simm.s32 $_tile_overlayer_lowered  }
0xa1: {  	s22 =	simm.s32 $0x1BFF;
	s21 =	sshll.u32 s6, $0x1;
	s3 =	sadd.s32 s19, s18  }
0xa2: {  	s7 =	simm.s32 $0x0;
	s20 =	sshll.u32 s5, $0x1;
	s5 =	sadd.s32 s21, s3  }
0xa3: {  	[timem:s7], [sflag:s22] =	dma.local [hbm:s5], s20  }
0xa4: {  	_ =	swait.ge [sflag:s22], s20  }
0xa5: {  	s4 =	ssub.s32 $0x0, s20;
	[sflag:s22] =	ssyncset.done $0x0  }
0xa6: {  	[sflag:s22] =	ssyncadd.s32 s4;
	_ =	sdelay $0x1  }
0xa7: {  	s23 =	simm.s32 $0x1B8B  }
0xa8: {  	_ =	swait.ge [sflag:s23], $0x1  }
0xa9: {  	[sflag:s23] =	ssyncset.done $0x0  }
0xaa: {  	s25 =	simm.s32 $0x1B8E;
	s24 =	sld [smem:$0x3FFE];
	[sflag:s23] =	ssyncadd.s32 $0xFFFFFFFF  }
0xab: {  	s26 =	simm.s32 $execute0_lowered;
	[smem:$0x3FD2] =	sst s25  }
0xac: {  	s5 =	sshll.u32 s26, $0x1;
	_ =	strace $0x8000004F;
	[dreg:$0x1] =	wrdreg $0xFFFFFFFF  }
0xad: {  	s28 =	simm.s32 $_size_execute0_lowered;
	s3 =	sadd.s32 s3, s5;
	[dreg:$0x0] =	wrdreg $0x0  }
0xae: {  	s5 =	sshll.u32 s28, $0x1;
	[dreg:$0x2] =	wrdreg s3  }
0xaf: {  	[dreg:$0x3] =	wrdreg s5  }
0xb0: {  	[dreg:$0x4] =	wrdreg $0xC0  }
0xb1: {  	_ =	task [dreg:s7], $0x5FFFF  }
0xb2: {  	[dreg:$0x1] =	wrdreg $0xFFFFFFFF  }
0xb3: {  	[dreg:$0x0] =	wrdreg $0x60  }
0xb4: {  	[dreg:$0x2] =	wrdreg s16  }
0xb5: {  	[dreg:$0x3] =	wrdreg s24  }
0xb6: {  	[dreg:$0x4] =	wrdreg $0xB7800  }
0xb7: {  	[dreg:$0x5] =	wrdreg $0x9  }
0xb8: {  	_ =	task.clear_ibuf [dreg:s7], $0x6FFFF;
	_ =	strace $0x9000004F  }
0xb9: {  	s29 =	simm.s32 $0x9;
	_ =	strace $0x80000051  }
0xba: {  	_ =	swait.ge [sflag:s29], $0x1  }
0xbb: {  	[sflag:s29] =	ssyncadd.s32 $0xFFFFFFFF  }
0xbc: {  	_ =	strace $0x90000051  }
0xbd: {  	_ =	sfence  }
0xbe: {  	s30 =	sld [smem:$0x0];
	_ =	sdelay $0x2  }
0xbf: {  	s31 =	sshll.u32 s1, $0xD;
	s1 =	sshrl.u32 s1, $0x2  }
0xc0: {  	s3 =	sand.u32 $0x4000, s31;
	s1 =	sadd.s32 s1, s30  }
0xc1: {  	s0 =	sor.u32 s3, s0;
	s1 =	sshll.u32 s1, $0x11  }
0xc2: {  	s0 =	sor.u32 s1, s0  }
0xc3: {  	s0 =	sadd.s32 $0x8F2B, s0  }
0xc4: {  	[sflag:s0] =	ssyncadd.remote.s32 $0x1  }
0xc5: {  	_ =	sfence.sel $0xFFFF  }
0xc6: {  	[dreg:$0x0] =	wrdreg $0xFFFFFFFF;
	(pc) =	sbr.abs _section_cstart, $3  }
0xc7: {  	[dreg:$0x1] =	wrdreg $0xFFFFFFFF  }
0xc8: {  	_ =	task.clear_ibuf [dreg:s7], $0x2FFFF;
	_ =	strace $0x9FFFFFFF  }
0xc9: {  	(tm) =	ssettm $0x7FFFFFFF  }
tec
execute0_lowered:
.L_overlay_start_1:
0x0: {  	(tag) =	ssettag $0x1  }
0x1: {  	s1 =	rddreg [dreg:$0x0]  }
0x2: {  	s6 =	rddreg [dreg:$0x1]  }
0x3: {  	s0 =	srdreg.scid;
	s3 =	rddreg [dreg:$0x2]  }
0x4: {  	s4 =	simm.s32 $0x0;
	s14 =	simm.s32 $0x50;
	s15 =	simm.s32 $0x6780  }
0x5: {  	s16 =	simm.s32 $0x8F80;
	s17 =	simm.s32 $0x1;
	s18 =	simm.s32 $0x2  }
0x6: {  	s19 =	simm.s32 $0x6580;
	s5 =	sand.u32 $0x1, s0;
	s0 =	stileid.u32  }
0x7: {  	s20 =	simm.s32 $0x0;
	[smem:$0x7FF] =	sst s4;
	s9 =	smul.u32 $0x14000, s0  }
0x8: {  	s2 =	sshll.u32 s5, $0x4;
	s10 =	smul.u32 $0x140000, s5;
	s5 =	ssub.s32 $0x2, s5  }
0x9: {  	s29 =	smul.u32 $0x50000, s0;
	s31 =	sshll.u32 s0, $0x6;
	s7 =	sor.u32 s0, s2  }
0xa: {  	s2 =	rddreg [dreg:$0x3];
	_ =	strace $0x80000050;
	s12 =	sshrl.u32 s5, $0x1  }
0xb: {  	s8 =	smul.u32 $0x4E2, s7;
	s7 =	sshll.u32 s7, $0xB;
	s28 =	sshrl.u32 s9, $0x3  }
0xc: {  	s9 =	sadd.s32 s9, s10;
	s12 =	ssub.s32 s5, s12;
	s30 =	sshrl.u32 s29, $0x2  }
0xd: {  	s11 =	sadd.s32 s7, s6;
	s7 =	sadd.s32 s28, s6;
	s9 =	sshrl.u32 s9, $0x3  }
0xe: {  	s13 =	sadd.s32 s30, s3;
	s10 =	smax.u32 s12, $0x1;
	s12 =	simm.s32 $0x3  }
0xf: {  	s8 =	sadd.s32 s8, s6;
	s9 =	sadd.s32 s9, s6;
	s5 =	sadd.s32 $0x20200, s7  }
0x10: {  	s6 =	sor.u32 $0x1C03, s31;
	s7 =	sadd.s32 $0x6400, s8;
	s8 =	sadd.s32 $0x10200, s11  }
0x11: {  	s9 =	sadd.s32 $0x6F400, s9;
	s11 =	sshrl.u32 s13, $0x3;
	s13 =	simm.s32 $0x2780  }
.LBB2_1:
0x12: {  	[spmem:s11], [sflag:s6] =	dma.local [hbm:s5], $0x2800  }
0x13: {  	_ =	swait.ge [sflag:s12], $0x2800  }
0x14: {  	[sflag:s12] =	ssyncset.done $0x0  }
0x15: {  	[sflag:s12] =	ssyncadd.s32 $0xFFFFD800  }
0x16: {  	[tilespmem:s4], [sflag:$0x3] =	stream.linear.gather [hbm4b:s7+s4], $0x2710, $0x38;
	[tilespmem:$0x1F780] =	vst v63  }
0x17: {  	_ =	swait.ge [sflag:s12], $0x2710  }
0x18: {  	[sflag:s12] =	ssyncset.done $0x0  }
0x19: {  	[sflag:s12] =	ssyncadd.s32 $0xFFFFD8F0  }
0x1a: {  	[tilespmem:s13], [sflag:$0x3] =	stream.linear.gather [hbm4b:s8+s4], $0x3E80, $0x38;
	[tilespmem:$0x1F780] =	vst v63  }
0x1b: {  	_ =	swait.ge [sflag:s12], $0x3E80  }
0x1c: {  	[sflag:s12] =	ssyncset.done $0x0  }
0x1d: {  	[sflag:s12] =	ssyncadd.s32 $0xFFFFC180  }
0x1e: {  	[bflag:$0x0] =	sbarrier.arrive $0xFFFF  }
0x1f: {  	[tilespmem:s15], [sflag:$0x1] =	stream.indirect.gather [hbm4b:s1+s14], $0x80, s4, s14, $0xb8;
	[tilespmem:$0x1F780] =	vst v63  }
0x20: {  	s21 =	simm.s32 $0x50  }
0x21: {  	[tilespmem:s16], [sflag:$0x2] =	stream.indirect.gather [hbm4b:s1+s14], $0x80, s21, s14, $0xb8;
	[tilespmem:$0x1F780] =	vst v63  }
0x22: {  	_ =	swait.ge [sflag:s17], $0x2800  }
0x23: {  	[sflag:s17] =	ssyncset.done $0x0  }
0x24: {  	s29 =	simm.s32 $0x2780;
	[sflag:s17] =	ssyncadd.s32 $0xFFFFD800  }
0x25: {  	[spmem:s3] =	stream.indirect.scatter.add.f32 [tilespmem:s15], [sflag:$0x3], $0x80, s29, s14, $0xb8;
	[tilespmem:$0x1F780] =	vst v63  }
0x26: {  	_ =	swait.ge [sflag:s12], $0x2800  }
0x27: {  	[sflag:s12] =	ssyncset.done $0x0  }
0x28: {  	s30 =	simm.s32 $0xA0;
	[sflag:s12] =	ssyncadd.s32 $0xFFFFD800  }
0x29: {  	[tilespmem:s15], [sflag:$0x1] =	stream.indirect.gather [hbm4b:s1+s14], $0x80, s30, s14, $0xb8;
	[tilespmem:$0x1F780] =	vst v63  }
0x2a: {  	_ =	swait.ge [sflag:s18], $0x2800  }
0x2b: {  	[sflag:s18] =	ssyncset.done $0x0  }
0x2c: {  	s31 =	simm.s32 $0x2800;
	[sflag:s18] =	ssyncadd.s32 $0xFFFFD800  }
0x2d: {  	[spmem:s3] =	stream.indirect.scatter.add.f32 [tilespmem:s16], [sflag:$0x3], $0x80, s31, s14, $0xb8;
	[tilespmem:$0x1F780] =	vst v63  }
0x2e: {  	s22 =	simm.s32 $0x400;
	_ =	swait.ge [sflag:s12], $0x2800  }
0x2f: {  	s23 =	simm.s32 $0x800;
	s21 =	simm.s32 $0x140;
	[sflag:s12] =	ssyncset.done $0x0  }
.LBB2_2:
0x30: {  	p0 =	sne.s32 s23, $0xF400;
	s24 =	sadd.s32 $0xFFFFFFB0, s21;
	[sflag:s12] =	ssyncadd.s32 $0xFFFFD800  }
0x31: {  	[tilespmem:s16], [sflag:$0x2] =	stream.indirect.gather [hbm4b:s1+s14], $0x80, s24, s14, $0xb8;
	[tilespmem:$0x1F780] =	vst v63  }
0x32: {  	s24 =	smov.u32 s23;
	s23 =	sadd.s32 $0x400, s23;
	_ =	swait.ge [sflag:s17], $0x2800  }
0x33: {  	s25 =	sshra.s32 s22, $0x2;
	s22 =	smov.u32 s24;
	[sflag:s17] =	ssyncset.done $0x0  }
0x34: {  	s24 =	sadd.s32 $0x2780, s25;
	[sflag:s17] =	ssyncadd.s32 $0xFFFFD800  }
0x35: {  	[spmem:s3] =	stream.indirect.scatter.add.f32 [tilespmem:s15], [sflag:$0x3], $0x80, s24, s14, $0xb8;
	[tilespmem:$0x1F780] =	vst v63  }
0x36: {  	_ =	swait.ge [sflag:s12], $0x2800  }
0x37: {  	[sflag:s12] =	ssyncset.done $0x0  }
0x38: {  	[sflag:s12] =	ssyncadd.s32 $0xFFFFD800  }
0x39: {  	[tilespmem:s15], [sflag:$0x1] =	stream.indirect.gather [hbm4b:s1+s14], $0x80, s21, s14, $0xb8;
	[tilespmem:$0x1F780] =	vst v63  }
0x3a: {  	_ =	swait.ge [sflag:s18], $0x2800  }
.Ltmp0:
0x3b: {  	[sflag:s18] =	ssyncset.done $0x0;
	(pc) =	sbr.rel @p0 .LBB2_2-.Ltmp0, $4  }
0x3c: {  	s24 =	sadd.s32 $0x2800, s25;
	[sflag:s18] =	ssyncadd.s32 $0xFFFFD800  }
0x3d: {  	[spmem:s3] =	stream.indirect.scatter.add.f32 [tilespmem:s16], [sflag:$0x3], $0x80, s24, s14, $0xb8;
	[tilespmem:$0x1F780] =	vst v63  }
0x3e: {  	_ =	swait.ge [sflag:s12], $0x2800  }
0x3f: {  	s21 =	sadd.s32 $0xA0, s21;
	[sflag:s12] =	ssyncset.done $0x0  }
0x40: {  	s23 =	sadd.s32 $0xFFFFFFB0, s21;
	[sflag:s12] =	ssyncadd.s32 $0xFFFFD800  }
0x41: {  	[tilespmem:s16], [sflag:$0x2] =	stream.indirect.gather [hbm4b:s1+s14], $0x80, s23, s14, $0xb8;
	[tilespmem:$0x1F780] =	vst v63  }
0x42: {  	_ =	swait.ge [sflag:s17], $0x2800  }
0x43: {  	s22 =	sshra.s32 s22, $0x2;
	[sflag:s17] =	ssyncset.done $0x0  }
0x44: {  	s30 =	sadd.s32 $0x2780, s22;
	[sflag:s17] =	ssyncadd.s32 $0xFFFFD800  }
0x45: {  	[spmem:s3] =	stream.indirect.scatter.add.f32 [tilespmem:s15], [sflag:$0x3], $0x80, s30, s14, $0xb8;
	[tilespmem:$0x1F780] =	vst v63  }
0x46: {  	_ =	swait.ge [sflag:s12], $0x2800  }
0x47: {  	[sflag:s12] =	ssyncset.done $0x0  }
0x48: {  	[sflag:s12] =	ssyncadd.s32 $0xFFFFD800  }
0x49: {  	[tilespmem:s15], [sflag:$0x1] =	stream.indirect.gather [hbm4b:s1+s14], $0x80, s21, s14, $0xb8;
	[tilespmem:$0x1F780] =	vst v63  }
0x4a: {  	_ =	swait.ge [sflag:s18], $0x2800  }
0x4b: {  	[sflag:s18] =	ssyncset.done $0x0  }
0x4c: {  	s31 =	sadd.s32 $0x2800, s22;
	[sflag:s18] =	ssyncadd.s32 $0xFFFFD800  }
0x4d: {  	[spmem:s3] =	stream.indirect.scatter.add.f32 [tilespmem:s16], [sflag:$0x3], $0x80, s31, s14, $0xb8;
	[tilespmem:$0x1F780] =	vst v63  }
0x4e: {  	_ =	swait.ge [sflag:s12], $0x2800  }
0x4f: {  	[sflag:s12] =	ssyncset.done $0x0  }
0x50: {  	[sflag:s12] =	ssyncadd.s32 $0xFFFFD800  }
0x51: {  	_ =	swait.ge [sflag:s17], $0x2800  }
0x52: {  	[sflag:s17] =	ssyncset.done $0x0  }
0x53: {  	[sflag:s17] =	ssyncadd.s32 $0xFFFFD800  }
0x54: {  	[spmem:s3] =	stream.indirect.scatter.add.f32 [tilespmem:s15], [sflag:$0x3], $0x80, s19, s14, $0xb8;
	[tilespmem:$0x1F780] =	vst v63  }
0x55: {  	_ =	swait.ge [sflag:s12], $0x2800  }
0x56: {  	s20 =	sadd.s32 $0x1, s20;
	[sflag:s12] =	ssyncset.done $0x0  }
0x57: {  	p0 =	sne.s32 s20, s10;
	[sflag:s12] =	ssyncadd.s32 $0xFFFFD800  }
.Ltmp1:
0x58: {  	[bflag:$0x0] =	sbarrier.arrive $0xFFFF;
	(pc) =	sbr.rel @p0 .LBB2_1-.Ltmp1, $4  }
0x59: {  	[hbm:s9], [sflag:s6] =	dma.local [spmem:s11], $0x2800  }
0x5a: {  	_ =	swait.ge [sflag:s12], $0x2800  }
0x5b: {  	[sflag:s12] =	ssyncset.done $0x0  }
0x5c: {  	[sflag:s12] =	ssyncadd.s32 $0xFFFFD800  }
0x5d: {  	_ =	sfence.sel $0x180000  }
0x5e: {  	[bflag:$0x0] =	sbarrier.arrive $0xFFFF  }
0x5f: {  	p0 =	sne.s32 s0, $0x0;
	_ =	strace $0x90000050  }
0x60: {  	s0 =	sadd.s32 @!p0 $0x100000, s2;
	[bflag:$0x2] =	sbarrier.arrive $0xFFFF  }
0x61: {  	[sflag:s0] =	ssyncadd.tile.s32 @!p0 $0x1;
	_ =	shalt  }
.Lfunc_end2:
_tile_overlayer_lowered:
.L_overlay_start_2:
0x62: {  	(tag) =	ssettag $0x2  }
0x63: {  	s0 =	rddreg [dreg:$0x0];
	s2 =	stileid.u32  }
0x64: {  	s1 =	rddreg [dreg:$0x1];
	p0 =	sne.s32 s2, $0x0  }
0x65: {  	s3 =	rddreg [dreg:$0x2];
	[bflag:$0x3] =	sbarrier.arrive $0xFFFF;
	s2 =	simm.s32 @!p0 $0x1C03  }
0x66: {  	[timem:s3], [sflag:s2] =	dma.local @!p0 [hbm:s0], s1  }
0x67: {  	s0 =	simm.s32 @!p0 $0x3  }
0x68: {  	_ =	swait.ge @!p0 [sflag:s0], s1  }
0x69: {  	s1 =	ssub.s32 @!p0 $0x0, s1;
	[sflag:s0] =	ssyncset.done @!p0 $0x0  }
0x6a: {  	[sflag:s0] =	ssyncadd.s32 @!p0 s1  }
0x6b: {  	[bflag:$0x3] =	sbarrier.arrive $0xFFFF  }
0x6c: {  	_ =	shalt  }

</sc_bundles>
